<compile_context>
chip_gen: v7x
topology: tpu7x:2x2x1
jax: 0.10.2.dev20260603
libtpu: 0.0.44.dev20260713+nightly
codegen_flags: <defaults>
</compile_context>

<pallas_src>
import functools

import jax
import jax.numpy as jnp
from jax import lax
from jax.experimental import pallas as pl
from jax.experimental.pallas import tpu as pltpu
from jax.experimental.pallas import tpu_sc as plsc

_VOCAB = 100000
_D = 128
_B = 1024
_L = 200

_NC = 2
_NS = 16
_NW = _NC * _NS
_ROWS_PER_W = _B // _NW
_NVEC = _D // 16
_UNROLL = 10


def _sc_embedding_bag(token_ids, W, b):
    mesh = plsc.VectorSubcoreMesh(core_axis_name="c", subcore_axis_name="s")

    @functools.partial(
        pl.kernel,
        out_type=(
            jax.ShapeDtypeStruct((_B, _D), jnp.float32),
            jax.ShapeDtypeStruct((_B,), jnp.int32),
        ),
        mesh=mesh,
        compiler_params=pltpu.CompilerParams(needs_layout_passes=False, skip_device_barrier=True),
        scratch_types=[
            pltpu.VMEM((_ROWS_PER_W * _L,), jnp.int32),
            pltpu.VMEM((_L, _D), jnp.float32),
            pltpu.VMEM((_L, _D), jnp.float32),
            pltpu.VMEM((_L, _D), jnp.float32),
            pltpu.VMEM((_L, _D), jnp.float32),
            pltpu.VMEM((_ROWS_PER_W, _D), jnp.float32),
            pltpu.VMEM((_D,), jnp.float32),
            pltpu.VMEM((_ROWS_PER_W,), jnp.int32),
            pltpu.SemaphoreType.DMA,
            pltpu.SemaphoreType.DMA,
            pltpu.SemaphoreType.DMA,
            pltpu.SemaphoreType.DMA,
        ],
    )
    def k(tok_hbm, w_hbm, b_hbm, feat_hbm, nz_hbm,
          tok_v, buf0_v, buf1_v, buf2_v, buf3_v, out_v, b_v, nz_v,
          sem0, sem1, sem2, sem3):
        wid = lax.axis_index("s") * _NC + lax.axis_index("c")
        base = wid * _ROWS_PER_W
        pltpu.sync_copy(tok_hbm.at[pl.ds(base * _L, _ROWS_PER_W * _L)], tok_v)
        pltpu.sync_copy(b_hbm, b_v)
        bias = [b_v[pl.ds(d * 16, 16)] for d in range(_NVEC)]
        zi = jnp.zeros((16,), jnp.int32)
        for g in range(_ROWS_PER_W // 16):
            nz_v[pl.ds(g * 16, 16)] = zi

        bufs = (buf0_v, buf1_v, buf2_v, buf3_v)
        sems = (sem0, sem1, sem2, sem3)
        _NBUF = 4

        def gather(j, buf, sem):
            return pltpu.make_async_copy(
                w_hbm.at[tok_v.at[pl.ds(j * _L, _L)]], buf, sem)

        for bi in range(_NBUF):
            gather(bi, bufs[bi], sems[bi]).start()

        def pair_body(g, carry):
            for bi in range(_NBUF):
                j = _NBUF * g + bi
                buf, sem = bufs[bi], sems[bi]
                gather(j, buf, sem).wait()

                def tok_body(t, accs):
                    new = []
                    for d in range(_NVEC):
                        a = accs[d]
                        for u in range(_UNROLL):
                            a = a + buf[t + u, pl.ds(d * 16, 16)]
                        new.append(a)
                    return tuple(new)

                zero = jnp.zeros((16,), jnp.float32)
                accs = lax.fori_loop(
                    0, _L // _UNROLL,
                    lambda i, accs: tok_body(i * _UNROLL, accs),
                    (zero,) * _NVEC)

                @pl.when(j + _NBUF < _ROWS_PER_W)
                def _():
                    gather(j + _NBUF, buf, sem).start()

                nzb = jnp.zeros((16,), jnp.bool_)
                for d in range(_NVEC):
                    f = accs[d] + bias[d]
                    out_v[j, pl.ds(d * 16, 16)] = f
                    nzb = jnp.logical_or(nzb, f != 0.0)
                nzi = jnp.where(nzb, 1, 0).astype(jnp.int32)
                jvec = jnp.full((16,), j, jnp.int32)
                plsc.addupdate_scatter(nz_v, [jvec], nzi)
            return carry

        lax.fori_loop(0, _ROWS_PER_W // _NBUF, pair_body, 0)
        pltpu.sync_copy(out_v, feat_hbm.at[pl.ds(base, _ROWS_PER_W)])
        pltpu.sync_copy(nz_v, nz_hbm.at[pl.ds(base, _ROWS_PER_W)])

    return k(token_ids, W, b)


@jax.jit
def kernel(token_ids, W, b):
    feats, nz = _sc_embedding_bag(
        token_ids.astype(jnp.int32).reshape(_B * _L), W, b)
    features = feats[:, None, :]
    padding_mask = (nz == 0)[:, None]
    return features, padding_mask

# --- scband reference (transcript-rebuilt; emitter-appended) ---
"""Pipeline reference for scband-count-vectorizer-41137196761182 (READ-ONLY COPY).

The authoritative reference and input builder live on the scoring server;
editing this copy changes nothing except your own understanding.
"""

import jax, jax.numpy as jnp
import numpy as np

VOCAB = 100000
D_MODEL = 128
BATCH = 1024
SEQ = 200

def setup_inputs(seed: int = 0) -> dict:
    key = jax.random.key(seed)
    k1, k2, k3 = jax.random.split(key, 3)
    token_ids = jax.random.randint(k1, (BATCH, SEQ), 0, VOCAB, dtype=jnp.int64) if jax.config.jax_enable_x64 else jax.random.randint(k1, (BATCH, SEQ), 0, VOCAB, dtype=jnp.int32)
    # proj: nn.Linear(vocab, d_model); store weight as [vocab, d_model] for counts @ W
    W = jax.random.normal(k2, (VOCAB, D_MODEL), dtype=jnp.float32) * (1.0 / np.sqrt(VOCAB))
    b = jax.random.normal(k3, (D_MODEL,), dtype=jnp.float32) * 0.01
    return {"token_ids": token_ids, "W": W, "b": b}

def reference(token_ids, W, b):
    # Tensorized CountVectorizer.forward:
    # 1) build per-example word-count vectors over the vocab via scatter-add
    B, L = token_ids.shape
    V = W.shape[0]
    row_idx = jnp.broadcast_to(jnp.arange(B)[:, None], (B, L))
    counts = jnp.zeros((B, V), dtype=jnp.float32).at[row_idx, token_ids].add(1.0)
    # 2) linear projection then unsqueeze(1)
    features = (counts @ W + b)[:, None, :]
    # 3) generate_padding_mask(features, padding_idx=0): position is padding
    #    iff every feature element equals padding_idx
    padding_mask = jnp.all(features == 0.0, axis=-1)
    return (features, padding_mask)

if __name__ == "__main__":
    import jax
    _d = setup_inputs()
    print(jax.jit(kernel)(*tuple(_d.values())))

</pallas_src>

<mosaic_0001>
#map = affine_map<(d0, d1) -> (0)>
#map1 = affine_map<(d0, d1) -> (0, 0)>
module attributes {stable_mosaic.version = 14 : i64} {
  func.func @k(%arg0: i32, %arg1: i32, %arg2: memref<204800xi32, #tpu.memory_space<hbm>>, %arg3: memref<100000x128xf32, #tpu.memory_space<hbm>>, %arg4: memref<128xf32, #tpu.memory_space<hbm>>, %arg5: memref<1024x128xf32, #tpu.memory_space<hbm>>, %arg6: memref<1024xi32, #tpu.memory_space<hbm>>, %arg7: memref<6400xi32, #tpu.memory_space<vmem>>, %arg8: memref<200x128xf32, #tpu.memory_space<vmem>>, %arg9: memref<200x128xf32, #tpu.memory_space<vmem>>, %arg10: memref<200x128xf32, #tpu.memory_space<vmem>>, %arg11: memref<200x128xf32, #tpu.memory_space<vmem>>, %arg12: memref<32x128xf32, #tpu.memory_space<vmem>>, %arg13: memref<128xf32, #tpu.memory_space<vmem>>, %arg14: memref<32xi32, #tpu.memory_space<vmem>>, %arg15: memref<!tpu.dma_semaphore, #tpu.memory_space<semaphore_mem>>, %arg16: memref<!tpu.dma_semaphore, #tpu.memory_space<semaphore_mem>>, %arg17: memref<!tpu.dma_semaphore, #tpu.memory_space<semaphore_mem>>, %arg18: memref<!tpu.dma_semaphore, #tpu.memory_space<semaphore_mem>>) attributes {dimension_semantics = [#tpu.dimension_semantics<core_parallel>, #tpu.dimension_semantics<subcore_parallel>], iteration_bounds = array<i64: 2, 16>, scalar_prefetch = 0 : i64, scratch_operands = 12 : i64, tpu.core_type = #tpu.core_type<sc_vector_subcore>, window_params = [{transform_indices = #map}, {transform_indices = #map1}, {transform_indices = #map}, {transform_indices = #map1}, {transform_indices = #map}]} {
    %mul3A = arith.constant 2 : i32
    %mul3A_0 = arith.muli %arg1, %mul3A : i32
    %add3A = arith.addi %mul3A_0, %arg0 : i32
    %mul3A_1 = arith.constant 32 : i32
    %mul3A_2 = arith.muli %add3A, %mul3A_1 : i32
    %mul3A_3 = arith.constant 200 : i32
    %mul3A_4 = arith.muli %mul3A_2, %mul3A_3 : i32
    "tpu.region"() ({
      %run_scoped3A = tpu.sem_alloc : memref<!tpu.dma_semaphore, #tpu.memory_space<semaphore_mem>>
      %dma_start3A_48 = tpu.memref_slice %arg2[%mul3A_4] : memref<204800xi32, #tpu.memory_space<hbm>> -> memref<6400xi32, #tpu.memory_space<hbm>>
      %dma_start3A_49 = tpu.memref_slice %arg2[%mul3A_4] : memref<204800xi32, #tpu.memory_space<hbm>> -> memref<6400xi32, #tpu.memory_space<hbm>>
      tpu.enqueue_dma source(%dma_start3A_49 : memref<6400xi32, #tpu.memory_space<hbm>>) target(%arg7 : memref<6400xi32, #tpu.memory_space<vmem>>) target_semaphore(%run_scoped3A : memref<!tpu.dma_semaphore, #tpu.memory_space<semaphore_mem>>)
      %dma_wait3A = tpu.memref_slice %arg2[%mul3A_4] : memref<204800xi32, #tpu.memory_space<hbm>> -> memref<6400xi32, #tpu.memory_space<hbm>>
      %dma_wait3A_50 = tpu.memref_slice %arg2[%mul3A_4] : memref<204800xi32, #tpu.memory_space<hbm>> -> memref<6400xi32, #tpu.memory_space<hbm>>
      tpu.wait_dma2 semaphore(%run_scoped3A : memref<!tpu.dma_semaphore, #tpu.memory_space<semaphore_mem>>) src(%dma_wait3A_50 : memref<6400xi32, #tpu.memory_space<hbm>>) dst(%arg7 : memref<6400xi32, #tpu.memory_space<vmem>>)
      tpu.yield
    }) : () -> ()
    "tpu.region"() ({
      %run_scoped3A = tpu.sem_alloc : memref<!tpu.dma_semaphore, #tpu.memory_space<semaphore_mem>>
      tpu.enqueue_dma source(%arg4 : memref<128xf32, #tpu.memory_space<hbm>>) target(%arg13 : memref<128xf32, #tpu.memory_space<vmem>>) target_semaphore(%run_scoped3A : memref<!tpu.dma_semaphore, #tpu.memory_space<semaphore_mem>>)
      tpu.wait_dma2 semaphore(%run_scoped3A : memref<!tpu.dma_semaphore, #tpu.memory_space<semaphore_mem>>) src(%arg4 : memref<128xf32, #tpu.memory_space<hbm>>) dst(%arg13 : memref<128xf32, #tpu.memory_space<vmem>>)
      tpu.yield
    }) : () -> ()
    %get3A = arith.constant 0 : index
    %get3A_5 = tpu.vector_load %arg13[%get3A] {strides = array<i32>} : memref<128xf32, #tpu.memory_space<vmem>>, vector<16xf32>,
    %get3A_6 = arith.constant 16 : index
    %get3A_7 = tpu.vector_load %arg13[%get3A_6] {strides = array<i32>} : memref<128xf32, #tpu.memory_space<vmem>>, vector<16xf32>,
    %get3A_8 = arith.constant 32 : index
    %get3A_9 = tpu.vector_load %arg13[%get3A_8] {strides = array<i32>} : memref<128xf32, #tpu.memory_space<vmem>>, vector<16xf32>,
    %get3A_10 = arith.constant 48 : index
    %get3A_11 = tpu.vector_load %arg13[%get3A_10] {strides = array<i32>} : memref<128xf32, #tpu.memory_space<vmem>>, vector<16xf32>,
    %get3A_12 = arith.constant 64 : index
    %get3A_13 = tpu.vector_load %arg13[%get3A_12] {strides = array<i32>} : memref<128xf32, #tpu.memory_space<vmem>>, vector<16xf32>,
    %get3A_14 = arith.constant 80 : index
    %get3A_15 = tpu.vector_load %arg13[%get3A_14] {strides = array<i32>} : memref<128xf32, #tpu.memory_space<vmem>>, vector<16xf32>,
    %get3A_16 = arith.constant 96 : index
    %get3A_17 = tpu.vector_load %arg13[%get3A_16] {strides = array<i32>} : memref<128xf32, #tpu.memory_space<vmem>>, vector<16xf32>,
    %get3A_18 = arith.constant 112 : index
    %get3A_19 = tpu.vector_load %arg13[%get3A_18] {strides = array<i32>} : memref<128xf32, #tpu.memory_space<vmem>>, vector<16xf32>,
    %broadcast_in_dim3A = arith.constant 0 : i32
    %broadcast_in_dim3A_20 = vector.broadcast %broadcast_in_dim3A : i32 to vector<16xi32>
    %swap3A = arith.constant 0 : index
    %swap3A_21 = tpu.vector_load %arg14[%swap3A] {strides = array<i32>} : memref<32xi32, #tpu.memory_space<vmem>>, vector<16xi32>,
    tpu.vector_store %arg14[%swap3A], %broadcast_in_dim3A_20 {strides = array<i32>} : memref<32xi32, #tpu.memory_space<vmem>>, vector<16xi32>,
    %swap3A_22 = arith.constant 16 : index
    %swap3A_23 = tpu.vector_load %arg14[%swap3A_22] {strides = array<i32>} : memref<32xi32, #tpu.memory_space<vmem>>, vector<16xi32>,
    tpu.vector_store %arg14[%swap3A_22], %broadcast_in_dim3A_20 {strides = array<i32>} : memref<32xi32, #tpu.memory_space<vmem>>, vector<16xi32>,
    %dma_start3A = arith.constant 0 : i32
    %dma_start3A_24 = tpu.memref_slice %arg7[%dma_start3A] : memref<6400xi32, #tpu.memory_space<vmem>> -> memref<200xi32, #tpu.memory_space<vmem>>
    %dma_start3A_25 = arith.constant 0 : i32
    %dma_start3A_26 = arith.constant 0 : i32
    %dma_start3A_27 = tpu.memref_slice %arg3[%dma_start3A_25, %dma_start3A_26] : memref<100000x128xf32, #tpu.memory_space<hbm>> -> memref<100000x128xf32, #tpu.memory_space<hbm>>
    tpu.enqueue_indirect_dma source(%dma_start3A_27 : memref<100000x128xf32, #tpu.memory_space<hbm>>) target(%arg8 : memref<200x128xf32, #tpu.memory_space<vmem>>) offsets(%dma_start3A_24 : memref<200xi32, #tpu.memory_space<vmem>>) semaphore(%arg15 : memref<!tpu.dma_semaphore, #tpu.memory_space<semaphore_mem>>)
    %dma_start3A_28 = arith.constant 200 : i32
    %dma_start3A_29 = tpu.memref_slice %arg7[%dma_start3A_28] : memref<6400xi32, #tpu.memory_space<vmem>> -> memref<200xi32, #tpu.memory_space<vmem>>
    %dma_start3A_30 = arith.constant 0 : i32
    %dma_start3A_31 = arith.constant 0 : i32
    %dma_start3A_32 = tpu.memref_slice %arg3[%dma_start3A_30, %dma_start3A_31] : memref<100000x128xf32, #tpu.memory_space<hbm>> -> memref<100000x128xf32, #tpu.memory_space<hbm>>
    tpu.enqueue_indirect_dma source(%dma_start3A_32 : memref<100000x128xf32, #tpu.memory_space<hbm>>) target(%arg9 : memref<200x128xf32, #tpu.memory_space<vmem>>) offsets(%dma_start3A_29 : memref<200xi32, #tpu.memory_space<vmem>>) semaphore(%arg16 : memref<!tpu.dma_semaphore, #tpu.memory_space<semaphore_mem>>)
    %dma_start3A_33 = arith.constant 400 : i32
    %dma_start3A_34 = tpu.memref_slice %arg7[%dma_start3A_33] : memref<6400xi32, #tpu.memory_space<vmem>> -> memref<200xi32, #tpu.memory_space<vmem>>
    %dma_start3A_35 = arith.constant 0 : i32
    %dma_start3A_36 = arith.constant 0 : i32
    %dma_start3A_37 = tpu.memref_slice %arg3[%dma_start3A_35, %dma_start3A_36] : memref<100000x128xf32, #tpu.memory_space<hbm>> -> memref<100000x128xf32, #tpu.memory_space<hbm>>
    tpu.enqueue_indirect_dma source(%dma_start3A_37 : memref<100000x128xf32, #tpu.memory_space<hbm>>) target(%arg10 : memref<200x128xf32, #tpu.memory_space<vmem>>) offsets(%dma_start3A_34 : memref<200xi32, #tpu.memory_space<vmem>>) semaphore(%arg17 : memref<!tpu.dma_semaphore, #tpu.memory_space<semaphore_mem>>)
    %dma_start3A_38 = arith.constant 600 : i32
    %dma_start3A_39 = tpu.memref_slice %arg7[%dma_start3A_38] : memref<6400xi32, #tpu.memory_space<vmem>> -> memref<200xi32, #tpu.memory_space<vmem>>
    %dma_start3A_40 = arith.constant 0 : i32
    %dma_start3A_41 = arith.constant 0 : i32
    %dma_start3A_42 = tpu.memref_slice %arg3[%dma_start3A_40, %dma_start3A_41] : memref<100000x128xf32, #tpu.memory_space<hbm>> -> memref<100000x128xf32, #tpu.memory_space<hbm>>
    tpu.enqueue_indirect_dma source(%dma_start3A_42 : memref<100000x128xf32, #tpu.memory_space<hbm>>) target(%arg11 : memref<200x128xf32, #tpu.memory_space<vmem>>) offsets(%dma_start3A_39 : memref<200xi32, #tpu.memory_space<vmem>>) semaphore(%arg18 : memref<!tpu.dma_semaphore, #tpu.memory_space<semaphore_mem>>)
    %scan3A = arith.constant 0 : i32
    %scan3A_43 = arith.constant 0 : i32
    %scan3A_44 = arith.constant 8 : i32
    %scan3A_45 = arith.addi %scan3A_43, %scan3A_44 : i32
    %scan3A_46 = arith.constant 1 : i32
    scf.for %scan3A_48 = %scan3A_43 to %scan3A_45 step %scan3A_46  : i32 {
      %mul3A_49 = arith.constant 4 : i32
      %mul3A_50 = arith.muli %mul3A_49, %scan3A_48 : i32
      %add3A_51 = arith.constant 0 : i32
      %add3A_52 = arith.addi %mul3A_50, %add3A_51 : i32
      %mul3A_53 = arith.constant 200 : i32
      %mul3A_54 = arith.muli %add3A_52, %mul3A_53 : i32
      %dma_wait3A = tpu.memref_slice %arg7[%mul3A_54] : memref<6400xi32, #tpu.memory_space<vmem>> -> memref<200xi32, #tpu.memory_space<vmem>>
      %dma_wait3A_55 = arith.constant 0 : i32
      %dma_wait3A_56 = arith.constant 0 : i32
      %dma_wait3A_57 = tpu.memref_slice %arg3[%dma_wait3A_55, %dma_wait3A_56] : memref<100000x128xf32, #tpu.memory_space<hbm>> -> memref<100000x128xf32, #tpu.memory_space<hbm>>
      tpu.wait_indirect_dma semaphore(%arg15 : memref<!tpu.dma_semaphore, #tpu.memory_space<semaphore_mem>>) src(%dma_wait3A_57 : memref<100000x128xf32, #tpu.memory_space<hbm>>) dst(%arg8 : memref<200x128xf32, #tpu.memory_space<vmem>>)
      %broadcast_in_dim3A_58 = arith.constant 0.000000e+00 : f32
      %broadcast_in_dim3A_59 = vector.broadcast %broadcast_in_dim3A_58 : f32 to vector<16xf32>
      %scan3A_60 = arith.constant 0 : i32
      %scan3A_61 = arith.constant 20 : i32
      %scan3A_62 = arith.addi %scan3A_60, %scan3A_61 : i32
      %scan3A_63 = arith.constant 1 : i32
      %scan3A_64:8 = scf.for %scan3A_429 = %scan3A_60 to %scan3A_62 step %scan3A_63 iter_args(%scan3A_430 = %broadcast_in_dim3A_59, %scan3A_431 = %broadcast_in_dim3A_59, %scan3A_432 = %broadcast_in_dim3A_59, %scan3A_433 = %broadcast_in_dim3A_59, %scan3A_434 = %broadcast_in_dim3A_59, %scan3A_435 = %broadcast_in_dim3A_59, %scan3A_436 = %broadcast_in_dim3A_59, %scan3A_437 = %broadcast_in_dim3A_59) -> (vector<16xf32>, vector<16xf32>, vector<16xf32>, vector<16xf32>, vector<16xf32>, vector<16xf32>, vector<16xf32>, vector<16xf32>)  : i32 {
        %mul3A_438 = arith.constant 10 : i32
        %mul3A_439 = arith.muli %scan3A_429, %mul3A_438 : i32
        %add3A_440 = arith.constant 0 : i32
        %add3A_441 = arith.addi %mul3A_439, %add3A_440 : i32
        %get3A_442 = arith.index_cast %add3A_441 : i32 to index
        %get3A_443 = arith.constant 0 : index
        %get3A_444 = tpu.vector_load %arg8[%get3A_442, %get3A_443] {strides = array<i32>} : memref<200x128xf32, #tpu.memory_space<vmem>>, vector<16xf32>,
        %add3A_445 = arith.addf %scan3A_430, %get3A_444 : vector<16xf32>
        %add3A_446 = arith.constant 1 : i32
        %add3A_447 = arith.addi %mul3A_439, %add3A_446 : i32
        %get3A_448 = arith.index_cast %add3A_447 : i32 to index
        %get3A_449 = arith.constant 0 : index
        %get3A_450 = tpu.vector_load %arg8[%get3A_448, %get3A_449] {strides = array<i32>} : memref<200x128xf32, #tpu.memory_space<vmem>>, vector<16xf32>,
        %add3A_451 = arith.addf %add3A_445, %get3A_450 : vector<16xf32>
        %add3A_452 = arith.constant 2 : i32
        %add3A_453 = arith.addi %mul3A_439, %add3A_452 : i32
        %get3A_454 = arith.index_cast %add3A_453 : i32 to index
        %get3A_455 = arith.constant 0 : index
        %get3A_456 = tpu.vector_load %arg8[%get3A_454, %get3A_455] {strides = array<i32>} : memref<200x128xf32, #tpu.memory_space<vmem>>, vector<16xf32>,
        %add3A_457 = arith.addf %add3A_451, %get3A_456 : vector<16xf32>
        %add3A_458 = arith.constant 3 : i32
        %add3A_459 = arith.addi %mul3A_439, %add3A_458 : i32
        %get3A_460 = arith.index_cast %add3A_459 : i32 to index
        %get3A_461 = arith.constant 0 : index
        %get3A_462 = tpu.vector_load %arg8[%get3A_460, %get3A_461] {strides = array<i32>} : memref<200x128xf32, #tpu.memory_space<vmem>>, vector<16xf32>,
        %add3A_463 = arith.addf %add3A_457, %get3A_462 : vector<16xf32>
        %add3A_464 = arith.constant 4 : i32
        %add3A_465 = arith.addi %mul3A_439, %add3A_464 : i32
        %get3A_466 = arith.index_cast %add3A_465 : i32 to index
        %get3A_467 = arith.constant 0 : index
        %get3A_468 = tpu.vector_load %arg8[%get3A_466, %get3A_467] {strides = array<i32>} : memref<200x128xf32, #tpu.memory_space<vmem>>, vector<16xf32>,
        %add3A_469 = arith.addf %add3A_463, %get3A_468 : vector<16xf32>
        %add3A_470 = arith.constant 5 : i32
        %add3A_471 = arith.addi %mul3A_439, %add3A_470 : i32
        %get3A_472 = arith.index_cast %add3A_471 : i32 to index
        %get3A_473 = arith.constant 0 : index
        %get3A_474 = tpu.vector_load %arg8[%get3A_472, %get3A_473] {strides = array<i32>} : memref<200x128xf32, #tpu.memory_space<vmem>>, vector<16xf32>,
        %add3A_475 = arith.addf %add3A_469, %get3A_474 : vector<16xf32>
        %add3A_476 = arith.constant 6 : i32
        %add3A_477 = arith.addi %mul3A_439, %add3A_476 : i32
        %get3A_478 = arith.index_cast %add3A_477 : i32 to index
        %get3A_479 = arith.constant 0 : index
        %get3A_480 = tpu.vector_load %arg8[%get3A_478, %get3A_479] {strides = array<i32>} : memref<200x128xf32, #tpu.memory_space<vmem>>, vector<16xf32>,
        %add3A_481 = arith.addf %add3A_475, %get3A_480 : vector<16xf32>
        %add3A_482 = arith.constant 7 : i32
        %add3A_483 = arith.addi %mul3A_439, %add3A_482 : i32
        %get3A_484 = arith.index_cast %add3A_483 : i32 to index
        %get3A_485 = arith.constant 0 : index
        %get3A_486 = tpu.vector_load %arg8[%get3A_484, %get3A_485] {strides = array<i32>} : memref<200x128xf32, #tpu.memory_space<vmem>>, vector<16xf32>,
        %add3A_487 = arith.addf %add3A_481, %get3A_486 : vector<16xf32>
        %add3A_488 = arith.constant 8 : i32
        %add3A_489 = arith.addi %mul3A_439, %add3A_488 : i32
        %get3A_490 = arith.index_cast %add3A_489 : i32 to index
        %get3A_491 = arith.constant 0 : index
        %get3A_492 = tpu.vector_load %arg8[%get3A_490, %get3A_491] {strides = array<i32>} : memref<200x128xf32, #tpu.memory_space<vmem>>, vector<16xf32>,
        %add3A_493 = arith.addf %add3A_487, %get3A_492 : vector<16xf32>
        %add3A_494 = arith.constant 9 : i32
        %add3A_495 = arith.addi %mul3A_439, %add3A_494 : i32
        %get3A_496 = arith.index_cast %add3A_495 : i32 to index
        %get3A_497 = arith.constant 0 : index
        %get3A_498 = tpu.vector_load %arg8[%get3A_496, %get3A_497] {strides = array<i32>} : memref<200x128xf32, #tpu.memory_space<vmem>>, vector<16xf32>,
        %add3A_499 = arith.addf %add3A_493, %get3A_498 : vector<16xf32>
        %add3A_500 = arith.constant 0 : i32
        %add3A_501 = arith.addi %mul3A_439, %add3A_500 : i32
        %get3A_502 = arith.index_cast %add3A_501 : i32 to index
        %get3A_503 = arith.constant 16 : index
        %get3A_504 = tpu.vector_load %arg8[%get3A_502, %get3A_503] {strides = array<i32>} : memref<200x128xf32, #tpu.memory_space<vmem>>, vector<16xf32>,
        %add3A_505 = arith.addf %scan3A_431, %get3A_504 : vector<16xf32>
        %add3A_506 = arith.constant 1 : i32
        %add3A_507 = arith.addi %mul3A_439, %add3A_506 : i32
        %get3A_508 = arith.index_cast %add3A_507 : i32 to index
        %get3A_509 = arith.constant 16 : index
        %get3A_510 = tpu.vector_load %arg8[%get3A_508, %get3A_509] {strides = array<i32>} : memref<200x128xf32, #tpu.memory_space<vmem>>, vector<16xf32>,
        %add3A_511 = arith.addf %add3A_505, %get3A_510 : vector<16xf32>
        %add3A_512 = arith.constant 2 : i32
        %add3A_513 = arith.addi %mul3A_439, %add3A_512 : i32
        %get3A_514 = arith.index_cast %add3A_513 : i32 to index
        %get3A_515 = arith.constant 16 : index
        %get3A_516 = tpu.vector_load %arg8[%get3A_514, %get3A_515] {strides = array<i32>} : memref<200x128xf32, #tpu.memory_space<vmem>>, vector<16xf32>,
        %add3A_517 = arith.addf %add3A_511, %get3A_516 : vector<16xf32>
        %add3A_518 = arith.constant 3 : i32
        %add3A_519 = arith.addi %mul3A_439, %add3A_518 : i32
        %get3A_520 = arith.index_cast %add3A_519 : i32 to index
        %get3A_521 = arith.constant 16 : index
        %get3A_522 = tpu.vector_load %arg8[%get3A_520, %get3A_521] {strides = array<i32>} : memref<200x128xf32, #tpu.memory_space<vmem>>, vector<16xf32>,
        %add3A_523 = arith.addf %add3A_517, %get3A_522 : vector<16xf32>
        %add3A_524 = arith.constant 4 : i32
        %add3A_525 = arith.addi %mul3A_439, %add3A_524 : i32
        %get3A_526 = arith.index_cast %add3A_525 : i32 to index
        %get3A_527 = arith.constant 16 : index
        %get3A_528 = tpu.vector_load %arg8[%get3A_526, %get3A_527] {strides = array<i32>} : memref<200x128xf32, #tpu.memory_space<vmem>>, vector<16xf32>,
        %add3A_529 = arith.addf %add3A_523, %get3A_528 : vector<16xf32>
        %add3A_530 = arith.constant 5 : i32
        %add3A_531 = arith.addi %mul3A_439, %add3A_530 : i32
        %get3A_532 = arith.index_cast %add3A_531 : i32 to index
        %get3A_533 = arith.constant 16 : index
        %get3A_534 = tpu.vector_load %arg8[%get3A_532, %get3A_533] {strides = array<i32>} : memref<200x128xf32, #tpu.memory_space<vmem>>, vector<16xf32>,
        %add3A_535 = arith.addf %add3A_529, %get3A_534 : vector<16xf32>
        %add3A_536 = arith.constant 6 : i32
        %add3A_537 = arith.addi %mul3A_439, %add3A_536 : i32
        %get3A_538 = arith.index_cast %add3A_537 : i32 to index
        %get3A_539 = arith.constant 16 : index
        %get3A_540 = tpu.vector_load %arg8[%get3A_538, %get3A_539] {strides = array<i32>} : memref<200x128xf32, #tpu.memory_space<vmem>>, vector<16xf32>,
        %add3A_541 = arith.addf %add3A_535, %get3A_540 : vector<16xf32>
        %add3A_542 = arith.constant 7 : i32
        %add3A_543 = arith.addi %mul3A_439, %add3A_542 : i32
        %get3A_544 = arith.index_cast %add3A_543 : i32 to index
        %get3A_545 = arith.constant 16 : index
        %get3A_546 = tpu.vector_load %arg8[%get3A_544, %get3A_545] {strides = array<i32>} : memref<200x128xf32, #tpu.memory_space<vmem>>, vector<16xf32>,
        %add3A_547 = arith.addf %add3A_541, %get3A_546 : vector<16xf32>
        %add3A_548 = arith.constant 8 : i32
        %add3A_549 = arith.addi %mul3A_439, %add3A_548 : i32
        %get3A_550 = arith.index_cast %add3A_549 : i32 to index
        %get3A_551 = arith.constant 16 : index
        %get3A_552 = tpu.vector_load %arg8[%get3A_550, %get3A_551] {strides = array<i32>} : memref<200x128xf32, #tpu.memory_space<vmem>>, vector<16xf32>,
        %add3A_553 = arith.addf %add3A_547, %get3A_552 : vector<16xf32>
        %add3A_554 = arith.constant 9 : i32
        %add3A_555 = arith.addi %mul3A_439, %add3A_554 : i32
        %get3A_556 = arith.index_cast %add3A_555 : i32 to index
        %get3A_557 = arith.constant 16 : index
        %get3A_558 = tpu.vector_load %arg8[%get3A_556, %get3A_557] {strides = array<i32>} : memref<200x128xf32, #tpu.memory_space<vmem>>, vector<16xf32>,
        %add3A_559 = arith.addf %add3A_553, %get3A_558 : vector<16xf32>
        %add3A_560 = arith.constant 0 : i32
        %add3A_561 = arith.addi %mul3A_439, %add3A_560 : i32
        %get3A_562 = arith.index_cast %add3A_561 : i32 to index
        %get3A_563 = arith.constant 32 : index
        %get3A_564 = tpu.vector_load %arg8[%get3A_562, %get3A_563] {strides = array<i32>} : memref<200x128xf32, #tpu.memory_space<vmem>>, vector<16xf32>,
        %add3A_565 = arith.addf %scan3A_432, %get3A_564 : vector<16xf32>
        %add3A_566 = arith.constant 1 : i32
        %add3A_567 = arith.addi %mul3A_439, %add3A_566 : i32
        %get3A_568 = arith.index_cast %add3A_567 : i32 to index
        %get3A_569 = arith.constant 32 : index
        %get3A_570 = tpu.vector_load %arg8[%get3A_568, %get3A_569] {strides = array<i32>} : memref<200x128xf32, #tpu.memory_space<vmem>>, vector<16xf32>,
        %add3A_571 = arith.addf %add3A_565, %get3A_570 : vector<16xf32>
        %add3A_572 = arith.constant 2 : i32
        %add3A_573 = arith.addi %mul3A_439, %add3A_572 : i32
        %get3A_574 = arith.index_cast %add3A_573 : i32 to index
        %get3A_575 = arith.constant 32 : index
        %get3A_576 = tpu.vector_load %arg8[%get3A_574, %get3A_575] {strides = array<i32>} : memref<200x128xf32, #tpu.memory_space<vmem>>, vector<16xf32>,
        %add3A_577 = arith.addf %add3A_571, %get3A_576 : vector<16xf32>
        %add3A_578 = arith.constant 3 : i32
        %add3A_579 = arith.addi %mul3A_439, %add3A_578 : i32
        %get3A_580 = arith.index_cast %add3A_579 : i32 to index
        %get3A_581 = arith.constant 32 : index
        %get3A_582 = tpu.vector_load %arg8[%get3A_580, %get3A_581] {strides = array<i32>} : memref<200x128xf32, #tpu.memory_space<vmem>>, vector<16xf32>,
        %add3A_583 = arith.addf %add3A_577, %get3A_582 : vector<16xf32>
        %add3A_584 = arith.constant 4 : i32
        %add3A_585 = arith.addi %mul3A_439, %add3A_584 : i32
        %get3A_586 = arith.index_cast %add3A_585 : i32 to index
        %get3A_587 = arith.constant 32 : index
        %get3A_588 = tpu.vector_load %arg8[%get3A_586, %get3A_587] {strides = array<i32>} : memref<200x128xf32, #tpu.memory_space<vmem>>, vector<16xf32>,
        %add3A_589 = arith.addf %add3A_583, %get3A_588 : vector<16xf32>
        %add3A_590 = arith.constant 5 : i32
        %add3A_591 = arith.addi %mul3A_439, %add3A_590 : i32
        %get3A_592 = arith.index_cast %add3A_591 : i32 to index
        %get3A_593 = arith.constant 32 : index
        %get3A_594 = tpu.vector_load %arg8[%get3A_592, %get3A_593] {strides = array<i32>} : memref<200x128xf32, #tpu.memory_space<vmem>>, vector<16xf32>,
        %add3A_595 = arith.addf %add3A_589, %get3A_594 : vector<16xf32>
        %add3A_596 = arith.constant 6 : i32
        %add3A_597 = arith.addi %mul3A_439, %add3A_596 : i32
        %get3A_598 = arith.index_cast %add3A_597 : i32 to index
        %get3A_599 = arith.constant 32 : index
        %get3A_600 = tpu.vector_load %arg8[%get3A_598, %get3A_599] {strides = array<i32>} : memref<200x128xf32, #tpu.memory_space<vmem>>, vector<16xf32>,
        %add3A_601 = arith.addf %add3A_595, %get3A_600 : vector<16xf32>
        %add3A_602 = arith.constant 7 : i32
        %add3A_603 = arith.addi %mul3A_439, %add3A_602 : i32
        %get3A_604 = arith.index_cast %add3A_603 : i32 to index
        %get3A_605 = arith.constant 32 : index
        %get3A_606 = tpu.vector_load %arg8[%get3A_604, %get3A_605] {strides = array<i32>} : memref<200x128xf32, #tpu.memory_space<vmem>>, vector<16xf32>,
        %add3A_607 = arith.addf %add3A_601, %get3A_606 : vector<16xf32>
        %add3A_608 = arith.constant 8 : i32
        %add3A_609 = arith.addi %mul3A_439, %add3A_608 : i32
        %get3A_610 = arith.index_cast %add3A_609 : i32 to index
        %get3A_611 = arith.constant 32 : index
        %get3A_612 = tpu.vector_load %arg8[%get3A_610, %get3A_611] {strides = array<i32>} : memref<200x128xf32, #tpu.memory_space<vmem>>, vector<16xf32>,
        %add3A_613 = arith.addf %add3A_607, %get3A_612 : vector<16xf32>
        %add3A_614 = arith.constant 9 : i32
        %add3A_615 = arith.addi %mul3A_439, %add3A_614 : i32
        %get3A_616 = arith.index_cast %add3A_615 : i32 to index
        %get3A_617 = arith.constant 32 : index
        %get3A_618 = tpu.vector_load %arg8[%get3A_616, %get3A_617] {strides = array<i32>} : memref<200x128xf32, #tpu.memory_space<vmem>>, vector<16xf32>,
        %add3A_619 = arith.addf %add3A_613, %get3A_618 : vector<16xf32>
        %add3A_620 = arith.constant 0 : i32
        %add3A_621 = arith.addi %mul3A_439, %add3A_620 : i32
        %get3A_622 = arith.index_cast %add3A_621 : i32 to index
        %get3A_623 = arith.constant 48 : index
        %get3A_624 = tpu.vector_load %arg8[%get3A_622, %get3A_623] {strides = array<i32>} : memref<200x128xf32, #tpu.memory_space<vmem>>, vector<16xf32>,
        %add3A_625 = arith.addf %scan3A_433, %get3A_624 : vector<16xf32>
        %add3A_626 = arith.constant 1 : i32
        %add3A_627 = arith.addi %mul3A_439, %add3A_626 : i32
        %get3A_628 = arith.index_cast %add3A_627 : i32 to index
        %get3A_629 = arith.constant 48 : index
        %get3A_630 = tpu.vector_load %arg8[%get3A_628, %get3A_629] {strides = array<i32>} : memref<200x128xf32, #tpu.memory_space<vmem>>, vector<16xf32>,
        %add3A_631 = arith.addf %add3A_625, %get3A_630 : vector<16xf32>
        %add3A_632 = arith.constant 2 : i32
        %add3A_633 = arith.addi %mul3A_439, %add3A_632 : i32
        %get3A_634 = arith.index_cast %add3A_633 : i32 to index
        %get3A_635 = arith.constant 48 : index
        %get3A_636 = tpu.vector_load %arg8[%get3A_634, %get3A_635] {strides = array<i32>} : memref<200x128xf32, #tpu.memory_space<vmem>>, vector<16xf32>,
        %add3A_637 = arith.addf %add3A_631, %get3A_636 : vector<16xf32>
        %add3A_638 = arith.constant 3 : i32
        %add3A_639 = arith.addi %mul3A_439, %add3A_638 : i32
        %get3A_640 = arith.index_cast %add3A_639 : i32 to index
        %get3A_641 = arith.constant 48 : index
        %get3A_642 = tpu.vector_load %arg8[%get3A_640, %get3A_641] {strides = array<i32>} : memref<200x128xf32, #tpu.memory_space<vmem>>, vector<16xf32>,
        %add3A_643 = arith.addf %add3A_637, %get3A_642 : vector<16xf32>
        %add3A_644 = arith.constant 4 : i32
        %add3A_645 = arith.addi %mul3A_439, %add3A_644 : i32
        %get3A_646 = arith.index_cast %add3A_645 : i32 to index
        %get3A_647 = arith.constant 48 : index
        %get3A_648 = tpu.vector_load %arg8[%get3A_646, %get3A_647] {strides = array<i32>} : memref<200x128xf32, #tpu.memory_space<vmem>>, vector<16xf32>,
        %add3A_649 = arith.addf %add3A_643, %get3A_648 : vector<16xf32>
        %add3A_650 = arith.constant 5 : i32
        %add3A_651 = arith.addi %mul3A_439, %add3A_650 : i32
        %get3A_652 = arith.index_cast %add3A_651 : i32 to index
        %get3A_653 = arith.constant 48 : index
        %get3A_654 = tpu.vector_load %arg8[%get3A_652, %get3A_653] {strides = array<i32>} : memref<200x128xf32, #tpu.memory_space<vmem>>, vector<16xf32>,
        %add3A_655 = arith.addf %add3A_649, %get3A_654 : vector<16xf32>
        %add3A_656 = arith.constant 6 : i32
        %add3A_657 = arith.addi %mul3A_439, %add3A_656 : i32
        %get3A_658 = arith.index_cast %add3A_657 : i32 to index
        %get3A_659 = arith.constant 48 : index
        %get3A_660 = tpu.vector_load %arg8[%get3A_658, %get3A_659] {strides = array<i32>} : memref<200x128xf32, #tpu.memory_space<vmem>>, vector<16xf32>,
        %add3A_661 = arith.addf %add3A_655, %get3A_660 : vector<16xf32>
        %add3A_662 = arith.constant 7 : i32
        %add3A_663 = arith.addi %mul3A_439, %add3A_662 : i32
        %get3A_664 = arith.index_cast %add3A_663 : i32 to index
        %get3A_665 = arith.constant 48 : index
        %get3A_666 = tpu.vector_load %arg8[%get3A_664, %get3A_665] {strides = array<i32>} : memref<200x128xf32, #tpu.memory_space<vmem>>, vector<16xf32>,
        %add3A_667 = arith.addf %add3A_661, %get3A_666 : vector<16xf32>
        %add3A_668 = arith.constant 8 : i32
        %add3A_669 = arith.addi %mul3A_439, %add3A_668 : i32
        %get3A_670 = arith.index_cast %add3A_669 : i32 to index
        %get3A_671 = arith.constant 48 : index
        %get3A_672 = tpu.vector_load %arg8[%get3A_670, %get3A_671] {strides = array<i32>} : memref<200x128xf32, #tpu.memory_space<vmem>>, vector<16xf32>,
        %add3A_673 = arith.addf %add3A_667, %get3A_672 : vector<16xf32>
        %add3A_674 = arith.constant 9 : i32
        %add3A_675 = arith.addi %mul3A_439, %add3A_674 : i32
        %get3A_676 = arith.index_cast %add3A_675 : i32 to index
        %get3A_677 = arith.constant 48 : index
        %get3A_678 = tpu.vector_load %arg8[%get3A_676, %get3A_677] {strides = array<i32>} : memref<200x128xf32, #tpu.memory_space<vmem>>, vector<16xf32>,
        %add3A_679 = arith.addf %add3A_673, %get3A_678 : vector<16xf32>
        %add3A_680 = arith.constant 0 : i32
        %add3A_681 = arith.addi %mul3A_439, %add3A_680 : i32
        %get3A_682 = arith.index_cast %add3A_681 : i32 to index
        %get3A_683 = arith.constant 64 : index
        %get3A_684 = tpu.vector_load %arg8[%get3A_682, %get3A_683] {strides = array<i32>} : memref<200x128xf32, #tpu.memory_space<vmem>>, vector<16xf32>,
        %add3A_685 = arith.addf %scan3A_434, %get3A_684 : vector<16xf32>
        %add3A_686 = arith.constant 1 : i32
        %add3A_687 = arith.addi %mul3A_439, %add3A_686 : i32
        %get3A_688 = arith.index_cast %add3A_687 : i32 to index
        %get3A_689 = arith.constant 64 : index
        %get3A_690 = tpu.vector_load %arg8[%get3A_688, %get3A_689] {strides = array<i32>} : memref<200x128xf32, #tpu.memory_space<vmem>>, vector<16xf32>,
        %add3A_691 = arith.addf %add3A_685, %get3A_690 : vector<16xf32>
        %add3A_692 = arith.constant 2 : i32
        %add3A_693 = arith.addi %mul3A_439, %add3A_692 : i32
        %get3A_694 = arith.index_cast %add3A_693 : i32 to index
        %get3A_695 = arith.constant 64 : index
        %get3A_696 = tpu.vector_load %arg8[%get3A_694, %get3A_695] {strides = array<i32>} : memref<200x128xf32, #tpu.memory_space<vmem>>, vector<16xf32>,
        %add3A_697 = arith.addf %add3A_691, %get3A_696 : vector<16xf32>
        %add3A_698 = arith.constant 3 : i32
        %add3A_699 = arith.addi %mul3A_439, %add3A_698 : i32
        %get3A_700 = arith.index_cast %add3A_699 : i32 to index
        %get3A_701 = arith.constant 64 : index
        %get3A_702 = tpu.vector_load %arg8[%get3A_700, %get3A_701] {strides = array<i32>} : memref<200x128xf32, #tpu.memory_space<vmem>>, vector<16xf32>,
        %add3A_703 = arith.addf %add3A_697, %get3A_702 : vector<16xf32>
        %add3A_704 = arith.constant 4 : i32
        %add3A_705 = arith.addi %mul3A_439, %add3A_704 : i32
        %get3A_706 = arith.index_cast %add3A_705 : i32 to index
        %get3A_707 = arith.constant 64 : index
        %get3A_708 = tpu.vector_load %arg8[%get3A_706, %get3A_707] {strides = array<i32>} : memref<200x128xf32, #tpu.memory_space<vmem>>, vector<16xf32>,
        %add3A_709 = arith.addf %add3A_703, %get3A_708 : vector<16xf32>
        %add3A_710 = arith.constant 5 : i32
        %add3A_711 = arith.addi %mul3A_439, %add3A_710 : i32
        %get3A_712 = arith.index_cast %add3A_711 : i32 to index
        %get3A_713 = arith.constant 64 : index
        %get3A_714 = tpu.vector_load %arg8[%get3A_712, %get3A_713] {strides = array<i32>} : memref<200x128xf32, #tpu.memory_space<vmem>>, vector<16xf32>,
        %add3A_715 = arith.addf %add3A_709, %get3A_714 : vector<16xf32>
        %add3A_716 = arith.constant 6 : i32
        %add3A_717 = arith.addi %mul3A_439, %add3A_716 : i32
        %get3A_718 = arith.index_cast %add3A_717 : i32 to index
        %get3A_719 = arith.constant 64 : index
        %get3A_720 = tpu.vector_load %arg8[%get3A_718, %get3A_719] {strides = array<i32>} : memref<200x128xf32, #tpu.memory_space<vmem>>, vector<16xf32>,
        %add3A_721 = arith.addf %add3A_715, %get3A_720 : vector<16xf32>
        %add3A_722 = arith.constant 7 : i32
        %add3A_723 = arith.addi %mul3A_439, %add3A_722 : i32
        %get3A_724 = arith.index_cast %add3A_723 : i32 to index
        %get3A_725 = arith.constant 64 : index
        %get3A_726 = tpu.vector_load %arg8[%get3A_724, %get3A_725] {strides = array<i32>} : memref<200x128xf32, #tpu.memory_space<vmem>>, vector<16xf32>,
        %add3A_727 = arith.addf %add3A_721, %get3A_726 : vector<16xf32>
        %add3A_728 = arith.constant 8 : i32
        %add3A_729 = arith.addi %mul3A_439, %add3A_728 : i32
        %get3A_730 = arith.index_cast %add3A_729 : i32 to index
        %get3A_731 = arith.constant 64 : index
        %get3A_732 = tpu.vector_load %arg8[%get3A_730, %get3A_731] {strides = array<i32>} : memref<200x128xf32, #tpu.memory_space<vmem>>, vector<16xf32>,
        %add3A_733 = arith.addf %add3A_727, %get3A_732 : vector<16xf32>
        %add3A_734 = arith.constant 9 : i32
        %add3A_735 = arith.addi %mul3A_439, %add3A_734 : i32
        %get3A_736 = arith.index_cast %add3A_735 : i32 to index
        %get3A_737 = arith.constant 64 : index
        %get3A_738 = tpu.vector_load %arg8[%get3A_736, %get3A_737] {strides = array<i32>} : memref<200x128xf32, #tpu.memory_space<vmem>>, vector<16xf32>,
        %add3A_739 = arith.addf %add3A_733, %get3A_738 : vector<16xf32>
        %add3A_740 = arith.constant 0 : i32
        %add3A_741 = arith.addi %mul3A_439, %add3A_740 : i32
        %get3A_742 = arith.index_cast %add3A_741 : i32 to index
        %get3A_743 = arith.constant 80 : index
        %get3A_744 = tpu.vector_load %arg8[%get3A_742, %get3A_743] {strides = array<i32>} : memref<200x128xf32, #tpu.memory_space<vmem>>, vector<16xf32>,
        %add3A_745 = arith.addf %scan3A_435, %get3A_744 : vector<16xf32>
        %add3A_746 = arith.constant 1 : i32
        %add3A_747 = arith.addi %mul3A_439, %add3A_746 : i32
        %get3A_748 = arith.index_cast %add3A_747 : i32 to index
        %get3A_749 = arith.constant 80 : index
        %get3A_750 = tpu.vector_load %arg8[%get3A_748, %get3A_749] {strides = array<i32>} : memref<200x128xf32, #tpu.memory_space<vmem>>, vector<16xf32>,
        %add3A_751 = arith.addf %add3A_745, %get3A_750 : vector<16xf32>
        %add3A_752 = arith.constant 2 : i32
        %add3A_753 = arith.addi %mul3A_439, %add3A_752 : i32
        %get3A_754 = arith.index_cast %add3A_753 : i32 to index
        %get3A_755 = arith.constant 80 : index
        %get3A_756 = tpu.vector_load %arg8[%get3A_754, %get3A_755] {strides = array<i32>} : memref<200x128xf32, #tpu.memory_space<vmem>>, vector<16xf32>,
        %add3A_757 = arith.addf %add3A_751, %get3A_756 : vector<16xf32>
        %add3A_758 = arith.constant 3 : i32
        %add3A_759 = arith.addi %mul3A_439, %add3A_758 : i32
        %get3A_760 = arith.index_cast %add3A_759 : i32 to index
        %get3A_761 = arith.constant 80 : index
        %get3A_762 = tpu.vector_load %arg8[%get3A_760, %get3A_761] {strides = array<i32>} : memref<200x128xf32, #tpu.memory_space<vmem>>, vector<16xf32>,
        %add3A_763 = arith.addf %add3A_757, %get3A_762 : vector<16xf32>
        %add3A_764 = arith.constant 4 : i32
        %add3A_765 = arith.addi %mul3A_439, %add3A_764 : i32
        %get3A_766 = arith.index_cast %add3A_765 : i32 to index
        %get3A_767 = arith.constant 80 : index
        %get3A_768 = tpu.vector_load %arg8[%get3A_766, %get3A_767] {strides = array<i32>} : memref<200x128xf32, #tpu.memory_space<vmem>>, vector<16xf32>,
        %add3A_769 = arith.addf %add3A_763, %get3A_768 : vector<16xf32>
        %add3A_770 = arith.constant 5 : i32
        %add3A_771 = arith.addi %mul3A_439, %add3A_770 : i32
        %get3A_772 = arith.index_cast %add3A_771 : i32 to index
        %get3A_773 = arith.constant 80 : index
        %get3A_774 = tpu.vector_load %arg8[%get3A_772, %get3A_773] {strides = array<i32>} : memref<200x128xf32, #tpu.memory_space<vmem>>, vector<16xf32>,
        %add3A_775 = arith.addf %add3A_769, %get3A_774 : vector<16xf32>
        %add3A_776 = arith.constant 6 : i32
        %add3A_777 = arith.addi %mul3A_439, %add3A_776 : i32
        %get3A_778 = arith.index_cast %add3A_777 : i32 to index
        %get3A_779 = arith.constant 80 : index
        %get3A_780 = tpu.vector_load %arg8[%get3A_778, %get3A_779] {strides = array<i32>} : memref<200x128xf32, #tpu.memory_space<vmem>>, vector<16xf32>,
        %add3A_781 = arith.addf %add3A_775, %get3A_780 : vector<16xf32>
        %add3A_782 = arith.constant 7 : i32
        %add3A_783 = arith.addi %mul3A_439, %add3A_782 : i32
        %get3A_784 = arith.index_cast %add3A_783 : i32 to index
        %get3A_785 = arith.constant 80 : index
        %get3A_786 = tpu.vector_load %arg8[%get3A_784, %get3A_785] {strides = array<i32>} : memref<200x128xf32, #tpu.memory_space<vmem>>, vector<16xf32>,
        %add3A_787 = arith.addf %add3A_781, %get3A_786 : vector<16xf32>
        %add3A_788 = arith.constant 8 : i32
        %add3A_789 = arith.addi %mul3A_439, %add3A_788 : i32
        %get3A_790 = arith.index_cast %add3A_789 : i32 to index
        %get3A_791 = arith.constant 80 : index
        %get3A_792 = tpu.vector_load %arg8[%get3A_790, %get3A_791] {strides = array<i32>} : memref<200x128xf32, #tpu.memory_space<vmem>>, vector<16xf32>,
        %add3A_793 = arith.addf %add3A_787, %get3A_792 : vector<16xf32>
        %add3A_794 = arith.constant 9 : i32
        %add3A_795 = arith.addi %mul3A_439, %add3A_794 : i32
        %get3A_796 = arith.index_cast %add3A_795 : i32 to index
        %get3A_797 = arith.constant 80 : index
        %get3A_798 = tpu.vector_load %arg8[%get3A_796, %get3A_797] {strides = array<i32>} : memref<200x128xf32, #tpu.memory_space<vmem>>, vector<16xf32>,
        %add3A_799 = arith.addf %add3A_793, %get3A_798 : vector<16xf32>
        %add3A_800 = arith.constant 0 : i32
        %add3A_801 = arith.addi %mul3A_439, %add3A_800 : i32
        %get3A_802 = arith.index_cast %add3A_801 : i32 to index
        %get3A_803 = arith.constant 96 : index
        %get3A_804 = tpu.vector_load %arg8[%get3A_802, %get3A_803] {strides = array<i32>} : memref<200x128xf32, #tpu.memory_space<vmem>>, vector<16xf32>,
        %add3A_805 = arith.addf %scan3A_436, %get3A_804 : vector<16xf32>
        %add3A_806 = arith.constant 1 : i32
        %add3A_807 = arith.addi %mul3A_439, %add3A_806 : i32
        %get3A_808 = arith.index_cast %add3A_807 : i32 to index
        %get3A_809 = arith.constant 96 : index
        %get3A_810 = tpu.vector_load %arg8[%get3A_808, %get3A_809] {strides = array<i32>} : memref<200x128xf32, #tpu.memory_space<vmem>>, vector<16xf32>,
        %add3A_811 = arith.addf %add3A_805, %get3A_810 : vector<16xf32>
        %add3A_812 = arith.constant 2 : i32
        %add3A_813 = arith.addi %mul3A_439, %add3A_812 : i32
        %get3A_814 = arith.index_cast %add3A_813 : i32 to index
        %get3A_815 = arith.constant 96 : index
        %get3A_816 = tpu.vector_load %arg8[%get3A_814, %get3A_815] {strides = array<i32>} : memref<200x128xf32, #tpu.memory_space<vmem>>, vector<16xf32>,
        %add3A_817 = arith.addf %add3A_811, %get3A_816 : vector<16xf32>
        %add3A_818 = arith.constant 3 : i32
        %add3A_819 = arith.addi %mul3A_439, %add3A_818 : i32
        %get3A_820 = arith.index_cast %add3A_819 : i32 to index
        %get3A_821 = arith.constant 96 : index
        %get3A_822 = tpu.vector_load %arg8[%get3A_820, %get3A_821] {strides = array<i32>} : memref<200x128xf32, #tpu.memory_space<vmem>>, vector<16xf32>,
        %add3A_823 = arith.addf %add3A_817, %get3A_822 : vector<16xf32>
        %add3A_824 = arith.constant 4 : i32
        %add3A_825 = arith.addi %mul3A_439, %add3A_824 : i32
        %get3A_826 = arith.index_cast %add3A_825 : i32 to index
        %get3A_827 = arith.constant 96 : index
        %get3A_828 = tpu.vector_load %arg8[%get3A_826, %get3A_827] {strides = array<i32>} : memref<200x128xf32, #tpu.memory_space<vmem>>, vector<16xf32>,
        %add3A_829 = arith.addf %add3A_823, %get3A_828 : vector<16xf32>
        %add3A_830 = arith.constant 5 : i32
        %add3A_831 = arith.addi %mul3A_439, %add3A_830 : i32
        %get3A_832 = arith.index_cast %add3A_831 : i32 to index
        %get3A_833 = arith.constant 96 : index
        %get3A_834 = tpu.vector_load %arg8[%get3A_832, %get3A_833] {strides = array<i32>} : memref<200x128xf32, #tpu.memory_space<vmem>>, vector<16xf32>,
        %add3A_835 = arith.addf %add3A_829, %get3A_834 : vector<16xf32>
        %add3A_836 = arith.constant 6 : i32
        %add3A_837 = arith.addi %mul3A_439, %add3A_836 : i32
        %get3A_838 = arith.index_cast %add3A_837 : i32 to index
        %get3A_839 = arith.constant 96 : index
        %get3A_840 = tpu.vector_load %arg8[%get3A_838, %get3A_839] {strides = array<i32>} : memref<200x128xf32, #tpu.memory_space<vmem>>, vector<16xf32>,
        %add3A_841 = arith.addf %add3A_835, %get3A_840 : vector<16xf32>
        %add3A_842 = arith.constant 7 : i32
        %add3A_843 = arith.addi %mul3A_439, %add3A_842 : i32
        %get3A_844 = arith.index_cast %add3A_843 : i32 to index
        %get3A_845 = arith.constant 96 : index
        %get3A_846 = tpu.vector_load %arg8[%get3A_844, %get3A_845] {strides = array<i32>} : memref<200x128xf32, #tpu.memory_space<vmem>>, vector<16xf32>,
        %add3A_847 = arith.addf %add3A_841, %get3A_846 : vector<16xf32>
        %add3A_848 = arith.constant 8 : i32
        %add3A_849 = arith.addi %mul3A_439, %add3A_848 : i32
        %get3A_850 = arith.index_cast %add3A_849 : i32 to index
        %get3A_851 = arith.constant 96 : index
        %get3A_852 = tpu.vector_load %arg8[%get3A_850, %get3A_851] {strides = array<i32>} : memref<200x128xf32, #tpu.memory_space<vmem>>, vector<16xf32>,
        %add3A_853 = arith.addf %add3A_847, %get3A_852 : vector<16xf32>
        %add3A_854 = arith.constant 9 : i32
        %add3A_855 = arith.addi %mul3A_439, %add3A_854 : i32
        %get3A_856 = arith.index_cast %add3A_855 : i32 to index
        %get3A_857 = arith.constant 96 : index
        %get3A_858 = tpu.vector_load %arg8[%get3A_856, %get3A_857] {strides = array<i32>} : memref<200x128xf32, #tpu.memory_space<vmem>>, vector<16xf32>,
        %add3A_859 = arith.addf %add3A_853, %get3A_858 : vector<16xf32>
        %add3A_860 = arith.constant 0 : i32
        %add3A_861 = arith.addi %mul3A_439, %add3A_860 : i32
        %get3A_862 = arith.index_cast %add3A_861 : i32 to index
        %get3A_863 = arith.constant 112 : index
        %get3A_864 = tpu.vector_load %arg8[%get3A_862, %get3A_863] {strides = array<i32>} : memref<200x128xf32, #tpu.memory_space<vmem>>, vector<16xf32>,
        %add3A_865 = arith.addf %scan3A_437, %get3A_864 : vector<16xf32>
        %add3A_866 = arith.constant 1 : i32
        %add3A_867 = arith.addi %mul3A_439, %add3A_866 : i32
        %get3A_868 = arith.index_cast %add3A_867 : i32 to index
        %get3A_869 = arith.constant 112 : index
        %get3A_870 = tpu.vector_load %arg8[%get3A_868, %get3A_869] {strides = array<i32>} : memref<200x128xf32, #tpu.memory_space<vmem>>, vector<16xf32>,
        %add3A_871 = arith.addf %add3A_865, %get3A_870 : vector<16xf32>
        %add3A_872 = arith.constant 2 : i32
        %add3A_873 = arith.addi %mul3A_439, %add3A_872 : i32
        %get3A_874 = arith.index_cast %add3A_873 : i32 to index
        %get3A_875 = arith.constant 112 : index
        %get3A_876 = tpu.vector_load %arg8[%get3A_874, %get3A_875] {strides = array<i32>} : memref<200x128xf32, #tpu.memory_space<vmem>>, vector<16xf32>,
        %add3A_877 = arith.addf %add3A_871, %get3A_876 : vector<16xf32>
        %add3A_878 = arith.constant 3 : i32
        %add3A_879 = arith.addi %mul3A_439, %add3A_878 : i32
        %get3A_880 = arith.index_cast %add3A_879 : i32 to index
        %get3A_881 = arith.constant 112 : index
        %get3A_882 = tpu.vector_load %arg8[%get3A_880, %get3A_881] {strides = array<i32>} : memref<200x128xf32, #tpu.memory_space<vmem>>, vector<16xf32>,
        %add3A_883 = arith.addf %add3A_877, %get3A_882 : vector<16xf32>
        %add3A_884 = arith.constant 4 : i32
        %add3A_885 = arith.addi %mul3A_439, %add3A_884 : i32
        %get3A_886 = arith.index_cast %add3A_885 : i32 to index
        %get3A_887 = arith.constant 112 : index
        %get3A_888 = tpu.vector_load %arg8[%get3A_886, %get3A_887] {strides = array<i32>} : memref<200x128xf32, #tpu.memory_space<vmem>>, vector<16xf32>,
        %add3A_889 = arith.addf %add3A_883, %get3A_888 : vector<16xf32>
        %add3A_890 = arith.constant 5 : i32
        %add3A_891 = arith.addi %mul3A_439, %add3A_890 : i32
        %get3A_892 = arith.index_cast %add3A_891 : i32 to index
        %get3A_893 = arith.constant 112 : index
        %get3A_894 = tpu.vector_load %arg8[%get3A_892, %get3A_893] {strides = array<i32>} : memref<200x128xf32, #tpu.memory_space<vmem>>, vector<16xf32>,
        %add3A_895 = arith.addf %add3A_889, %get3A_894 : vector<16xf32>
        %add3A_896 = arith.constant 6 : i32
        %add3A_897 = arith.addi %mul3A_439, %add3A_896 : i32
        %get3A_898 = arith.index_cast %add3A_897 : i32 to index
        %get3A_899 = arith.constant 112 : index
        %get3A_900 = tpu.vector_load %arg8[%get3A_898, %get3A_899] {strides = array<i32>} : memref<200x128xf32, #tpu.memory_space<vmem>>, vector<16xf32>,
        %add3A_901 = arith.addf %add3A_895, %get3A_900 : vector<16xf32>
        %add3A_902 = arith.constant 7 : i32
        %add3A_903 = arith.addi %mul3A_439, %add3A_902 : i32
        %get3A_904 = arith.index_cast %add3A_903 : i32 to index
        %get3A_905 = arith.constant 112 : index
        %get3A_906 = tpu.vector_load %arg8[%get3A_904, %get3A_905] {strides = array<i32>} : memref<200x128xf32, #tpu.memory_space<vmem>>, vector<16xf32>,
        %add3A_907 = arith.addf %add3A_901, %get3A_906 : vector<16xf32>
        %add3A_908 = arith.constant 8 : i32
        %add3A_909 = arith.addi %mul3A_439, %add3A_908 : i32
        %get3A_910 = arith.index_cast %add3A_909 : i32 to index
        %get3A_911 = arith.constant 112 : index
        %get3A_912 = tpu.vector_load %arg8[%get3A_910, %get3A_911] {strides = array<i32>} : memref<200x128xf32, #tpu.memory_space<vmem>>, vector<16xf32>,
        %add3A_913 = arith.addf %add3A_907, %get3A_912 : vector<16xf32>
        %add3A_914 = arith.constant 9 : i32
        %add3A_915 = arith.addi %mul3A_439, %add3A_914 : i32
        %get3A_916 = arith.index_cast %add3A_915 : i32 to index
        %get3A_917 = arith.constant 112 : index
        %get3A_918 = tpu.vector_load %arg8[%get3A_916, %get3A_917] {strides = array<i32>} : memref<200x128xf32, #tpu.memory_space<vmem>>, vector<16xf32>,
        %add3A_919 = arith.addf %add3A_913, %get3A_918 : vector<16xf32>
        scf.yield %add3A_499, %add3A_559, %add3A_619, %add3A_679, %add3A_739, %add3A_799, %add3A_859, %add3A_919 : vector<16xf32>, vector<16xf32>, vector<16xf32>, vector<16xf32>, vector<16xf32>, vector<16xf32>, vector<16xf32>, vector<16xf32>
      }
      %scan3A_65 = arith.constant 20 : i32
      %add3A_66 = arith.constant 4 : i32
      %add3A_67 = arith.addi %add3A_52, %add3A_66 : i32
      %lt3A = arith.constant 32 : i32
      %lt3A_68 = arith.cmpi slt, %add3A_67, %lt3A : i32
      %convert_element_type3A = arith.extui %lt3A_68 : i1 to i32
      %cond3A = arith.constant 0 : i32
      %cond3A_69 = arith.cmpi ne, %convert_element_type3A, %cond3A : i32
      scf.if %cond3A_69 {
        %add3A_429 = arith.constant 4 : i32
        %add3A_430 = arith.addi %add3A_52, %add3A_429 : i32
        %mul3A_431 = arith.constant 200 : i32
        %mul3A_432 = arith.muli %add3A_430, %mul3A_431 : i32
        %dma_start3A_433 = tpu.memref_slice %arg7[%mul3A_432] : memref<6400xi32, #tpu.memory_space<vmem>> -> memref<200xi32, #tpu.memory_space<vmem>>
        %dma_start3A_434 = arith.constant 0 : i32
        %dma_start3A_435 = arith.constant 0 : i32
        %dma_start3A_436 = tpu.memref_slice %arg3[%dma_start3A_434, %dma_start3A_435] : memref<100000x128xf32, #tpu.memory_space<hbm>> -> memref<100000x128xf32, #tpu.memory_space<hbm>>
        tpu.enqueue_indirect_dma source(%dma_start3A_436 : memref<100000x128xf32, #tpu.memory_space<hbm>>) target(%arg8 : memref<200x128xf32, #tpu.memory_space<vmem>>) offsets(%dma_start3A_433 : memref<200xi32, #tpu.memory_space<vmem>>) semaphore(%arg15 : memref<!tpu.dma_semaphore, #tpu.memory_space<semaphore_mem>>)
      } else {
      }
      %broadcast_in_dim3A_70 = arith.constant false
      %broadcast_in_dim3A_71 = vector.broadcast %broadcast_in_dim3A_70 : i1 to vector<16xi1>
      %add3A_72 = arith.addf %scan3A_64#0, %get3A_5 : vector<16xf32>
      %swap3A_73 = arith.index_cast %add3A_52 : i32 to index
      %swap3A_74 = arith.constant 0 : index
      %swap3A_75 = tpu.vector_load %arg12[%swap3A_73, %swap3A_74] {strides = array<i32>} : memref<32x128xf32, #tpu.memory_space<vmem>>, vector<16xf32>,
      tpu.vector_store %arg12[%swap3A_73, %swap3A_74], %add3A_72 {strides = array<i32>} : memref<32x128xf32, #tpu.memory_space<vmem>>, vector<16xf32>,
      %ne3A = arith.constant 0.000000e+00 : f32
      %ne3A_76 = vector.broadcast %ne3A : f32 to vector<16xf32>
      %ne3A_77 = arith.cmpf one, %add3A_72, %ne3A_76 : vector<16xf32>
      %or3A = arith.ori %broadcast_in_dim3A_71, %ne3A_77 : vector<16xi1>
      %add3A_78 = arith.addf %scan3A_64#1, %get3A_7 : vector<16xf32>
      %swap3A_79 = arith.index_cast %add3A_52 : i32 to index
      %swap3A_80 = arith.constant 16 : index
      %swap3A_81 = tpu.vector_load %arg12[%swap3A_79, %swap3A_80] {strides = array<i32>} : memref<32x128xf32, #tpu.memory_space<vmem>>, vector<16xf32>,
      tpu.vector_store %arg12[%swap3A_79, %swap3A_80], %add3A_78 {strides = array<i32>} : memref<32x128xf32, #tpu.memory_space<vmem>>, vector<16xf32>,
      %ne3A_82 = arith.constant 0.000000e+00 : f32
      %ne3A_83 = vector.broadcast %ne3A_82 : f32 to vector<16xf32>
      %ne3A_84 = arith.cmpf one, %add3A_78, %ne3A_83 : vector<16xf32>
      %or3A_85 = arith.ori %or3A, %ne3A_84 : vector<16xi1>
      %add3A_86 = arith.addf %scan3A_64#2, %get3A_9 : vector<16xf32>
      %swap3A_87 = arith.index_cast %add3A_52 : i32 to index
      %swap3A_88 = arith.constant 32 : index
      %swap3A_89 = tpu.vector_load %arg12[%swap3A_87, %swap3A_88] {strides = array<i32>} : memref<32x128xf32, #tpu.memory_space<vmem>>, vector<16xf32>,
      tpu.vector_store %arg12[%swap3A_87, %swap3A_88], %add3A_86 {strides = array<i32>} : memref<32x128xf32, #tpu.memory_space<vmem>>, vector<16xf32>,
      %ne3A_90 = arith.constant 0.000000e+00 : f32
      %ne3A_91 = vector.broadcast %ne3A_90 : f32 to vector<16xf32>
      %ne3A_92 = arith.cmpf one, %add3A_86, %ne3A_91 : vector<16xf32>
      %or3A_93 = arith.ori %or3A_85, %ne3A_92 : vector<16xi1>
      %add3A_94 = arith.addf %scan3A_64#3, %get3A_11 : vector<16xf32>
      %swap3A_95 = arith.index_cast %add3A_52 : i32 to index
      %swap3A_96 = arith.constant 48 : index
      %swap3A_97 = tpu.vector_load %arg12[%swap3A_95, %swap3A_96] {strides = array<i32>} : memref<32x128xf32, #tpu.memory_space<vmem>>, vector<16xf32>,
      tpu.vector_store %arg12[%swap3A_95, %swap3A_96], %add3A_94 {strides = array<i32>} : memref<32x128xf32, #tpu.memory_space<vmem>>, vector<16xf32>,
      %ne3A_98 = arith.constant 0.000000e+00 : f32
      %ne3A_99 = vector.broadcast %ne3A_98 : f32 to vector<16xf32>
      %ne3A_100 = arith.cmpf one, %add3A_94, %ne3A_99 : vector<16xf32>
      %or3A_101 = arith.ori %or3A_93, %ne3A_100 : vector<16xi1>
      %add3A_102 = arith.addf %scan3A_64#4, %get3A_13 : vector<16xf32>
      %swap3A_103 = arith.index_cast %add3A_52 : i32 to index
      %swap3A_104 = arith.constant 64 : index
      %swap3A_105 = tpu.vector_load %arg12[%swap3A_103, %swap3A_104] {strides = array<i32>} : memref<32x128xf32, #tpu.memory_space<vmem>>, vector<16xf32>,
      tpu.vector_store %arg12[%swap3A_103, %swap3A_104], %add3A_102 {strides = array<i32>} : memref<32x128xf32, #tpu.memory_space<vmem>>, vector<16xf32>,
      %ne3A_106 = arith.constant 0.000000e+00 : f32
      %ne3A_107 = vector.broadcast %ne3A_106 : f32 to vector<16xf32>
      %ne3A_108 = arith.cmpf one, %add3A_102, %ne3A_107 : vector<16xf32>
      %or3A_109 = arith.ori %or3A_101, %ne3A_108 : vector<16xi1>
      %add3A_110 = arith.addf %scan3A_64#5, %get3A_15 : vector<16xf32>
      %swap3A_111 = arith.index_cast %add3A_52 : i32 to index
      %swap3A_112 = arith.constant 80 : index
      %swap3A_113 = tpu.vector_load %arg12[%swap3A_111, %swap3A_112] {strides = array<i32>} : memref<32x128xf32, #tpu.memory_space<vmem>>, vector<16xf32>,
      tpu.vector_store %arg12[%swap3A_111, %swap3A_112], %add3A_110 {strides = array<i32>} : memref<32x128xf32, #tpu.memory_space<vmem>>, vector<16xf32>,
      %ne3A_114 = arith.constant 0.000000e+00 : f32
      %ne3A_115 = vector.broadcast %ne3A_114 : f32 to vector<16xf32>
      %ne3A_116 = arith.cmpf one, %add3A_110, %ne3A_115 : vector<16xf32>
      %or3A_117 = arith.ori %or3A_109, %ne3A_116 : vector<16xi1>
      %add3A_118 = arith.addf %scan3A_64#6, %get3A_17 : vector<16xf32>
      %swap3A_119 = arith.index_cast %add3A_52 : i32 to index
      %swap3A_120 = arith.constant 96 : index
      %swap3A_121 = tpu.vector_load %arg12[%swap3A_119, %swap3A_120] {strides = array<i32>} : memref<32x128xf32, #tpu.memory_space<vmem>>, vector<16xf32>,
      tpu.vector_store %arg12[%swap3A_119, %swap3A_120], %add3A_118 {strides = array<i32>} : memref<32x128xf32, #tpu.memory_space<vmem>>, vector<16xf32>,
      %ne3A_122 = arith.constant 0.000000e+00 : f32
      %ne3A_123 = vector.broadcast %ne3A_122 : f32 to vector<16xf32>
      %ne3A_124 = arith.cmpf one, %add3A_118, %ne3A_123 : vector<16xf32>
      %or3A_125 = arith.ori %or3A_117, %ne3A_124 : vector<16xi1>
      %add3A_126 = arith.addf %scan3A_64#7, %get3A_19 : vector<16xf32>
      %swap3A_127 = arith.index_cast %add3A_52 : i32 to index
      %swap3A_128 = arith.constant 112 : index
      %swap3A_129 = tpu.vector_load %arg12[%swap3A_127, %swap3A_128] {strides = array<i32>} : memref<32x128xf32, #tpu.memory_space<vmem>>, vector<16xf32>,
      tpu.vector_store %arg12[%swap3A_127, %swap3A_128], %add3A_126 {strides = array<i32>} : memref<32x128xf32, #tpu.memory_space<vmem>>, vector<16xf32>,
      %ne3A_130 = arith.constant 0.000000e+00 : f32
      %ne3A_131 = vector.broadcast %ne3A_130 : f32 to vector<16xf32>
      %ne3A_132 = arith.cmpf one, %add3A_126, %ne3A_131 : vector<16xf32>
      %or3A_133 = arith.ori %or3A_125, %ne3A_132 : vector<16xi1>
      %jit3A = arith.constant 1 : i32
      %jit3A_134 = arith.constant 0 : i32
      %broadcast_in_dim3A_135 = vector.broadcast %jit3A : i32 to vector<16xi32>
      %broadcast_in_dim3A_136 = vector.broadcast %jit3A_134 : i32 to vector<16xi32>
      %select_n3A = arith.select %or3A_133, %broadcast_in_dim3A_135, %broadcast_in_dim3A_136 : vector<16xi1>, vector<16xi32>
      %broadcast_in_dim3A_137 = vector.broadcast %add3A_52 : i32 to vector<16xi32>
      tpu.vector_store_idx %arg14[%broadcast_in_dim3A_137], %select_n3A {add = true} : memref<32xi32, #tpu.memory_space<vmem>>[vector<16xi32>], vector<16xi32>,
      %mul3A_138 = arith.constant 4 : i32
      %mul3A_139 = arith.muli %mul3A_138, %scan3A_48 : i32
      %add3A_140 = arith.constant 1 : i32
      %add3A_141 = arith.addi %mul3A_139, %add3A_140 : i32
      %mul3A_142 = arith.constant 200 : i32
      %mul3A_143 = arith.muli %add3A_141, %mul3A_142 : i32
      %dma_wait3A_144 = tpu.memref_slice %arg7[%mul3A_143] : memref<6400xi32, #tpu.memory_space<vmem>> -> memref<200xi32, #tpu.memory_space<vmem>>
      %dma_wait3A_145 = arith.constant 0 : i32
      %dma_wait3A_146 = arith.constant 0 : i32
      %dma_wait3A_147 = tpu.memref_slice %arg3[%dma_wait3A_145, %dma_wait3A_146] : memref<100000x128xf32, #tpu.memory_space<hbm>> -> memref<100000x128xf32, #tpu.memory_space<hbm>>
      tpu.wait_indirect_dma semaphore(%arg16 : memref<!tpu.dma_semaphore, #tpu.memory_space<semaphore_mem>>) src(%dma_wait3A_147 : memref<100000x128xf32, #tpu.memory_space<hbm>>) dst(%arg9 : memref<200x128xf32, #tpu.memory_space<vmem>>)
      %broadcast_in_dim3A_148 = arith.constant 0.000000e+00 : f32
      %broadcast_in_dim3A_149 = vector.broadcast %broadcast_in_dim3A_148 : f32 to vector<16xf32>
      %scan3A_150 = arith.constant 0 : i32
      %scan3A_151 = arith.constant 20 : i32
      %scan3A_152 = arith.addi %scan3A_150, %scan3A_151 : i32
      %scan3A_153 = arith.constant 1 : i32
      %scan3A_154:8 = scf.for %scan3A_429 = %scan3A_150 to %scan3A_152 step %scan3A_153 iter_args(%scan3A_430 = %broadcast_in_dim3A_149, %scan3A_431 = %broadcast_in_dim3A_149, %scan3A_432 = %broadcast_in_dim3A_149, %scan3A_433 = %broadcast_in_dim3A_149, %scan3A_434 = %broadcast_in_dim3A_149, %scan3A_435 = %broadcast_in_dim3A_149, %scan3A_436 = %broadcast_in_dim3A_149, %scan3A_437 = %broadcast_in_dim3A_149) -> (vector<16xf32>, vector<16xf32>, vector<16xf32>, vector<16xf32>, vector<16xf32>, vector<16xf32>, vector<16xf32>, vector<16xf32>)  : i32 {
        %mul3A_438 = arith.constant 10 : i32
        %mul3A_439 = arith.muli %scan3A_429, %mul3A_438 : i32
        %add3A_440 = arith.constant 0 : i32
        %add3A_441 = arith.addi %mul3A_439, %add3A_440 : i32
        %get3A_442 = arith.index_cast %add3A_441 : i32 to index
        %get3A_443 = arith.constant 0 : index
        %get3A_444 = tpu.vector_load %arg9[%get3A_442, %get3A_443] {strides = array<i32>} : memref<200x128xf32, #tpu.memory_space<vmem>>, vector<16xf32>,
        %add3A_445 = arith.addf %scan3A_430, %get3A_444 : vector<16xf32>
        %add3A_446 = arith.constant 1 : i32
        %add3A_447 = arith.addi %mul3A_439, %add3A_446 : i32
        %get3A_448 = arith.index_cast %add3A_447 : i32 to index
        %get3A_449 = arith.constant 0 : index
        %get3A_450 = tpu.vector_load %arg9[%get3A_448, %get3A_449] {strides = array<i32>} : memref<200x128xf32, #tpu.memory_space<vmem>>, vector<16xf32>,
        %add3A_451 = arith.addf %add3A_445, %get3A_450 : vector<16xf32>
        %add3A_452 = arith.constant 2 : i32
        %add3A_453 = arith.addi %mul3A_439, %add3A_452 : i32
        %get3A_454 = arith.index_cast %add3A_453 : i32 to index
        %get3A_455 = arith.constant 0 : index
        %get3A_456 = tpu.vector_load %arg9[%get3A_454, %get3A_455] {strides = array<i32>} : memref<200x128xf32, #tpu.memory_space<vmem>>, vector<16xf32>,
        %add3A_457 = arith.addf %add3A_451, %get3A_456 : vector<16xf32>
        %add3A_458 = arith.constant 3 : i32
        %add3A_459 = arith.addi %mul3A_439, %add3A_458 : i32
        %get3A_460 = arith.index_cast %add3A_459 : i32 to index
        %get3A_461 = arith.constant 0 : index
        %get3A_462 = tpu.vector_load %arg9[%get3A_460, %get3A_461] {strides = array<i32>} : memref<200x128xf32, #tpu.memory_space<vmem>>, vector<16xf32>,
        %add3A_463 = arith.addf %add3A_457, %get3A_462 : vector<16xf32>
        %add3A_464 = arith.constant 4 : i32
        %add3A_465 = arith.addi %mul3A_439, %add3A_464 : i32
        %get3A_466 = arith.index_cast %add3A_465 : i32 to index
        %get3A_467 = arith.constant 0 : index
        %get3A_468 = tpu.vector_load %arg9[%get3A_466, %get3A_467] {strides = array<i32>} : memref<200x128xf32, #tpu.memory_space<vmem>>, vector<16xf32>,
        %add3A_469 = arith.addf %add3A_463, %get3A_468 : vector<16xf32>
        %add3A_470 = arith.constant 5 : i32
        %add3A_471 = arith.addi %mul3A_439, %add3A_470 : i32
        %get3A_472 = arith.index_cast %add3A_471 : i32 to index
        %get3A_473 = arith.constant 0 : index
        %get3A_474 = tpu.vector_load %arg9[%get3A_472, %get3A_473] {strides = array<i32>} : memref<200x128xf32, #tpu.memory_space<vmem>>, vector<16xf32>,
        %add3A_475 = arith.addf %add3A_469, %get3A_474 : vector<16xf32>
        %add3A_476 = arith.constant 6 : i32
        %add3A_477 = arith.addi %mul3A_439, %add3A_476 : i32
        %get3A_478 = arith.index_cast %add3A_477 : i32 to index
        %get3A_479 = arith.constant 0 : index
        %get3A_480 = tpu.vector_load %arg9[%get3A_478, %get3A_479] {strides = array<i32>} : memref<200x128xf32, #tpu.memory_space<vmem>>, vector<16xf32>,
        %add3A_481 = arith.addf %add3A_475, %get3A_480 : vector<16xf32>
        %add3A_482 = arith.constant 7 : i32
        %add3A_483 = arith.addi %mul3A_439, %add3A_482 : i32
        %get3A_484 = arith.index_cast %add3A_483 : i32 to index
        %get3A_485 = arith.constant 0 : index
        %get3A_486 = tpu.vector_load %arg9[%get3A_484, %get3A_485] {strides = array<i32>} : memref<200x128xf32, #tpu.memory_space<vmem>>, vector<16xf32>,
        %add3A_487 = arith.addf %add3A_481, %get3A_486 : vector<16xf32>
        %add3A_488 = arith.constant 8 : i32
        %add3A_489 = arith.addi %mul3A_439, %add3A_488 : i32
        %get3A_490 = arith.index_cast %add3A_489 : i32 to index
        %get3A_491 = arith.constant 0 : index
        %get3A_492 = tpu.vector_load %arg9[%get3A_490, %get3A_491] {strides = array<i32>} : memref<200x128xf32, #tpu.memory_space<vmem>>, vector<16xf32>,
        %add3A_493 = arith.addf %add3A_487, %get3A_492 : vector<16xf32>
        %add3A_494 = arith.constant 9 : i32
        %add3A_495 = arith.addi %mul3A_439, %add3A_494 : i32
        %get3A_496 = arith.index_cast %add3A_495 : i32 to index
        %get3A_497 = arith.constant 0 : index
        %get3A_498 = tpu.vector_load %arg9[%get3A_496, %get3A_497] {strides = array<i32>} : memref<200x128xf32, #tpu.memory_space<vmem>>, vector<16xf32>,
        %add3A_499 = arith.addf %add3A_493, %get3A_498 : vector<16xf32>
        %add3A_500 = arith.constant 0 : i32
        %add3A_501 = arith.addi %mul3A_439, %add3A_500 : i32
        %get3A_502 = arith.index_cast %add3A_501 : i32 to index
        %get3A_503 = arith.constant 16 : index
        %get3A_504 = tpu.vector_load %arg9[%get3A_502, %get3A_503] {strides = array<i32>} : memref<200x128xf32, #tpu.memory_space<vmem>>, vector<16xf32>,
        %add3A_505 = arith.addf %scan3A_431, %get3A_504 : vector<16xf32>
        %add3A_506 = arith.constant 1 : i32
        %add3A_507 = arith.addi %mul3A_439, %add3A_506 : i32
        %get3A_508 = arith.index_cast %add3A_507 : i32 to index
        %get3A_509 = arith.constant 16 : index
        %get3A_510 = tpu.vector_load %arg9[%get3A_508, %get3A_509] {strides = array<i32>} : memref<200x128xf32, #tpu.memory_space<vmem>>, vector<16xf32>,
        %add3A_511 = arith.addf %add3A_505, %get3A_510 : vector<16xf32>
        %add3A_512 = arith.constant 2 : i32
        %add3A_513 = arith.addi %mul3A_439, %add3A_512 : i32
        %get3A_514 = arith.index_cast %add3A_513 : i32 to index
        %get3A_515 = arith.constant 16 : index
        %get3A_516 = tpu.vector_load %arg9[%get3A_514, %get3A_515] {strides = array<i32>} : memref<200x128xf32, #tpu.memory_space<vmem>>, vector<16xf32>,
        %add3A_517 = arith.addf %add3A_511, %get3A_516 : vector<16xf32>
        %add3A_518 = arith.constant 3 : i32
        %add3A_519 = arith.addi %mul3A_439, %add3A_518 : i32
        %get3A_520 = arith.index_cast %add3A_519 : i32 to index
        %get3A_521 = arith.constant 16 : index
        %get3A_522 = tpu.vector_load %arg9[%get3A_520, %get3A_521] {strides = array<i32>} : memref<200x128xf32, #tpu.memory_space<vmem>>, vector<16xf32>,
        %add3A_523 = arith.addf %add3A_517, %get3A_522 : vector<16xf32>
        %add3A_524 = arith.constant 4 : i32
        %add3A_525 = arith.addi %mul3A_439, %add3A_524 : i32
        %get3A_526 = arith.index_cast %add3A_525 : i32 to index
        %get3A_527 = arith.constant 16 : index
        %get3A_528 = tpu.vector_load %arg9[%get3A_526, %get3A_527] {strides = array<i32>} : memref<200x128xf32, #tpu.memory_space<vmem>>, vector<16xf32>,
        %add3A_529 = arith.addf %add3A_523, %get3A_528 : vector<16xf32>
        %add3A_530 = arith.constant 5 : i32
        %add3A_531 = arith.addi %mul3A_439, %add3A_530 : i32
        %get3A_532 = arith.index_cast %add3A_531 : i32 to index
        %get3A_533 = arith.constant 16 : index
        %get3A_534 = tpu.vector_load %arg9[%get3A_532, %get3A_533] {strides = array<i32>} : memref<200x128xf32, #tpu.memory_space<vmem>>, vector<16xf32>,
        %add3A_535 = arith.addf %add3A_529, %get3A_534 : vector<16xf32>
        %add3A_536 = arith.constant 6 : i32
        %add3A_537 = arith.addi %mul3A_439, %add3A_536 : i32
        %get3A_538 = arith.index_cast %add3A_537 : i32 to index
        %get3A_539 = arith.constant 16 : index
        %get3A_540 = tpu.vector_load %arg9[%get3A_538, %get3A_539] {strides = array<i32>} : memref<200x128xf32, #tpu.memory_space<vmem>>, vector<16xf32>,
        %add3A_541 = arith.addf %add3A_535, %get3A_540 : vector<16xf32>
        %add3A_542 = arith.constant 7 : i32
        %add3A_543 = arith.addi %mul3A_439, %add3A_542 : i32
        %get3A_544 = arith.index_cast %add3A_543 : i32 to index
        %get3A_545 = arith.constant 16 : index
        %get3A_546 = tpu.vector_load %arg9[%get3A_544, %get3A_545] {strides = array<i32>} : memref<200x128xf32, #tpu.memory_space<vmem>>, vector<16xf32>,
        %add3A_547 = arith.addf %add3A_541, %get3A_546 : vector<16xf32>
        %add3A_548 = arith.constant 8 : i32
        %add3A_549 = arith.addi %mul3A_439, %add3A_548 : i32
        %get3A_550 = arith.index_cast %add3A_549 : i32 to index
        %get3A_551 = arith.constant 16 : index
        %get3A_552 = tpu.vector_load %arg9[%get3A_550, %get3A_551] {strides = array<i32>} : memref<200x128xf32, #tpu.memory_space<vmem>>, vector<16xf32>,
        %add3A_553 = arith.addf %add3A_547, %get3A_552 : vector<16xf32>
        %add3A_554 = arith.constant 9 : i32
        %add3A_555 = arith.addi %mul3A_439, %add3A_554 : i32
        %get3A_556 = arith.index_cast %add3A_555 : i32 to index
        %get3A_557 = arith.constant 16 : index
        %get3A_558 = tpu.vector_load %arg9[%get3A_556, %get3A_557] {strides = array<i32>} : memref<200x128xf32, #tpu.memory_space<vmem>>, vector<16xf32>,
        %add3A_559 = arith.addf %add3A_553, %get3A_558 : vector<16xf32>
        %add3A_560 = arith.constant 0 : i32
        %add3A_561 = arith.addi %mul3A_439, %add3A_560 : i32
        %get3A_562 = arith.index_cast %add3A_561 : i32 to index
        %get3A_563 = arith.constant 32 : index
        %get3A_564 = tpu.vector_load %arg9[%get3A_562, %get3A_563] {strides = array<i32>} : memref<200x128xf32, #tpu.memory_space<vmem>>, vector<16xf32>,
        %add3A_565 = arith.addf %scan3A_432, %get3A_564 : vector<16xf32>
        %add3A_566 = arith.constant 1 : i32
        %add3A_567 = arith.addi %mul3A_439, %add3A_566 : i32
        %get3A_568 = arith.index_cast %add3A_567 : i32 to index
        %get3A_569 = arith.constant 32 : index
        %get3A_570 = tpu.vector_load %arg9[%get3A_568, %get3A_569] {strides = array<i32>} : memref<200x128xf32, #tpu.memory_space<vmem>>, vector<16xf32>,
        %add3A_571 = arith.addf %add3A_565, %get3A_570 : vector<16xf32>
        %add3A_572 = arith.constant 2 : i32
        %add3A_573 = arith.addi %mul3A_439, %add3A_572 : i32
        %get3A_574 = arith.index_cast %add3A_573 : i32 to index
        %get3A_575 = arith.constant 32 : index
        %get3A_576 = tpu.vector_load %arg9[%get3A_574, %get3A_575] {strides = array<i32>} : memref<200x128xf32, #tpu.memory_space<vmem>>, vector<16xf32>,
        %add3A_577 = arith.addf %add3A_571, %get3A_576 : vector<16xf32>
        %add3A_578 = arith.constant 3 : i32
        %add3A_579 = arith.addi %mul3A_439, %add3A_578 : i32
        %get3A_580 = arith.index_cast %add3A_579 : i32 to index
        %get3A_581 = arith.constant 32 : index
        %get3A_582 = tpu.vector_load %arg9[%get3A_580, %get3A_581] {strides = array<i32>} : memref<200x128xf32, #tpu.memory_space<vmem>>, vector<16xf32>,
        %add3A_583 = arith.addf %add3A_577, %get3A_582 : vector<16xf32>
        %add3A_584 = arith.constant 4 : i32
        %add3A_585 = arith.addi %mul3A_439, %add3A_584 : i32
        %get3A_586 = arith.index_cast %add3A_585 : i32 to index
        %get3A_587 = arith.constant 32 : index
        %get3A_588 = tpu.vector_load %arg9[%get3A_586, %get3A_587] {strides = array<i32>} : memref<200x128xf32, #tpu.memory_space<vmem>>, vector<16xf32>,
        %add3A_589 = arith.addf %add3A_583, %get3A_588 : vector<16xf32>
        %add3A_590 = arith.constant 5 : i32
        %add3A_591 = arith.addi %mul3A_439, %add3A_590 : i32
        %get3A_592 = arith.index_cast %add3A_591 : i32 to index
        %get3A_593 = arith.constant 32 : index
        %get3A_594 = tpu.vector_load %arg9[%get3A_592, %get3A_593] {strides = array<i32>} : memref<200x128xf32, #tpu.memory_space<vmem>>, vector<16xf32>,
        %add3A_595 = arith.addf %add3A_589, %get3A_594 : vector<16xf32>
        %add3A_596 = arith.constant 6 : i32
        %add3A_597 = arith.addi %mul3A_439, %add3A_596 : i32
        %get3A_598 = arith.index_cast %add3A_597 : i32 to index
        %get3A_599 = arith.constant 32 : index
        %get3A_600 = tpu.vector_load %arg9[%get3A_598, %get3A_599] {strides = array<i32>} : memref<200x128xf32, #tpu.memory_space<vmem>>, vector<16xf32>,
        %add3A_601 = arith.addf %add3A_595, %get3A_600 : vector<16xf32>
        %add3A_602 = arith.constant 7 : i32
        %add3A_603 = arith.addi %mul3A_439, %add3A_602 : i32
        %get3A_604 = arith.index_cast %add3A_603 : i32 to index
        %get3A_605 = arith.constant 32 : index
        %get3A_606 = tpu.vector_load %arg9[%get3A_604, %get3A_605] {strides = array<i32>} : memref<200x128xf32, #tpu.memory_space<vmem>>, vector<16xf32>,
        %add3A_607 = arith.addf %add3A_601, %get3A_606 : vector<16xf32>
        %add3A_608 = arith.constant 8 : i32
        %add3A_609 = arith.addi %mul3A_439, %add3A_608 : i32
        %get3A_610 = arith.index_cast %add3A_609 : i32 to index
        %get3A_611 = arith.constant 32 : index
        %get3A_612 = tpu.vector_load %arg9[%get3A_610, %get3A_611] {strides = array<i32>} : memref<200x128xf32, #tpu.memory_space<vmem>>, vector<16xf32>,
        %add3A_613 = arith.addf %add3A_607, %get3A_612 : vector<16xf32>
        %add3A_614 = arith.constant 9 : i32
        %add3A_615 = arith.addi %mul3A_439, %add3A_614 : i32
        %get3A_616 = arith.index_cast %add3A_615 : i32 to index
        %get3A_617 = arith.constant 32 : index
        %get3A_618 = tpu.vector_load %arg9[%get3A_616, %get3A_617] {strides = array<i32>} : memref<200x128xf32, #tpu.memory_space<vmem>>, vector<16xf32>,
        %add3A_619 = arith.addf %add3A_613, %get3A_618 : vector<16xf32>
        %add3A_620 = arith.constant 0 : i32
        %add3A_621 = arith.addi %mul3A_439, %add3A_620 : i32
        %get3A_622 = arith.index_cast %add3A_621 : i32 to index
        %get3A_623 = arith.constant 48 : index
        %get3A_624 = tpu.vector_load %arg9[%get3A_622, %get3A_623] {strides = array<i32>} : memref<200x128xf32, #tpu.memory_space<vmem>>, vector<16xf32>,
        %add3A_625 = arith.addf %scan3A_433, %get3A_624 : vector<16xf32>
        %add3A_626 = arith.constant 1 : i32
        %add3A_627 = arith.addi %mul3A_439, %add3A_626 : i32
        %get3A_628 = arith.index_cast %add3A_627 : i32 to index
        %get3A_629 = arith.constant 48 : index
        %get3A_630 = tpu.vector_load %arg9[%get3A_628, %get3A_629] {strides = array<i32>} : memref<200x128xf32, #tpu.memory_space<vmem>>, vector<16xf32>,
        %add3A_631 = arith.addf %add3A_625, %get3A_630 : vector<16xf32>
        %add3A_632 = arith.constant 2 : i32
        %add3A_633 = arith.addi %mul3A_439, %add3A_632 : i32
        %get3A_634 = arith.index_cast %add3A_633 : i32 to index
        %get3A_635 = arith.constant 48 : index
        %get3A_636 = tpu.vector_load %arg9[%get3A_634, %get3A_635] {strides = array<i32>} : memref<200x128xf32, #tpu.memory_space<vmem>>, vector<16xf32>,
        %add3A_637 = arith.addf %add3A_631, %get3A_636 : vector<16xf32>
        %add3A_638 = arith.constant 3 : i32
        %add3A_639 = arith.addi %mul3A_439, %add3A_638 : i32
        %get3A_640 = arith.index_cast %add3A_639 : i32 to index
        %get3A_641 = arith.constant 48 : index
        %get3A_642 = tpu.vector_load %arg9[%get3A_640, %get3A_641] {strides = array<i32>} : memref<200x128xf32, #tpu.memory_space<vmem>>, vector<16xf32>,
        %add3A_643 = arith.addf %add3A_637, %get3A_642 : vector<16xf32>
        %add3A_644 = arith.constant 4 : i32
        %add3A_645 = arith.addi %mul3A_439, %add3A_644 : i32
        %get3A_646 = arith.index_cast %add3A_645 : i32 to index
        %get3A_647 = arith.constant 48 : index
        %get3A_648 = tpu.vector_load %arg9[%get3A_646, %get3A_647] {strides = array<i32>} : memref<200x128xf32, #tpu.memory_space<vmem>>, vector<16xf32>,
        %add3A_649 = arith.addf %add3A_643, %get3A_648 : vector<16xf32>
        %add3A_650 = arith.constant 5 : i32
        %add3A_651 = arith.addi %mul3A_439, %add3A_650 : i32
        %get3A_652 = arith.index_cast %add3A_651 : i32 to index
        %get3A_653 = arith.constant 48 : index
        %get3A_654 = tpu.vector_load %arg9[%get3A_652, %get3A_653] {strides = array<i32>} : memref<200x128xf32, #tpu.memory_space<vmem>>, vector<16xf32>,
        %add3A_655 = arith.addf %add3A_649, %get3A_654 : vector<16xf32>
        %add3A_656 = arith.constant 6 : i32
        %add3A_657 = arith.addi %mul3A_439, %add3A_656 : i32
        %get3A_658 = arith.index_cast %add3A_657 : i32 to index
        %get3A_659 = arith.constant 48 : index
        %get3A_660 = tpu.vector_load %arg9[%get3A_658, %get3A_659] {strides = array<i32>} : memref<200x128xf32, #tpu.memory_space<vmem>>, vector<16xf32>,
        %add3A_661 = arith.addf %add3A_655, %get3A_660 : vector<16xf32>
        %add3A_662 = arith.constant 7 : i32
        %add3A_663 = arith.addi %mul3A_439, %add3A_662 : i32
        %get3A_664 = arith.index_cast %add3A_663 : i32 to index
        %get3A_665 = arith.constant 48 : index
        %get3A_666 = tpu.vector_load %arg9[%get3A_664, %get3A_665] {strides = array<i32>} : memref<200x128xf32, #tpu.memory_space<vmem>>, vector<16xf32>,
        %add3A_667 = arith.addf %add3A_661, %get3A_666 : vector<16xf32>
        %add3A_668 = arith.constant 8 : i32
        %add3A_669 = arith.addi %mul3A_439, %add3A_668 : i32
        %get3A_670 = arith.index_cast %add3A_669 : i32 to index
        %get3A_671 = arith.constant 48 : index
        %get3A_672 = tpu.vector_load %arg9[%get3A_670, %get3A_671] {strides = array<i32>} : memref<200x128xf32, #tpu.memory_space<vmem>>, vector<16xf32>,
        %add3A_673 = arith.addf %add3A_667, %get3A_672 : vector<16xf32>
        %add3A_674 = arith.constant 9 : i32
        %add3A_675 = arith.addi %mul3A_439, %add3A_674 : i32
        %get3A_676 = arith.index_cast %add3A_675 : i32 to index
        %get3A_677 = arith.constant 48 : index
        %get3A_678 = tpu.vector_load %arg9[%get3A_676, %get3A_677] {strides = array<i32>} : memref<200x128xf32, #tpu.memory_space<vmem>>, vector<16xf32>,
        %add3A_679 = arith.addf %add3A_673, %get3A_678 : vector<16xf32>
        %add3A_680 = arith.constant 0 : i32
        %add3A_681 = arith.addi %mul3A_439, %add3A_680 : i32
        %get3A_682 = arith.index_cast %add3A_681 : i32 to index
        %get3A_683 = arith.constant 64 : index
        %get3A_684 = tpu.vector_load %arg9[%get3A_682, %get3A_683] {strides = array<i32>} : memref<200x128xf32, #tpu.memory_space<vmem>>, vector<16xf32>,
        %add3A_685 = arith.addf %scan3A_434, %get3A_684 : vector<16xf32>
        %add3A_686 = arith.constant 1 : i32
        %add3A_687 = arith.addi %mul3A_439, %add3A_686 : i32
        %get3A_688 = arith.index_cast %add3A_687 : i32 to index
        %get3A_689 = arith.constant 64 : index
        %get3A_690 = tpu.vector_load %arg9[%get3A_688, %get3A_689] {strides = array<i32>} : memref<200x128xf32, #tpu.memory_space<vmem>>, vector<16xf32>,
        %add3A_691 = arith.addf %add3A_685, %get3A_690 : vector<16xf32>
        %add3A_692 = arith.constant 2 : i32
        %add3A_693 = arith.addi %mul3A_439, %add3A_692 : i32
        %get3A_694 = arith.index_cast %add3A_693 : i32 to index
        %get3A_695 = arith.constant 64 : index
        %get3A_696 = tpu.vector_load %arg9[%get3A_694, %get3A_695] {strides = array<i32>} : memref<200x128xf32, #tpu.memory_space<vmem>>, vector<16xf32>,
        %add3A_697 = arith.addf %add3A_691, %get3A_696 : vector<16xf32>
        %add3A_698 = arith.constant 3 : i32
        %add3A_699 = arith.addi %mul3A_439, %add3A_698 : i32
        %get3A_700 = arith.index_cast %add3A_699 : i32 to index
        %get3A_701 = arith.constant 64 : index
        %get3A_702 = tpu.vector_load %arg9[%get3A_700, %get3A_701] {strides = array<i32>} : memref<200x128xf32, #tpu.memory_space<vmem>>, vector<16xf32>,
        %add3A_703 = arith.addf %add3A_697, %get3A_702 : vector<16xf32>
        %add3A_704 = arith.constant 4 : i32
        %add3A_705 = arith.addi %mul3A_439, %add3A_704 : i32
        %get3A_706 = arith.index_cast %add3A_705 : i32 to index
        %get3A_707 = arith.constant 64 : index
        %get3A_708 = tpu.vector_load %arg9[%get3A_706, %get3A_707] {strides = array<i32>} : memref<200x128xf32, #tpu.memory_space<vmem>>, vector<16xf32>,
        %add3A_709 = arith.addf %add3A_703, %get3A_708 : vector<16xf32>
        %add3A_710 = arith.constant 5 : i32
        %add3A_711 = arith.addi %mul3A_439, %add3A_710 : i32
        %get3A_712 = arith.index_cast %add3A_711 : i32 to index
        %get3A_713 = arith.constant 64 : index
        %get3A_714 = tpu.vector_load %arg9[%get3A_712, %get3A_713] {strides = array<i32>} : memref<200x128xf32, #tpu.memory_space<vmem>>, vector<16xf32>,
        %add3A_715 = arith.addf %add3A_709, %get3A_714 : vector<16xf32>
        %add3A_716 = arith.constant 6 : i32
        %add3A_717 = arith.addi %mul3A_439, %add3A_716 : i32
        %get3A_718 = arith.index_cast %add3A_717 : i32 to index
        %get3A_719 = arith.constant 64 : index
        %get3A_720 = tpu.vector_load %arg9[%get3A_718, %get3A_719] {strides = array<i32>} : memref<200x128xf32, #tpu.memory_space<vmem>>, vector<16xf32>,
        %add3A_721 = arith.addf %add3A_715, %get3A_720 : vector<16xf32>
        %add3A_722 = arith.constant 7 : i32
        %add3A_723 = arith.addi %mul3A_439, %add3A_722 : i32
        %get3A_724 = arith.index_cast %add3A_723 : i32 to index
        %get3A_725 = arith.constant 64 : index
        %get3A_726 = tpu.vector_load %arg9[%get3A_724, %get3A_725] {strides = array<i32>} : memref<200x128xf32, #tpu.memory_space<vmem>>, vector<16xf32>,
        %add3A_727 = arith.addf %add3A_721, %get3A_726 : vector<16xf32>
        %add3A_728 = arith.constant 8 : i32
        %add3A_729 = arith.addi %mul3A_439, %add3A_728 : i32
        %get3A_730 = arith.index_cast %add3A_729 : i32 to index
        %get3A_731 = arith.constant 64 : index
        %get3A_732 = tpu.vector_load %arg9[%get3A_730, %get3A_731] {strides = array<i32>} : memref<200x128xf32, #tpu.memory_space<vmem>>, vector<16xf32>,
        %add3A_733 = arith.addf %add3A_727, %get3A_732 : vector<16xf32>
        %add3A_734 = arith.constant 9 : i32
        %add3A_735 = arith.addi %mul3A_439, %add3A_734 : i32
        %get3A_736 = arith.index_cast %add3A_735 : i32 to index
        %get3A_737 = arith.constant 64 : index
        %get3A_738 = tpu.vector_load %arg9[%get3A_736, %get3A_737] {strides = array<i32>} : memref<200x128xf32, #tpu.memory_space<vmem>>, vector<16xf32>,
        %add3A_739 = arith.addf %add3A_733, %get3A_738 : vector<16xf32>
        %add3A_740 = arith.constant 0 : i32
        %add3A_741 = arith.addi %mul3A_439, %add3A_740 : i32
        %get3A_742 = arith.index_cast %add3A_741 : i32 to index
        %get3A_743 = arith.constant 80 : index
        %get3A_744 = tpu.vector_load %arg9[%get3A_742, %get3A_743] {strides = array<i32>} : memref<200x128xf32, #tpu.memory_space<vmem>>, vector<16xf32>,
        %add3A_745 = arith.addf %scan3A_435, %get3A_744 : vector<16xf32>
        %add3A_746 = arith.constant 1 : i32
        %add3A_747 = arith.addi %mul3A_439, %add3A_746 : i32
        %get3A_748 = arith.index_cast %add3A_747 : i32 to index
        %get3A_749 = arith.constant 80 : index
        %get3A_750 = tpu.vector_load %arg9[%get3A_748, %get3A_749] {strides = array<i32>} : memref<200x128xf32, #tpu.memory_space<vmem>>, vector<16xf32>,
        %add3A_751 = arith.addf %add3A_745, %get3A_750 : vector<16xf32>
        %add3A_752 = arith.constant 2 : i32
        %add3A_753 = arith.addi %mul3A_439, %add3A_752 : i32
        %get3A_754 = arith.index_cast %add3A_753 : i32 to index
        %get3A_755 = arith.constant 80 : index
        %get3A_756 = tpu.vector_load %arg9[%get3A_754, %get3A_755] {strides = array<i32>} : memref<200x128xf32, #tpu.memory_space<vmem>>, vector<16xf32>,
        %add3A_757 = arith.addf %add3A_751, %get3A_756 : vector<16xf32>
        %add3A_758 = arith.constant 3 : i32
        %add3A_759 = arith.addi %mul3A_439, %add3A_758 : i32
        %get3A_760 = arith.index_cast %add3A_759 : i32 to index
        %get3A_761 = arith.constant 80 : index
        %get3A_762 = tpu.vector_load %arg9[%get3A_760, %get3A_761] {strides = array<i32>} : memref<200x128xf32, #tpu.memory_space<vmem>>, vector<16xf32>,
        %add3A_763 = arith.addf %add3A_757, %get3A_762 : vector<16xf32>
        %add3A_764 = arith.constant 4 : i32
        %add3A_765 = arith.addi %mul3A_439, %add3A_764 : i32
        %get3A_766 = arith.index_cast %add3A_765 : i32 to index
        %get3A_767 = arith.constant 80 : index
        %get3A_768 = tpu.vector_load %arg9[%get3A_766, %get3A_767] {strides = array<i32>} : memref<200x128xf32, #tpu.memory_space<vmem>>, vector<16xf32>,
        %add3A_769 = arith.addf %add3A_763, %get3A_768 : vector<16xf32>
        %add3A_770 = arith.constant 5 : i32
        %add3A_771 = arith.addi %mul3A_439, %add3A_770 : i32
        %get3A_772 = arith.index_cast %add3A_771 : i32 to index
        %get3A_773 = arith.constant 80 : index
        %get3A_774 = tpu.vector_load %arg9[%get3A_772, %get3A_773] {strides = array<i32>} : memref<200x128xf32, #tpu.memory_space<vmem>>, vector<16xf32>,
        %add3A_775 = arith.addf %add3A_769, %get3A_774 : vector<16xf32>
        %add3A_776 = arith.constant 6 : i32
        %add3A_777 = arith.addi %mul3A_439, %add3A_776 : i32
        %get3A_778 = arith.index_cast %add3A_777 : i32 to index
        %get3A_779 = arith.constant 80 : index
        %get3A_780 = tpu.vector_load %arg9[%get3A_778, %get3A_779] {strides = array<i32>} : memref<200x128xf32, #tpu.memory_space<vmem>>, vector<16xf32>,
        %add3A_781 = arith.addf %add3A_775, %get3A_780 : vector<16xf32>
        %add3A_782 = arith.constant 7 : i32
        %add3A_783 = arith.addi %mul3A_439, %add3A_782 : i32
        %get3A_784 = arith.index_cast %add3A_783 : i32 to index
        %get3A_785 = arith.constant 80 : index
        %get3A_786 = tpu.vector_load %arg9[%get3A_784, %get3A_785] {strides = array<i32>} : memref<200x128xf32, #tpu.memory_space<vmem>>, vector<16xf32>,
        %add3A_787 = arith.addf %add3A_781, %get3A_786 : vector<16xf32>
        %add3A_788 = arith.constant 8 : i32
        %add3A_789 = arith.addi %mul3A_439, %add3A_788 : i32
        %get3A_790 = arith.index_cast %add3A_789 : i32 to index
        %get3A_791 = arith.constant 80 : index
        %get3A_792 = tpu.vector_load %arg9[%get3A_790, %get3A_791] {strides = array<i32>} : memref<200x128xf32, #tpu.memory_space<vmem>>, vector<16xf32>,
        %add3A_793 = arith.addf %add3A_787, %get3A_792 : vector<16xf32>
        %add3A_794 = arith.constant 9 : i32
        %add3A_795 = arith.addi %mul3A_439, %add3A_794 : i32
        %get3A_796 = arith.index_cast %add3A_795 : i32 to index
        %get3A_797 = arith.constant 80 : index
        %get3A_798 = tpu.vector_load %arg9[%get3A_796, %get3A_797] {strides = array<i32>} : memref<200x128xf32, #tpu.memory_space<vmem>>, vector<16xf32>,
        %add3A_799 = arith.addf %add3A_793, %get3A_798 : vector<16xf32>
        %add3A_800 = arith.constant 0 : i32
        %add3A_801 = arith.addi %mul3A_439, %add3A_800 : i32
        %get3A_802 = arith.index_cast %add3A_801 : i32 to index
        %get3A_803 = arith.constant 96 : index
        %get3A_804 = tpu.vector_load %arg9[%get3A_802, %get3A_803] {strides = array<i32>} : memref<200x128xf32, #tpu.memory_space<vmem>>, vector<16xf32>,
        %add3A_805 = arith.addf %scan3A_436, %get3A_804 : vector<16xf32>
        %add3A_806 = arith.constant 1 : i32
        %add3A_807 = arith.addi %mul3A_439, %add3A_806 : i32
        %get3A_808 = arith.index_cast %add3A_807 : i32 to index
        %get3A_809 = arith.constant 96 : index
        %get3A_810 = tpu.vector_load %arg9[%get3A_808, %get3A_809] {strides = array<i32>} : memref<200x128xf32, #tpu.memory_space<vmem>>, vector<16xf32>,
        %add3A_811 = arith.addf %add3A_805, %get3A_810 : vector<16xf32>
        %add3A_812 = arith.constant 2 : i32
        %add3A_813 = arith.addi %mul3A_439, %add3A_812 : i32
        %get3A_814 = arith.index_cast %add3A_813 : i32 to index
        %get3A_815 = arith.constant 96 : index
        %get3A_816 = tpu.vector_load %arg9[%get3A_814, %get3A_815] {strides = array<i32>} : memref<200x128xf32, #tpu.memory_space<vmem>>, vector<16xf32>,
        %add3A_817 = arith.addf %add3A_811, %get3A_816 : vector<16xf32>
        %add3A_818 = arith.constant 3 : i32
        %add3A_819 = arith.addi %mul3A_439, %add3A_818 : i32
        %get3A_820 = arith.index_cast %add3A_819 : i32 to index
        %get3A_821 = arith.constant 96 : index
        %get3A_822 = tpu.vector_load %arg9[%get3A_820, %get3A_821] {strides = array<i32>} : memref<200x128xf32, #tpu.memory_space<vmem>>, vector<16xf32>,
        %add3A_823 = arith.addf %add3A_817, %get3A_822 : vector<16xf32>
        %add3A_824 = arith.constant 4 : i32
        %add3A_825 = arith.addi %mul3A_439, %add3A_824 : i32
        %get3A_826 = arith.index_cast %add3A_825 : i32 to index
        %get3A_827 = arith.constant 96 : index
        %get3A_828 = tpu.vector_load %arg9[%get3A_826, %get3A_827] {strides = array<i32>} : memref<200x128xf32, #tpu.memory_space<vmem>>, vector<16xf32>,
        %add3A_829 = arith.addf %add3A_823, %get3A_828 : vector<16xf32>
        %add3A_830 = arith.constant 5 : i32
        %add3A_831 = arith.addi %mul3A_439, %add3A_830 : i32
        %get3A_832 = arith.index_cast %add3A_831 : i32 to index
        %get3A_833 = arith.constant 96 : index
        %get3A_834 = tpu.vector_load %arg9[%get3A_832, %get3A_833] {strides = array<i32>} : memref<200x128xf32, #tpu.memory_space<vmem>>, vector<16xf32>,
        %add3A_835 = arith.addf %add3A_829, %get3A_834 : vector<16xf32>
        %add3A_836 = arith.constant 6 : i32
        %add3A_837 = arith.addi %mul3A_439, %add3A_836 : i32
        %get3A_838 = arith.index_cast %add3A_837 : i32 to index
        %get3A_839 = arith.constant 96 : index
        %get3A_840 = tpu.vector_load %arg9[%get3A_838, %get3A_839] {strides = array<i32>} : memref<200x128xf32, #tpu.memory_space<vmem>>, vector<16xf32>,
        %add3A_841 = arith.addf %add3A_835, %get3A_840 : vector<16xf32>
        %add3A_842 = arith.constant 7 : i32
        %add3A_843 = arith.addi %mul3A_439, %add3A_842 : i32
        %get3A_844 = arith.index_cast %add3A_843 : i32 to index
        %get3A_845 = arith.constant 96 : index
        %get3A_846 = tpu.vector_load %arg9[%get3A_844, %get3A_845] {strides = array<i32>} : memref<200x128xf32, #tpu.memory_space<vmem>>, vector<16xf32>,
        %add3A_847 = arith.addf %add3A_841, %get3A_846 : vector<16xf32>
        %add3A_848 = arith.constant 8 : i32
        %add3A_849 = arith.addi %mul3A_439, %add3A_848 : i32
        %get3A_850 = arith.index_cast %add3A_849 : i32 to index
        %get3A_851 = arith.constant 96 : index
        %get3A_852 = tpu.vector_load %arg9[%get3A_850, %get3A_851] {strides = array<i32>} : memref<200x128xf32, #tpu.memory_space<vmem>>, vector<16xf32>,
        %add3A_853 = arith.addf %add3A_847, %get3A_852 : vector<16xf32>
        %add3A_854 = arith.constant 9 : i32
        %add3A_855 = arith.addi %mul3A_439, %add3A_854 : i32
        %get3A_856 = arith.index_cast %add3A_855 : i32 to index
        %get3A_857 = arith.constant 96 : index
        %get3A_858 = tpu.vector_load %arg9[%get3A_856, %get3A_857] {strides = array<i32>} : memref<200x128xf32, #tpu.memory_space<vmem>>, vector<16xf32>,
        %add3A_859 = arith.addf %add3A_853, %get3A_858 : vector<16xf32>
        %add3A_860 = arith.constant 0 : i32
        %add3A_861 = arith.addi %mul3A_439, %add3A_860 : i32
        %get3A_862 = arith.index_cast %add3A_861 : i32 to index
        %get3A_863 = arith.constant 112 : index
        %get3A_864 = tpu.vector_load %arg9[%get3A_862, %get3A_863] {strides = array<i32>} : memref<200x128xf32, #tpu.memory_space<vmem>>, vector<16xf32>,
        %add3A_865 = arith.addf %scan3A_437, %get3A_864 : vector<16xf32>
        %add3A_866 = arith.constant 1 : i32
        %add3A_867 = arith.addi %mul3A_439, %add3A_866 : i32
        %get3A_868 = arith.index_cast %add3A_867 : i32 to index
        %get3A_869 = arith.constant 112 : index
        %get3A_870 = tpu.vector_load %arg9[%get3A_868, %get3A_869] {strides = array<i32>} : memref<200x128xf32, #tpu.memory_space<vmem>>, vector<16xf32>,
        %add3A_871 = arith.addf %add3A_865, %get3A_870 : vector<16xf32>
        %add3A_872 = arith.constant 2 : i32
        %add3A_873 = arith.addi %mul3A_439, %add3A_872 : i32
        %get3A_874 = arith.index_cast %add3A_873 : i32 to index
        %get3A_875 = arith.constant 112 : index
        %get3A_876 = tpu.vector_load %arg9[%get3A_874, %get3A_875] {strides = array<i32>} : memref<200x128xf32, #tpu.memory_space<vmem>>, vector<16xf32>,
        %add3A_877 = arith.addf %add3A_871, %get3A_876 : vector<16xf32>
        %add3A_878 = arith.constant 3 : i32
        %add3A_879 = arith.addi %mul3A_439, %add3A_878 : i32
        %get3A_880 = arith.index_cast %add3A_879 : i32 to index
        %get3A_881 = arith.constant 112 : index
        %get3A_882 = tpu.vector_load %arg9[%get3A_880, %get3A_881] {strides = array<i32>} : memref<200x128xf32, #tpu.memory_space<vmem>>, vector<16xf32>,
        %add3A_883 = arith.addf %add3A_877, %get3A_882 : vector<16xf32>
        %add3A_884 = arith.constant 4 : i32
        %add3A_885 = arith.addi %mul3A_439, %add3A_884 : i32
        %get3A_886 = arith.index_cast %add3A_885 : i32 to index
        %get3A_887 = arith.constant 112 : index
        %get3A_888 = tpu.vector_load %arg9[%get3A_886, %get3A_887] {strides = array<i32>} : memref<200x128xf32, #tpu.memory_space<vmem>>, vector<16xf32>,
        %add3A_889 = arith.addf %add3A_883, %get3A_888 : vector<16xf32>
        %add3A_890 = arith.constant 5 : i32
        %add3A_891 = arith.addi %mul3A_439, %add3A_890 : i32
        %get3A_892 = arith.index_cast %add3A_891 : i32 to index
        %get3A_893 = arith.constant 112 : index
        %get3A_894 = tpu.vector_load %arg9[%get3A_892, %get3A_893] {strides = array<i32>} : memref<200x128xf32, #tpu.memory_space<vmem>>, vector<16xf32>,
        %add3A_895 = arith.addf %add3A_889, %get3A_894 : vector<16xf32>
        %add3A_896 = arith.constant 6 : i32
        %add3A_897 = arith.addi %mul3A_439, %add3A_896 : i32
        %get3A_898 = arith.index_cast %add3A_897 : i32 to index
        %get3A_899 = arith.constant 112 : index
        %get3A_900 = tpu.vector_load %arg9[%get3A_898, %get3A_899] {strides = array<i32>} : memref<200x128xf32, #tpu.memory_space<vmem>>, vector<16xf32>,
        %add3A_901 = arith.addf %add3A_895, %get3A_900 : vector<16xf32>
        %add3A_902 = arith.constant 7 : i32
        %add3A_903 = arith.addi %mul3A_439, %add3A_902 : i32
        %get3A_904 = arith.index_cast %add3A_903 : i32 to index
        %get3A_905 = arith.constant 112 : index
        %get3A_906 = tpu.vector_load %arg9[%get3A_904, %get3A_905] {strides = array<i32>} : memref<200x128xf32, #tpu.memory_space<vmem>>, vector<16xf32>,
        %add3A_907 = arith.addf %add3A_901, %get3A_906 : vector<16xf32>
        %add3A_908 = arith.constant 8 : i32
        %add3A_909 = arith.addi %mul3A_439, %add3A_908 : i32
        %get3A_910 = arith.index_cast %add3A_909 : i32 to index
        %get3A_911 = arith.constant 112 : index
        %get3A_912 = tpu.vector_load %arg9[%get3A_910, %get3A_911] {strides = array<i32>} : memref<200x128xf32, #tpu.memory_space<vmem>>, vector<16xf32>,
        %add3A_913 = arith.addf %add3A_907, %get3A_912 : vector<16xf32>
        %add3A_914 = arith.constant 9 : i32
        %add3A_915 = arith.addi %mul3A_439, %add3A_914 : i32
        %get3A_916 = arith.index_cast %add3A_915 : i32 to index
        %get3A_917 = arith.constant 112 : index
        %get3A_918 = tpu.vector_load %arg9[%get3A_916, %get3A_917] {strides = array<i32>} : memref<200x128xf32, #tpu.memory_space<vmem>>, vector<16xf32>,
        %add3A_919 = arith.addf %add3A_913, %get3A_918 : vector<16xf32>
        scf.yield %add3A_499, %add3A_559, %add3A_619, %add3A_679, %add3A_739, %add3A_799, %add3A_859, %add3A_919 : vector<16xf32>, vector<16xf32>, vector<16xf32>, vector<16xf32>, vector<16xf32>, vector<16xf32>, vector<16xf32>, vector<16xf32>
      }
      %scan3A_155 = arith.constant 20 : i32
      %add3A_156 = arith.constant 4 : i32
      %add3A_157 = arith.addi %add3A_141, %add3A_156 : i32
      %lt3A_158 = arith.constant 32 : i32
      %lt3A_159 = arith.cmpi slt, %add3A_157, %lt3A_158 : i32
      %convert_element_type3A_160 = arith.extui %lt3A_159 : i1 to i32
      %cond3A_161 = arith.constant 0 : i32
      %cond3A_162 = arith.cmpi ne, %convert_element_type3A_160, %cond3A_161 : i32
      scf.if %cond3A_162 {
        %add3A_429 = arith.constant 4 : i32
        %add3A_430 = arith.addi %add3A_141, %add3A_429 : i32
        %mul3A_431 = arith.constant 200 : i32
        %mul3A_432 = arith.muli %add3A_430, %mul3A_431 : i32
        %dma_start3A_433 = tpu.memref_slice %arg7[%mul3A_432] : memref<6400xi32, #tpu.memory_space<vmem>> -> memref<200xi32, #tpu.memory_space<vmem>>
        %dma_start3A_434 = arith.constant 0 : i32
        %dma_start3A_435 = arith.constant 0 : i32
        %dma_start3A_436 = tpu.memref_slice %arg3[%dma_start3A_434, %dma_start3A_435] : memref<100000x128xf32, #tpu.memory_space<hbm>> -> memref<100000x128xf32, #tpu.memory_space<hbm>>
        tpu.enqueue_indirect_dma source(%dma_start3A_436 : memref<100000x128xf32, #tpu.memory_space<hbm>>) target(%arg9 : memref<200x128xf32, #tpu.memory_space<vmem>>) offsets(%dma_start3A_433 : memref<200xi32, #tpu.memory_space<vmem>>) semaphore(%arg16 : memref<!tpu.dma_semaphore, #tpu.memory_space<semaphore_mem>>)
      } else {
      }
      %broadcast_in_dim3A_163 = arith.constant false
      %broadcast_in_dim3A_164 = vector.broadcast %broadcast_in_dim3A_163 : i1 to vector<16xi1>
      %add3A_165 = arith.addf %scan3A_154#0, %get3A_5 : vector<16xf32>
      %swap3A_166 = arith.index_cast %add3A_141 : i32 to index
      %swap3A_167 = arith.constant 0 : index
      %swap3A_168 = tpu.vector_load %arg12[%swap3A_166, %swap3A_167] {strides = array<i32>} : memref<32x128xf32, #tpu.memory_space<vmem>>, vector<16xf32>,
      tpu.vector_store %arg12[%swap3A_166, %swap3A_167], %add3A_165 {strides = array<i32>} : memref<32x128xf32, #tpu.memory_space<vmem>>, vector<16xf32>,
      %ne3A_169 = arith.constant 0.000000e+00 : f32
      %ne3A_170 = vector.broadcast %ne3A_169 : f32 to vector<16xf32>
      %ne3A_171 = arith.cmpf one, %add3A_165, %ne3A_170 : vector<16xf32>
      %or3A_172 = arith.ori %broadcast_in_dim3A_164, %ne3A_171 : vector<16xi1>
      %add3A_173 = arith.addf %scan3A_154#1, %get3A_7 : vector<16xf32>
      %swap3A_174 = arith.index_cast %add3A_141 : i32 to index
      %swap3A_175 = arith.constant 16 : index
      %swap3A_176 = tpu.vector_load %arg12[%swap3A_174, %swap3A_175] {strides = array<i32>} : memref<32x128xf32, #tpu.memory_space<vmem>>, vector<16xf32>,
      tpu.vector_store %arg12[%swap3A_174, %swap3A_175], %add3A_173 {strides = array<i32>} : memref<32x128xf32, #tpu.memory_space<vmem>>, vector<16xf32>,
      %ne3A_177 = arith.constant 0.000000e+00 : f32
      %ne3A_178 = vector.broadcast %ne3A_177 : f32 to vector<16xf32>
      %ne3A_179 = arith.cmpf one, %add3A_173, %ne3A_178 : vector<16xf32>
      %or3A_180 = arith.ori %or3A_172, %ne3A_179 : vector<16xi1>
      %add3A_181 = arith.addf %scan3A_154#2, %get3A_9 : vector<16xf32>
      %swap3A_182 = arith.index_cast %add3A_141 : i32 to index
      %swap3A_183 = arith.constant 32 : index
      %swap3A_184 = tpu.vector_load %arg12[%swap3A_182, %swap3A_183] {strides = array<i32>} : memref<32x128xf32, #tpu.memory_space<vmem>>, vector<16xf32>,
      tpu.vector_store %arg12[%swap3A_182, %swap3A_183], %add3A_181 {strides = array<i32>} : memref<32x128xf32, #tpu.memory_space<vmem>>, vector<16xf32>,
      %ne3A_185 = arith.constant 0.000000e+00 : f32
      %ne3A_186 = vector.broadcast %ne3A_185 : f32 to vector<16xf32>
      %ne3A_187 = arith.cmpf one, %add3A_181, %ne3A_186 : vector<16xf32>
      %or3A_188 = arith.ori %or3A_180, %ne3A_187 : vector<16xi1>
      %add3A_189 = arith.addf %scan3A_154#3, %get3A_11 : vector<16xf32>
      %swap3A_190 = arith.index_cast %add3A_141 : i32 to index
      %swap3A_191 = arith.constant 48 : index
      %swap3A_192 = tpu.vector_load %arg12[%swap3A_190, %swap3A_191] {strides = array<i32>} : memref<32x128xf32, #tpu.memory_space<vmem>>, vector<16xf32>,
      tpu.vector_store %arg12[%swap3A_190, %swap3A_191], %add3A_189 {strides = array<i32>} : memref<32x128xf32, #tpu.memory_space<vmem>>, vector<16xf32>,
      %ne3A_193 = arith.constant 0.000000e+00 : f32
      %ne3A_194 = vector.broadcast %ne3A_193 : f32 to vector<16xf32>
      %ne3A_195 = arith.cmpf one, %add3A_189, %ne3A_194 : vector<16xf32>
      %or3A_196 = arith.ori %or3A_188, %ne3A_195 : vector<16xi1>
      %add3A_197 = arith.addf %scan3A_154#4, %get3A_13 : vector<16xf32>
      %swap3A_198 = arith.index_cast %add3A_141 : i32 to index
      %swap3A_199 = arith.constant 64 : index
      %swap3A_200 = tpu.vector_load %arg12[%swap3A_198, %swap3A_199] {strides = array<i32>} : memref<32x128xf32, #tpu.memory_space<vmem>>, vector<16xf32>,
      tpu.vector_store %arg12[%swap3A_198, %swap3A_199], %add3A_197 {strides = array<i32>} : memref<32x128xf32, #tpu.memory_space<vmem>>, vector<16xf32>,
      %ne3A_201 = arith.constant 0.000000e+00 : f32
      %ne3A_202 = vector.broadcast %ne3A_201 : f32 to vector<16xf32>
      %ne3A_203 = arith.cmpf one, %add3A_197, %ne3A_202 : vector<16xf32>
      %or3A_204 = arith.ori %or3A_196, %ne3A_203 : vector<16xi1>
      %add3A_205 = arith.addf %scan3A_154#5, %get3A_15 : vector<16xf32>
      %swap3A_206 = arith.index_cast %add3A_141 : i32 to index
      %swap3A_207 = arith.constant 80 : index
      %swap3A_208 = tpu.vector_load %arg12[%swap3A_206, %swap3A_207] {strides = array<i32>} : memref<32x128xf32, #tpu.memory_space<vmem>>, vector<16xf32>,
      tpu.vector_store %arg12[%swap3A_206, %swap3A_207], %add3A_205 {strides = array<i32>} : memref<32x128xf32, #tpu.memory_space<vmem>>, vector<16xf32>,
      %ne3A_209 = arith.constant 0.000000e+00 : f32
      %ne3A_210 = vector.broadcast %ne3A_209 : f32 to vector<16xf32>
      %ne3A_211 = arith.cmpf one, %add3A_205, %ne3A_210 : vector<16xf32>
      %or3A_212 = arith.ori %or3A_204, %ne3A_211 : vector<16xi1>
      %add3A_213 = arith.addf %scan3A_154#6, %get3A_17 : vector<16xf32>
      %swap3A_214 = arith.index_cast %add3A_141 : i32 to index
      %swap3A_215 = arith.constant 96 : index
      %swap3A_216 = tpu.vector_load %arg12[%swap3A_214, %swap3A_215] {strides = array<i32>} : memref<32x128xf32, #tpu.memory_space<vmem>>, vector<16xf32>,
      tpu.vector_store %arg12[%swap3A_214, %swap3A_215], %add3A_213 {strides = array<i32>} : memref<32x128xf32, #tpu.memory_space<vmem>>, vector<16xf32>,
      %ne3A_217 = arith.constant 0.000000e+00 : f32
      %ne3A_218 = vector.broadcast %ne3A_217 : f32 to vector<16xf32>
      %ne3A_219 = arith.cmpf one, %add3A_213, %ne3A_218 : vector<16xf32>
      %or3A_220 = arith.ori %or3A_212, %ne3A_219 : vector<16xi1>
      %add3A_221 = arith.addf %scan3A_154#7, %get3A_19 : vector<16xf32>
      %swap3A_222 = arith.index_cast %add3A_141 : i32 to index
      %swap3A_223 = arith.constant 112 : index
      %swap3A_224 = tpu.vector_load %arg12[%swap3A_222, %swap3A_223] {strides = array<i32>} : memref<32x128xf32, #tpu.memory_space<vmem>>, vector<16xf32>,
      tpu.vector_store %arg12[%swap3A_222, %swap3A_223], %add3A_221 {strides = array<i32>} : memref<32x128xf32, #tpu.memory_space<vmem>>, vector<16xf32>,
      %ne3A_225 = arith.constant 0.000000e+00 : f32
      %ne3A_226 = vector.broadcast %ne3A_225 : f32 to vector<16xf32>
      %ne3A_227 = arith.cmpf one, %add3A_221, %ne3A_226 : vector<16xf32>
      %or3A_228 = arith.ori %or3A_220, %ne3A_227 : vector<16xi1>
      %jit3A_229 = arith.constant 1 : i32
      %jit3A_230 = arith.constant 0 : i32
      %broadcast_in_dim3A_231 = vector.broadcast %jit3A_229 : i32 to vector<16xi32>
      %broadcast_in_dim3A_232 = vector.broadcast %jit3A_230 : i32 to vector<16xi32>
      %select_n3A_233 = arith.select %or3A_228, %broadcast_in_dim3A_231, %broadcast_in_dim3A_232 : vector<16xi1>, vector<16xi32>
      %broadcast_in_dim3A_234 = vector.broadcast %add3A_141 : i32 to vector<16xi32>
      tpu.vector_store_idx %arg14[%broadcast_in_dim3A_234], %select_n3A_233 {add = true} : memref<32xi32, #tpu.memory_space<vmem>>[vector<16xi32>], vector<16xi32>,
      %mul3A_235 = arith.constant 4 : i32
      %mul3A_236 = arith.muli %mul3A_235, %scan3A_48 : i32
      %add3A_237 = arith.constant 2 : i32
      %add3A_238 = arith.addi %mul3A_236, %add3A_237 : i32
      %mul3A_239 = arith.constant 200 : i32
      %mul3A_240 = arith.muli %add3A_238, %mul3A_239 : i32
      %dma_wait3A_241 = tpu.memref_slice %arg7[%mul3A_240] : memref<6400xi32, #tpu.memory_space<vmem>> -> memref<200xi32, #tpu.memory_space<vmem>>
      %dma_wait3A_242 = arith.constant 0 : i32
      %dma_wait3A_243 = arith.constant 0 : i32
      %dma_wait3A_244 = tpu.memref_slice %arg3[%dma_wait3A_242, %dma_wait3A_243] : memref<100000x128xf32, #tpu.memory_space<hbm>> -> memref<100000x128xf32, #tpu.memory_space<hbm>>
      tpu.wait_indirect_dma semaphore(%arg17 : memref<!tpu.dma_semaphore, #tpu.memory_space<semaphore_mem>>) src(%dma_wait3A_244 : memref<100000x128xf32, #tpu.memory_space<hbm>>) dst(%arg10 : memref<200x128xf32, #tpu.memory_space<vmem>>)
      %broadcast_in_dim3A_245 = arith.constant 0.000000e+00 : f32
      %broadcast_in_dim3A_246 = vector.broadcast %broadcast_in_dim3A_245 : f32 to vector<16xf32>
      %scan3A_247 = arith.constant 0 : i32
      %scan3A_248 = arith.constant 20 : i32
      %scan3A_249 = arith.addi %scan3A_247, %scan3A_248 : i32
      %scan3A_250 = arith.constant 1 : i32
      %scan3A_251:8 = scf.for %scan3A_429 = %scan3A_247 to %scan3A_249 step %scan3A_250 iter_args(%scan3A_430 = %broadcast_in_dim3A_246, %scan3A_431 = %broadcast_in_dim3A_246, %scan3A_432 = %broadcast_in_dim3A_246, %scan3A_433 = %broadcast_in_dim3A_246, %scan3A_434 = %broadcast_in_dim3A_246, %scan3A_435 = %broadcast_in_dim3A_246, %scan3A_436 = %broadcast_in_dim3A_246, %scan3A_437 = %broadcast_in_dim3A_246) -> (vector<16xf32>, vector<16xf32>, vector<16xf32>, vector<16xf32>, vector<16xf32>, vector<16xf32>, vector<16xf32>, vector<16xf32>)  : i32 {
        %mul3A_438 = arith.constant 10 : i32
        %mul3A_439 = arith.muli %scan3A_429, %mul3A_438 : i32
        %add3A_440 = arith.constant 0 : i32
        %add3A_441 = arith.addi %mul3A_439, %add3A_440 : i32
        %get3A_442 = arith.index_cast %add3A_441 : i32 to index
        %get3A_443 = arith.constant 0 : index
        %get3A_444 = tpu.vector_load %arg10[%get3A_442, %get3A_443] {strides = array<i32>} : memref<200x128xf32, #tpu.memory_space<vmem>>, vector<16xf32>,
        %add3A_445 = arith.addf %scan3A_430, %get3A_444 : vector<16xf32>
        %add3A_446 = arith.constant 1 : i32
        %add3A_447 = arith.addi %mul3A_439, %add3A_446 : i32
        %get3A_448 = arith.index_cast %add3A_447 : i32 to index
        %get3A_449 = arith.constant 0 : index
        %get3A_450 = tpu.vector_load %arg10[%get3A_448, %get3A_449] {strides = array<i32>} : memref<200x128xf32, #tpu.memory_space<vmem>>, vector<16xf32>,
        %add3A_451 = arith.addf %add3A_445, %get3A_450 : vector<16xf32>
        %add3A_452 = arith.constant 2 : i32
        %add3A_453 = arith.addi %mul3A_439, %add3A_452 : i32
        %get3A_454 = arith.index_cast %add3A_453 : i32 to index
        %get3A_455 = arith.constant 0 : index
        %get3A_456 = tpu.vector_load %arg10[%get3A_454, %get3A_455] {strides = array<i32>} : memref<200x128xf32, #tpu.memory_space<vmem>>, vector<16xf32>,
        %add3A_457 = arith.addf %add3A_451, %get3A_456 : vector<16xf32>
        %add3A_458 = arith.constant 3 : i32
        %add3A_459 = arith.addi %mul3A_439, %add3A_458 : i32
        %get3A_460 = arith.index_cast %add3A_459 : i32 to index
        %get3A_461 = arith.constant 0 : index
        %get3A_462 = tpu.vector_load %arg10[%get3A_460, %get3A_461] {strides = array<i32>} : memref<200x128xf32, #tpu.memory_space<vmem>>, vector<16xf32>,
        %add3A_463 = arith.addf %add3A_457, %get3A_462 : vector<16xf32>
        %add3A_464 = arith.constant 4 : i32
        %add3A_465 = arith.addi %mul3A_439, %add3A_464 : i32
        %get3A_466 = arith.index_cast %add3A_465 : i32 to index
        %get3A_467 = arith.constant 0 : index
        %get3A_468 = tpu.vector_load %arg10[%get3A_466, %get3A_467] {strides = array<i32>} : memref<200x128xf32, #tpu.memory_space<vmem>>, vector<16xf32>,
        %add3A_469 = arith.addf %add3A_463, %get3A_468 : vector<16xf32>
        %add3A_470 = arith.constant 5 : i32
        %add3A_471 = arith.addi %mul3A_439, %add3A_470 : i32
        %get3A_472 = arith.index_cast %add3A_471 : i32 to index
        %get3A_473 = arith.constant 0 : index
        %get3A_474 = tpu.vector_load %arg10[%get3A_472, %get3A_473] {strides = array<i32>} : memref<200x128xf32, #tpu.memory_space<vmem>>, vector<16xf32>,
        %add3A_475 = arith.addf %add3A_469, %get3A_474 : vector<16xf32>
        %add3A_476 = arith.constant 6 : i32
        %add3A_477 = arith.addi %mul3A_439, %add3A_476 : i32
        %get3A_478 = arith.index_cast %add3A_477 : i32 to index
        %get3A_479 = arith.constant 0 : index
        %get3A_480 = tpu.vector_load %arg10[%get3A_478, %get3A_479] {strides = array<i32>} : memref<200x128xf32, #tpu.memory_space<vmem>>, vector<16xf32>,
        %add3A_481 = arith.addf %add3A_475, %get3A_480 : vector<16xf32>
        %add3A_482 = arith.constant 7 : i32
        %add3A_483 = arith.addi %mul3A_439, %add3A_482 : i32
        %get3A_484 = arith.index_cast %add3A_483 : i32 to index
        %get3A_485 = arith.constant 0 : index
        %get3A_486 = tpu.vector_load %arg10[%get3A_484, %get3A_485] {strides = array<i32>} : memref<200x128xf32, #tpu.memory_space<vmem>>, vector<16xf32>,
        %add3A_487 = arith.addf %add3A_481, %get3A_486 : vector<16xf32>
        %add3A_488 = arith.constant 8 : i32
        %add3A_489 = arith.addi %mul3A_439, %add3A_488 : i32
        %get3A_490 = arith.index_cast %add3A_489 : i32 to index
        %get3A_491 = arith.constant 0 : index
        %get3A_492 = tpu.vector_load %arg10[%get3A_490, %get3A_491] {strides = array<i32>} : memref<200x128xf32, #tpu.memory_space<vmem>>, vector<16xf32>,
        %add3A_493 = arith.addf %add3A_487, %get3A_492 : vector<16xf32>
        %add3A_494 = arith.constant 9 : i32
        %add3A_495 = arith.addi %mul3A_439, %add3A_494 : i32
        %get3A_496 = arith.index_cast %add3A_495 : i32 to index
        %get3A_497 = arith.constant 0 : index
        %get3A_498 = tpu.vector_load %arg10[%get3A_496, %get3A_497] {strides = array<i32>} : memref<200x128xf32, #tpu.memory_space<vmem>>, vector<16xf32>,
        %add3A_499 = arith.addf %add3A_493, %get3A_498 : vector<16xf32>
        %add3A_500 = arith.constant 0 : i32
        %add3A_501 = arith.addi %mul3A_439, %add3A_500 : i32
        %get3A_502 = arith.index_cast %add3A_501 : i32 to index
        %get3A_503 = arith.constant 16 : index
        %get3A_504 = tpu.vector_load %arg10[%get3A_502, %get3A_503] {strides = array<i32>} : memref<200x128xf32, #tpu.memory_space<vmem>>, vector<16xf32>,
        %add3A_505 = arith.addf %scan3A_431, %get3A_504 : vector<16xf32>
        %add3A_506 = arith.constant 1 : i32
        %add3A_507 = arith.addi %mul3A_439, %add3A_506 : i32
        %get3A_508 = arith.index_cast %add3A_507 : i32 to index
        %get3A_509 = arith.constant 16 : index
        %get3A_510 = tpu.vector_load %arg10[%get3A_508, %get3A_509] {strides = array<i32>} : memref<200x128xf32, #tpu.memory_space<vmem>>, vector<16xf32>,
        %add3A_511 = arith.addf %add3A_505, %get3A_510 : vector<16xf32>
        %add3A_512 = arith.constant 2 : i32
        %add3A_513 = arith.addi %mul3A_439, %add3A_512 : i32
        %get3A_514 = arith.index_cast %add3A_513 : i32 to index
        %get3A_515 = arith.constant 16 : index
        %get3A_516 = tpu.vector_load %arg10[%get3A_514, %get3A_515] {strides = array<i32>} : memref<200x128xf32, #tpu.memory_space<vmem>>, vector<16xf32>,
        %add3A_517 = arith.addf %add3A_511, %get3A_516 : vector<16xf32>
        %add3A_518 = arith.constant 3 : i32
        %add3A_519 = arith.addi %mul3A_439, %add3A_518 : i32
        %get3A_520 = arith.index_cast %add3A_519 : i32 to index
        %get3A_521 = arith.constant 16 : index
        %get3A_522 = tpu.vector_load %arg10[%get3A_520, %get3A_521] {strides = array<i32>} : memref<200x128xf32, #tpu.memory_space<vmem>>, vector<16xf32>,
        %add3A_523 = arith.addf %add3A_517, %get3A_522 : vector<16xf32>
        %add3A_524 = arith.constant 4 : i32
        %add3A_525 = arith.addi %mul3A_439, %add3A_524 : i32
        %get3A_526 = arith.index_cast %add3A_525 : i32 to index
        %get3A_527 = arith.constant 16 : index
        %get3A_528 = tpu.vector_load %arg10[%get3A_526, %get3A_527] {strides = array<i32>} : memref<200x128xf32, #tpu.memory_space<vmem>>, vector<16xf32>,
        %add3A_529 = arith.addf %add3A_523, %get3A_528 : vector<16xf32>
        %add3A_530 = arith.constant 5 : i32
        %add3A_531 = arith.addi %mul3A_439, %add3A_530 : i32
        %get3A_532 = arith.index_cast %add3A_531 : i32 to index
        %get3A_533 = arith.constant 16 : index
        %get3A_534 = tpu.vector_load %arg10[%get3A_532, %get3A_533] {strides = array<i32>} : memref<200x128xf32, #tpu.memory_space<vmem>>, vector<16xf32>,
        %add3A_535 = arith.addf %add3A_529, %get3A_534 : vector<16xf32>
        %add3A_536 = arith.constant 6 : i32
        %add3A_537 = arith.addi %mul3A_439, %add3A_536 : i32
        %get3A_538 = arith.index_cast %add3A_537 : i32 to index
        %get3A_539 = arith.constant 16 : index
        %get3A_540 = tpu.vector_load %arg10[%get3A_538, %get3A_539] {strides = array<i32>} : memref<200x128xf32, #tpu.memory_space<vmem>>, vector<16xf32>,
        %add3A_541 = arith.addf %add3A_535, %get3A_540 : vector<16xf32>
        %add3A_542 = arith.constant 7 : i32
        %add3A_543 = arith.addi %mul3A_439, %add3A_542 : i32
        %get3A_544 = arith.index_cast %add3A_543 : i32 to index
        %get3A_545 = arith.constant 16 : index
        %get3A_546 = tpu.vector_load %arg10[%get3A_544, %get3A_545] {strides = array<i32>} : memref<200x128xf32, #tpu.memory_space<vmem>>, vector<16xf32>,
        %add3A_547 = arith.addf %add3A_541, %get3A_546 : vector<16xf32>
        %add3A_548 = arith.constant 8 : i32
        %add3A_549 = arith.addi %mul3A_439, %add3A_548 : i32
        %get3A_550 = arith.index_cast %add3A_549 : i32 to index
        %get3A_551 = arith.constant 16 : index
        %get3A_552 = tpu.vector_load %arg10[%get3A_550, %get3A_551] {strides = array<i32>} : memref<200x128xf32, #tpu.memory_space<vmem>>, vector<16xf32>,
        %add3A_553 = arith.addf %add3A_547, %get3A_552 : vector<16xf32>
        %add3A_554 = arith.constant 9 : i32
        %add3A_555 = arith.addi %mul3A_439, %add3A_554 : i32
        %get3A_556 = arith.index_cast %add3A_555 : i32 to index
        %get3A_557 = arith.constant 16 : index
        %get3A_558 = tpu.vector_load %arg10[%get3A_556, %get3A_557] {strides = array<i32>} : memref<200x128xf32, #tpu.memory_space<vmem>>, vector<16xf32>,
        %add3A_559 = arith.addf %add3A_553, %get3A_558 : vector<16xf32>
        %add3A_560 = arith.constant 0 : i32
        %add3A_561 = arith.addi %mul3A_439, %add3A_560 : i32
        %get3A_562 = arith.index_cast %add3A_561 : i32 to index
        %get3A_563 = arith.constant 32 : index
        %get3A_564 = tpu.vector_load %arg10[%get3A_562, %get3A_563] {strides = array<i32>} : memref<200x128xf32, #tpu.memory_space<vmem>>, vector<16xf32>,
        %add3A_565 = arith.addf %scan3A_432, %get3A_564 : vector<16xf32>
        %add3A_566 = arith.constant 1 : i32
        %add3A_567 = arith.addi %mul3A_439, %add3A_566 : i32
        %get3A_568 = arith.index_cast %add3A_567 : i32 to index
        %get3A_569 = arith.constant 32 : index
        %get3A_570 = tpu.vector_load %arg10[%get3A_568, %get3A_569] {strides = array<i32>} : memref<200x128xf32, #tpu.memory_space<vmem>>, vector<16xf32>,
        %add3A_571 = arith.addf %add3A_565, %get3A_570 : vector<16xf32>
        %add3A_572 = arith.constant 2 : i32
        %add3A_573 = arith.addi %mul3A_439, %add3A_572 : i32
        %get3A_574 = arith.index_cast %add3A_573 : i32 to index
        %get3A_575 = arith.constant 32 : index
        %get3A_576 = tpu.vector_load %arg10[%get3A_574, %get3A_575] {strides = array<i32>} : memref<200x128xf32, #tpu.memory_space<vmem>>, vector<16xf32>,
        %add3A_577 = arith.addf %add3A_571, %get3A_576 : vector<16xf32>
        %add3A_578 = arith.constant 3 : i32
        %add3A_579 = arith.addi %mul3A_439, %add3A_578 : i32
        %get3A_580 = arith.index_cast %add3A_579 : i32 to index
        %get3A_581 = arith.constant 32 : index
        %get3A_582 = tpu.vector_load %arg10[%get3A_580, %get3A_581] {strides = array<i32>} : memref<200x128xf32, #tpu.memory_space<vmem>>, vector<16xf32>,
        %add3A_583 = arith.addf %add3A_577, %get3A_582 : vector<16xf32>
        %add3A_584 = arith.constant 4 : i32
        %add3A_585 = arith.addi %mul3A_439, %add3A_584 : i32
        %get3A_586 = arith.index_cast %add3A_585 : i32 to index
        %get3A_587 = arith.constant 32 : index
        %get3A_588 = tpu.vector_load %arg10[%get3A_586, %get3A_587] {strides = array<i32>} : memref<200x128xf32, #tpu.memory_space<vmem>>, vector<16xf32>,
        %add3A_589 = arith.addf %add3A_583, %get3A_588 : vector<16xf32>
        %add3A_590 = arith.constant 5 : i32
        %add3A_591 = arith.addi %mul3A_439, %add3A_590 : i32
        %get3A_592 = arith.index_cast %add3A_591 : i32 to index
        %get3A_593 = arith.constant 32 : index
        %get3A_594 = tpu.vector_load %arg10[%get3A_592, %get3A_593] {strides = array<i32>} : memref<200x128xf32, #tpu.memory_space<vmem>>, vector<16xf32>,
        %add3A_595 = arith.addf %add3A_589, %get3A_594 : vector<16xf32>
        %add3A_596 = arith.constant 6 : i32
        %add3A_597 = arith.addi %mul3A_439, %add3A_596 : i32
        %get3A_598 = arith.index_cast %add3A_597 : i32 to index
        %get3A_599 = arith.constant 32 : index
        %get3A_600 = tpu.vector_load %arg10[%get3A_598, %get3A_599] {strides = array<i32>} : memref<200x128xf32, #tpu.memory_space<vmem>>, vector<16xf32>,
        %add3A_601 = arith.addf %add3A_595, %get3A_600 : vector<16xf32>
        %add3A_602 = arith.constant 7 : i32
        %add3A_603 = arith.addi %mul3A_439, %add3A_602 : i32
        %get3A_604 = arith.index_cast %add3A_603 : i32 to index
        %get3A_605 = arith.constant 32 : index
        %get3A_606 = tpu.vector_load %arg10[%get3A_604, %get3A_605] {strides = array<i32>} : memref<200x128xf32, #tpu.memory_space<vmem>>, vector<16xf32>,
        %add3A_607 = arith.addf %add3A_601, %get3A_606 : vector<16xf32>
        %add3A_608 = arith.constant 8 : i32
        %add3A_609 = arith.addi %mul3A_439, %add3A_608 : i32
        %get3A_610 = arith.index_cast %add3A_609 : i32 to index
        %get3A_611 = arith.constant 32 : index
        %get3A_612 = tpu.vector_load %arg10[%get3A_610, %get3A_611] {strides = array<i32>} : memref<200x128xf32, #tpu.memory_space<vmem>>, vector<16xf32>,
        %add3A_613 = arith.addf %add3A_607, %get3A_612 : vector<16xf32>
        %add3A_614 = arith.constant 9 : i32
        %add3A_615 = arith.addi %mul3A_439, %add3A_614 : i32
        %get3A_616 = arith.index_cast %add3A_615 : i32 to index
        %get3A_617 = arith.constant 32 : index
        %get3A_618 = tpu.vector_load %arg10[%get3A_616, %get3A_617] {strides = array<i32>} : memref<200x128xf32, #tpu.memory_space<vmem>>, vector<16xf32>,
        %add3A_619 = arith.addf %add3A_613, %get3A_618 : vector<16xf32>
        %add3A_620 = arith.constant 0 : i32
        %add3A_621 = arith.addi %mul3A_439, %add3A_620 : i32
        %get3A_622 = arith.index_cast %add3A_621 : i32 to index
        %get3A_623 = arith.constant 48 : index
        %get3A_624 = tpu.vector_load %arg10[%get3A_622, %get3A_623] {strides = array<i32>} : memref<200x128xf32, #tpu.memory_space<vmem>>, vector<16xf32>,
        %add3A_625 = arith.addf %scan3A_433, %get3A_624 : vector<16xf32>
        %add3A_626 = arith.constant 1 : i32
        %add3A_627 = arith.addi %mul3A_439, %add3A_626 : i32
        %get3A_628 = arith.index_cast %add3A_627 : i32 to index
        %get3A_629 = arith.constant 48 : index
        %get3A_630 = tpu.vector_load %arg10[%get3A_628, %get3A_629] {strides = array<i32>} : memref<200x128xf32, #tpu.memory_space<vmem>>, vector<16xf32>,
        %add3A_631 = arith.addf %add3A_625, %get3A_630 : vector<16xf32>
        %add3A_632 = arith.constant 2 : i32
        %add3A_633 = arith.addi %mul3A_439, %add3A_632 : i32
        %get3A_634 = arith.index_cast %add3A_633 : i32 to index
        %get3A_635 = arith.constant 48 : index
        %get3A_636 = tpu.vector_load %arg10[%get3A_634, %get3A_635] {strides = array<i32>} : memref<200x128xf32, #tpu.memory_space<vmem>>, vector<16xf32>,
        %add3A_637 = arith.addf %add3A_631, %get3A_636 : vector<16xf32>
        %add3A_638 = arith.constant 3 : i32
        %add3A_639 = arith.addi %mul3A_439, %add3A_638 : i32
        %get3A_640 = arith.index_cast %add3A_639 : i32 to index
        %get3A_641 = arith.constant 48 : index
        %get3A_642 = tpu.vector_load %arg10[%get3A_640, %get3A_641] {strides = array<i32>} : memref<200x128xf32, #tpu.memory_space<vmem>>, vector<16xf32>,
        %add3A_643 = arith.addf %add3A_637, %get3A_642 : vector<16xf32>
        %add3A_644 = arith.constant 4 : i32
        %add3A_645 = arith.addi %mul3A_439, %add3A_644 : i32
        %get3A_646 = arith.index_cast %add3A_645 : i32 to index
        %get3A_647 = arith.constant 48 : index
        %get3A_648 = tpu.vector_load %arg10[%get3A_646, %get3A_647] {strides = array<i32>} : memref<200x128xf32, #tpu.memory_space<vmem>>, vector<16xf32>,
        %add3A_649 = arith.addf %add3A_643, %get3A_648 : vector<16xf32>
        %add3A_650 = arith.constant 5 : i32
        %add3A_651 = arith.addi %mul3A_439, %add3A_650 : i32
        %get3A_652 = arith.index_cast %add3A_651 : i32 to index
        %get3A_653 = arith.constant 48 : index
        %get3A_654 = tpu.vector_load %arg10[%get3A_652, %get3A_653] {strides = array<i32>} : memref<200x128xf32, #tpu.memory_space<vmem>>, vector<16xf32>,
        %add3A_655 = arith.addf %add3A_649, %get3A_654 : vector<16xf32>
        %add3A_656 = arith.constant 6 : i32
        %add3A_657 = arith.addi %mul3A_439, %add3A_656 : i32
        %get3A_658 = arith.index_cast %add3A_657 : i32 to index
        %get3A_659 = arith.constant 48 : index
        %get3A_660 = tpu.vector_load %arg10[%get3A_658, %get3A_659] {strides = array<i32>} : memref<200x128xf32, #tpu.memory_space<vmem>>, vector<16xf32>,
        %add3A_661 = arith.addf %add3A_655, %get3A_660 : vector<16xf32>
        %add3A_662 = arith.constant 7 : i32
        %add3A_663 = arith.addi %mul3A_439, %add3A_662 : i32
        %get3A_664 = arith.index_cast %add3A_663 : i32 to index
        %get3A_665 = arith.constant 48 : index
        %get3A_666 = tpu.vector_load %arg10[%get3A_664, %get3A_665] {strides = array<i32>} : memref<200x128xf32, #tpu.memory_space<vmem>>, vector<16xf32>,
        %add3A_667 = arith.addf %add3A_661, %get3A_666 : vector<16xf32>
        %add3A_668 = arith.constant 8 : i32
        %add3A_669 = arith.addi %mul3A_439, %add3A_668 : i32
        %get3A_670 = arith.index_cast %add3A_669 : i32 to index
        %get3A_671 = arith.constant 48 : index
        %get3A_672 = tpu.vector_load %arg10[%get3A_670, %get3A_671] {strides = array<i32>} : memref<200x128xf32, #tpu.memory_space<vmem>>, vector<16xf32>,
        %add3A_673 = arith.addf %add3A_667, %get3A_672 : vector<16xf32>
        %add3A_674 = arith.constant 9 : i32
        %add3A_675 = arith.addi %mul3A_439, %add3A_674 : i32
        %get3A_676 = arith.index_cast %add3A_675 : i32 to index
        %get3A_677 = arith.constant 48 : index
        %get3A_678 = tpu.vector_load %arg10[%get3A_676, %get3A_677] {strides = array<i32>} : memref<200x128xf32, #tpu.memory_space<vmem>>, vector<16xf32>,
        %add3A_679 = arith.addf %add3A_673, %get3A_678 : vector<16xf32>
        %add3A_680 = arith.constant 0 : i32
        %add3A_681 = arith.addi %mul3A_439, %add3A_680 : i32
        %get3A_682 = arith.index_cast %add3A_681 : i32 to index
        %get3A_683 = arith.constant 64 : index
        %get3A_684 = tpu.vector_load %arg10[%get3A_682, %get3A_683] {strides = array<i32>} : memref<200x128xf32, #tpu.memory_space<vmem>>, vector<16xf32>,
        %add3A_685 = arith.addf %scan3A_434, %get3A_684 : vector<16xf32>
        %add3A_686 = arith.constant 1 : i32
        %add3A_687 = arith.addi %mul3A_439, %add3A_686 : i32
        %get3A_688 = arith.index_cast %add3A_687 : i32 to index
        %get3A_689 = arith.constant 64 : index
        %get3A_690 = tpu.vector_load %arg10[%get3A_688, %get3A_689] {strides = array<i32>} : memref<200x128xf32, #tpu.memory_space<vmem>>, vector<16xf32>,
        %add3A_691 = arith.addf %add3A_685, %get3A_690 : vector<16xf32>
        %add3A_692 = arith.constant 2 : i32
        %add3A_693 = arith.addi %mul3A_439, %add3A_692 : i32
        %get3A_694 = arith.index_cast %add3A_693 : i32 to index
        %get3A_695 = arith.constant 64 : index
        %get3A_696 = tpu.vector_load %arg10[%get3A_694, %get3A_695] {strides = array<i32>} : memref<200x128xf32, #tpu.memory_space<vmem>>, vector<16xf32>,
        %add3A_697 = arith.addf %add3A_691, %get3A_696 : vector<16xf32>
        %add3A_698 = arith.constant 3 : i32
        %add3A_699 = arith.addi %mul3A_439, %add3A_698 : i32
        %get3A_700 = arith.index_cast %add3A_699 : i32 to index
        %get3A_701 = arith.constant 64 : index
        %get3A_702 = tpu.vector_load %arg10[%get3A_700, %get3A_701] {strides = array<i32>} : memref<200x128xf32, #tpu.memory_space<vmem>>, vector<16xf32>,
        %add3A_703 = arith.addf %add3A_697, %get3A_702 : vector<16xf32>
        %add3A_704 = arith.constant 4 : i32
        %add3A_705 = arith.addi %mul3A_439, %add3A_704 : i32
        %get3A_706 = arith.index_cast %add3A_705 : i32 to index
        %get3A_707 = arith.constant 64 : index
        %get3A_708 = tpu.vector_load %arg10[%get3A_706, %get3A_707] {strides = array<i32>} : memref<200x128xf32, #tpu.memory_space<vmem>>, vector<16xf32>,
        %add3A_709 = arith.addf %add3A_703, %get3A_708 : vector<16xf32>
        %add3A_710 = arith.constant 5 : i32
        %add3A_711 = arith.addi %mul3A_439, %add3A_710 : i32
        %get3A_712 = arith.index_cast %add3A_711 : i32 to index
        %get3A_713 = arith.constant 64 : index
        %get3A_714 = tpu.vector_load %arg10[%get3A_712, %get3A_713] {strides = array<i32>} : memref<200x128xf32, #tpu.memory_space<vmem>>, vector<16xf32>,
        %add3A_715 = arith.addf %add3A_709, %get3A_714 : vector<16xf32>
        %add3A_716 = arith.constant 6 : i32
        %add3A_717 = arith.addi %mul3A_439, %add3A_716 : i32
        %get3A_718 = arith.index_cast %add3A_717 : i32 to index
        %get3A_719 = arith.constant 64 : index
        %get3A_720 = tpu.vector_load %arg10[%get3A_718, %get3A_719] {strides = array<i32>} : memref<200x128xf32, #tpu.memory_space<vmem>>, vector<16xf32>,
        %add3A_721 = arith.addf %add3A_715, %get3A_720 : vector<16xf32>
        %add3A_722 = arith.constant 7 : i32
        %add3A_723 = arith.addi %mul3A_439, %add3A_722 : i32
        %get3A_724 = arith.index_cast %add3A_723 : i32 to index
        %get3A_725 = arith.constant 64 : index
        %get3A_726 = tpu.vector_load %arg10[%get3A_724, %get3A_725] {strides = array<i32>} : memref<200x128xf32, #tpu.memory_space<vmem>>, vector<16xf32>,
        %add3A_727 = arith.addf %add3A_721, %get3A_726 : vector<16xf32>
        %add3A_728 = arith.constant 8 : i32
        %add3A_729 = arith.addi %mul3A_439, %add3A_728 : i32
        %get3A_730 = arith.index_cast %add3A_729 : i32 to index
        %get3A_731 = arith.constant 64 : index
        %get3A_732 = tpu.vector_load %arg10[%get3A_730, %get3A_731] {strides = array<i32>} : memref<200x128xf32, #tpu.memory_space<vmem>>, vector<16xf32>,
        %add3A_733 = arith.addf %add3A_727, %get3A_732 : vector<16xf32>
        %add3A_734 = arith.constant 9 : i32
        %add3A_735 = arith.addi %mul3A_439, %add3A_734 : i32
        %get3A_736 = arith.index_cast %add3A_735 : i32 to index
        %get3A_737 = arith.constant 64 : index
        %get3A_738 = tpu.vector_load %arg10[%get3A_736, %get3A_737] {strides = array<i32>} : memref<200x128xf32, #tpu.memory_space<vmem>>, vector<16xf32>,
        %add3A_739 = arith.addf %add3A_733, %get3A_738 : vector<16xf32>
        %add3A_740 = arith.constant 0 : i32
        %add3A_741 = arith.addi %mul3A_439, %add3A_740 : i32
        %get3A_742 = arith.index_cast %add3A_741 : i32 to index
        %get3A_743 = arith.constant 80 : index
        %get3A_744 = tpu.vector_load %arg10[%get3A_742, %get3A_743] {strides = array<i32>} : memref<200x128xf32, #tpu.memory_space<vmem>>, vector<16xf32>,
        %add3A_745 = arith.addf %scan3A_435, %get3A_744 : vector<16xf32>
        %add3A_746 = arith.constant 1 : i32
        %add3A_747 = arith.addi %mul3A_439, %add3A_746 : i32
        %get3A_748 = arith.index_cast %add3A_747 : i32 to index
        %get3A_749 = arith.constant 80 : index
        %get3A_750 = tpu.vector_load %arg10[%get3A_748, %get3A_749] {strides = array<i32>} : memref<200x128xf32, #tpu.memory_space<vmem>>, vector<16xf32>,
        %add3A_751 = arith.addf %add3A_745, %get3A_750 : vector<16xf32>
        %add3A_752 = arith.constant 2 : i32
        %add3A_753 = arith.addi %mul3A_439, %add3A_752 : i32
        %get3A_754 = arith.index_cast %add3A_753 : i32 to index
        %get3A_755 = arith.constant 80 : index
        %get3A_756 = tpu.vector_load %arg10[%get3A_754, %get3A_755] {strides = array<i32>} : memref<200x128xf32, #tpu.memory_space<vmem>>, vector<16xf32>,
        %add3A_757 = arith.addf %add3A_751, %get3A_756 : vector<16xf32>
        %add3A_758 = arith.constant 3 : i32
        %add3A_759 = arith.addi %mul3A_439, %add3A_758 : i32
        %get3A_760 = arith.index_cast %add3A_759 : i32 to index
        %get3A_761 = arith.constant 80 : index
        %get3A_762 = tpu.vector_load %arg10[%get3A_760, %get3A_761] {strides = array<i32>} : memref<200x128xf32, #tpu.memory_space<vmem>>, vector<16xf32>,
        %add3A_763 = arith.addf %add3A_757, %get3A_762 : vector<16xf32>
        %add3A_764 = arith.constant 4 : i32
        %add3A_765 = arith.addi %mul3A_439, %add3A_764 : i32
        %get3A_766 = arith.index_cast %add3A_765 : i32 to index
        %get3A_767 = arith.constant 80 : index
        %get3A_768 = tpu.vector_load %arg10[%get3A_766, %get3A_767] {strides = array<i32>} : memref<200x128xf32, #tpu.memory_space<vmem>>, vector<16xf32>,
        %add3A_769 = arith.addf %add3A_763, %get3A_768 : vector<16xf32>
        %add3A_770 = arith.constant 5 : i32
        %add3A_771 = arith.addi %mul3A_439, %add3A_770 : i32
        %get3A_772 = arith.index_cast %add3A_771 : i32 to index
        %get3A_773 = arith.constant 80 : index
        %get3A_774 = tpu.vector_load %arg10[%get3A_772, %get3A_773] {strides = array<i32>} : memref<200x128xf32, #tpu.memory_space<vmem>>, vector<16xf32>,
        %add3A_775 = arith.addf %add3A_769, %get3A_774 : vector<16xf32>
        %add3A_776 = arith.constant 6 : i32
        %add3A_777 = arith.addi %mul3A_439, %add3A_776 : i32
        %get3A_778 = arith.index_cast %add3A_777 : i32 to index
        %get3A_779 = arith.constant 80 : index
        %get3A_780 = tpu.vector_load %arg10[%get3A_778, %get3A_779] {strides = array<i32>} : memref<200x128xf32, #tpu.memory_space<vmem>>, vector<16xf32>,
        %add3A_781 = arith.addf %add3A_775, %get3A_780 : vector<16xf32>
        %add3A_782 = arith.constant 7 : i32
        %add3A_783 = arith.addi %mul3A_439, %add3A_782 : i32
        %get3A_784 = arith.index_cast %add3A_783 : i32 to index
        %get3A_785 = arith.constant 80 : index
        %get3A_786 = tpu.vector_load %arg10[%get3A_784, %get3A_785] {strides = array<i32>} : memref<200x128xf32, #tpu.memory_space<vmem>>, vector<16xf32>,
        %add3A_787 = arith.addf %add3A_781, %get3A_786 : vector<16xf32>
        %add3A_788 = arith.constant 8 : i32
        %add3A_789 = arith.addi %mul3A_439, %add3A_788 : i32
        %get3A_790 = arith.index_cast %add3A_789 : i32 to index
        %get3A_791 = arith.constant 80 : index
        %get3A_792 = tpu.vector_load %arg10[%get3A_790, %get3A_791] {strides = array<i32>} : memref<200x128xf32, #tpu.memory_space<vmem>>, vector<16xf32>,
        %add3A_793 = arith.addf %add3A_787, %get3A_792 : vector<16xf32>
        %add3A_794 = arith.constant 9 : i32
        %add3A_795 = arith.addi %mul3A_439, %add3A_794 : i32
        %get3A_796 = arith.index_cast %add3A_795 : i32 to index
        %get3A_797 = arith.constant 80 : index
        %get3A_798 = tpu.vector_load %arg10[%get3A_796, %get3A_797] {strides = array<i32>} : memref<200x128xf32, #tpu.memory_space<vmem>>, vector<16xf32>,
        %add3A_799 = arith.addf %add3A_793, %get3A_798 : vector<16xf32>
        %add3A_800 = arith.constant 0 : i32
        %add3A_801 = arith.addi %mul3A_439, %add3A_800 : i32
        %get3A_802 = arith.index_cast %add3A_801 : i32 to index
        %get3A_803 = arith.constant 96 : index
        %get3A_804 = tpu.vector_load %arg10[%get3A_802, %get3A_803] {strides = array<i32>} : memref<200x128xf32, #tpu.memory_space<vmem>>, vector<16xf32>,
        %add3A_805 = arith.addf %scan3A_436, %get3A_804 : vector<16xf32>
        %add3A_806 = arith.constant 1 : i32
        %add3A_807 = arith.addi %mul3A_439, %add3A_806 : i32
        %get3A_808 = arith.index_cast %add3A_807 : i32 to index
        %get3A_809 = arith.constant 96 : index
        %get3A_810 = tpu.vector_load %arg10[%get3A_808, %get3A_809] {strides = array<i32>} : memref<200x128xf32, #tpu.memory_space<vmem>>, vector<16xf32>,
        %add3A_811 = arith.addf %add3A_805, %get3A_810 : vector<16xf32>
        %add3A_812 = arith.constant 2 : i32
        %add3A_813 = arith.addi %mul3A_439, %add3A_812 : i32
        %get3A_814 = arith.index_cast %add3A_813 : i32 to index
        %get3A_815 = arith.constant 96 : index
        %get3A_816 = tpu.vector_load %arg10[%get3A_814, %get3A_815] {strides = array<i32>} : memref<200x128xf32, #tpu.memory_space<vmem>>, vector<16xf32>,
        %add3A_817 = arith.addf %add3A_811, %get3A_816 : vector<16xf32>
        %add3A_818 = arith.constant 3 : i32
        %add3A_819 = arith.addi %mul3A_439, %add3A_818 : i32
        %get3A_820 = arith.index_cast %add3A_819 : i32 to index
        %get3A_821 = arith.constant 96 : index
        %get3A_822 = tpu.vector_load %arg10[%get3A_820, %get3A_821] {strides = array<i32>} : memref<200x128xf32, #tpu.memory_space<vmem>>, vector<16xf32>,
        %add3A_823 = arith.addf %add3A_817, %get3A_822 : vector<16xf32>
        %add3A_824 = arith.constant 4 : i32
        %add3A_825 = arith.addi %mul3A_439, %add3A_824 : i32
        %get3A_826 = arith.index_cast %add3A_825 : i32 to index
        %get3A_827 = arith.constant 96 : index
        %get3A_828 = tpu.vector_load %arg10[%get3A_826, %get3A_827] {strides = array<i32>} : memref<200x128xf32, #tpu.memory_space<vmem>>, vector<16xf32>,
        %add3A_829 = arith.addf %add3A_823, %get3A_828 : vector<16xf32>
        %add3A_830 = arith.constant 5 : i32
        %add3A_831 = arith.addi %mul3A_439, %add3A_830 : i32
        %get3A_832 = arith.index_cast %add3A_831 : i32 to index
        %get3A_833 = arith.constant 96 : index
        %get3A_834 = tpu.vector_load %arg10[%get3A_832, %get3A_833] {strides = array<i32>} : memref<200x128xf32, #tpu.memory_space<vmem>>, vector<16xf32>,
        %add3A_835 = arith.addf %add3A_829, %get3A_834 : vector<16xf32>
        %add3A_836 = arith.constant 6 : i32
        %add3A_837 = arith.addi %mul3A_439, %add3A_836 : i32
        %get3A_838 = arith.index_cast %add3A_837 : i32 to index
        %get3A_839 = arith.constant 96 : index
        %get3A_840 = tpu.vector_load %arg10[%get3A_838, %get3A_839] {strides = array<i32>} : memref<200x128xf32, #tpu.memory_space<vmem>>, vector<16xf32>,
        %add3A_841 = arith.addf %add3A_835, %get3A_840 : vector<16xf32>
        %add3A_842 = arith.constant 7 : i32
        %add3A_843 = arith.addi %mul3A_439, %add3A_842 : i32
        %get3A_844 = arith.index_cast %add3A_843 : i32 to index
        %get3A_845 = arith.constant 96 : index
        %get3A_846 = tpu.vector_load %arg10[%get3A_844, %get3A_845] {strides = array<i32>} : memref<200x128xf32, #tpu.memory_space<vmem>>, vector<16xf32>,
        %add3A_847 = arith.addf %add3A_841, %get3A_846 : vector<16xf32>
        %add3A_848 = arith.constant 8 : i32
        %add3A_849 = arith.addi %mul3A_439, %add3A_848 : i32
        %get3A_850 = arith.index_cast %add3A_849 : i32 to index
        %get3A_851 = arith.constant 96 : index
        %get3A_852 = tpu.vector_load %arg10[%get3A_850, %get3A_851] {strides = array<i32>} : memref<200x128xf32, #tpu.memory_space<vmem>>, vector<16xf32>,
        %add3A_853 = arith.addf %add3A_847, %get3A_852 : vector<16xf32>
        %add3A_854 = arith.constant 9 : i32
        %add3A_855 = arith.addi %mul3A_439, %add3A_854 : i32
        %get3A_856 = arith.index_cast %add3A_855 : i32 to index
        %get3A_857 = arith.constant 96 : index
        %get3A_858 = tpu.vector_load %arg10[%get3A_856, %get3A_857] {strides = array<i32>} : memref<200x128xf32, #tpu.memory_space<vmem>>, vector<16xf32>,
        %add3A_859 = arith.addf %add3A_853, %get3A_858 : vector<16xf32>
        %add3A_860 = arith.constant 0 : i32
        %add3A_861 = arith.addi %mul3A_439, %add3A_860 : i32
        %get3A_862 = arith.index_cast %add3A_861 : i32 to index
        %get3A_863 = arith.constant 112 : index
        %get3A_864 = tpu.vector_load %arg10[%get3A_862, %get3A_863] {strides = array<i32>} : memref<200x128xf32, #tpu.memory_space<vmem>>, vector<16xf32>,
        %add3A_865 = arith.addf %scan3A_437, %get3A_864 : vector<16xf32>
        %add3A_866 = arith.constant 1 : i32
        %add3A_867 = arith.addi %mul3A_439, %add3A_866 : i32
        %get3A_868 = arith.index_cast %add3A_867 : i32 to index
        %get3A_869 = arith.constant 112 : index
        %get3A_870 = tpu.vector_load %arg10[%get3A_868, %get3A_869] {strides = array<i32>} : memref<200x128xf32, #tpu.memory_space<vmem>>, vector<16xf32>,
        %add3A_871 = arith.addf %add3A_865, %get3A_870 : vector<16xf32>
        %add3A_872 = arith.constant 2 : i32
        %add3A_873 = arith.addi %mul3A_439, %add3A_872 : i32
        %get3A_874 = arith.index_cast %add3A_873 : i32 to index
        %get3A_875 = arith.constant 112 : index
        %get3A_876 = tpu.vector_load %arg10[%get3A_874, %get3A_875] {strides = array<i32>} : memref<200x128xf32, #tpu.memory_space<vmem>>, vector<16xf32>,
        %add3A_877 = arith.addf %add3A_871, %get3A_876 : vector<16xf32>
        %add3A_878 = arith.constant 3 : i32
        %add3A_879 = arith.addi %mul3A_439, %add3A_878 : i32
        %get3A_880 = arith.index_cast %add3A_879 : i32 to index
        %get3A_881 = arith.constant 112 : index
        %get3A_882 = tpu.vector_load %arg10[%get3A_880, %get3A_881] {strides = array<i32>} : memref<200x128xf32, #tpu.memory_space<vmem>>, vector<16xf32>,
        %add3A_883 = arith.addf %add3A_877, %get3A_882 : vector<16xf32>
        %add3A_884 = arith.constant 4 : i32
        %add3A_885 = arith.addi %mul3A_439, %add3A_884 : i32
        %get3A_886 = arith.index_cast %add3A_885 : i32 to index
        %get3A_887 = arith.constant 112 : index
        %get3A_888 = tpu.vector_load %arg10[%get3A_886, %get3A_887] {strides = array<i32>} : memref<200x128xf32, #tpu.memory_space<vmem>>, vector<16xf32>,
        %add3A_889 = arith.addf %add3A_883, %get3A_888 : vector<16xf32>
        %add3A_890 = arith.constant 5 : i32
        %add3A_891 = arith.addi %mul3A_439, %add3A_890 : i32
        %get3A_892 = arith.index_cast %add3A_891 : i32 to index
        %get3A_893 = arith.constant 112 : index
        %get3A_894 = tpu.vector_load %arg10[%get3A_892, %get3A_893] {strides = array<i32>} : memref<200x128xf32, #tpu.memory_space<vmem>>, vector<16xf32>,
        %add3A_895 = arith.addf %add3A_889, %get3A_894 : vector<16xf32>
        %add3A_896 = arith.constant 6 : i32
        %add3A_897 = arith.addi %mul3A_439, %add3A_896 : i32
        %get3A_898 = arith.index_cast %add3A_897 : i32 to index
        %get3A_899 = arith.constant 112 : index
        %get3A_900 = tpu.vector_load %arg10[%get3A_898, %get3A_899] {strides = array<i32>} : memref<200x128xf32, #tpu.memory_space<vmem>>, vector<16xf32>,
        %add3A_901 = arith.addf %add3A_895, %get3A_900 : vector<16xf32>
        %add3A_902 = arith.constant 7 : i32
        %add3A_903 = arith.addi %mul3A_439, %add3A_902 : i32
        %get3A_904 = arith.index_cast %add3A_903 : i32 to index
        %get3A_905 = arith.constant 112 : index
        %get3A_906 = tpu.vector_load %arg10[%get3A_904, %get3A_905] {strides = array<i32>} : memref<200x128xf32, #tpu.memory_space<vmem>>, vector<16xf32>,
        %add3A_907 = arith.addf %add3A_901, %get3A_906 : vector<16xf32>
        %add3A_908 = arith.constant 8 : i32
        %add3A_909 = arith.addi %mul3A_439, %add3A_908 : i32
        %get3A_910 = arith.index_cast %add3A_909 : i32 to index
        %get3A_911 = arith.constant 112 : index
        %get3A_912 = tpu.vector_load %arg10[%get3A_910, %get3A_911] {strides = array<i32>} : memref<200x128xf32, #tpu.memory_space<vmem>>, vector<16xf32>,
        %add3A_913 = arith.addf %add3A_907, %get3A_912 : vector<16xf32>
        %add3A_914 = arith.constant 9 : i32
        %add3A_915 = arith.addi %mul3A_439, %add3A_914 : i32
        %get3A_916 = arith.index_cast %add3A_915 : i32 to index
        %get3A_917 = arith.constant 112 : index
        %get3A_918 = tpu.vector_load %arg10[%get3A_916, %get3A_917] {strides = array<i32>} : memref<200x128xf32, #tpu.memory_space<vmem>>, vector<16xf32>,
        %add3A_919 = arith.addf %add3A_913, %get3A_918 : vector<16xf32>
        scf.yield %add3A_499, %add3A_559, %add3A_619, %add3A_679, %add3A_739, %add3A_799, %add3A_859, %add3A_919 : vector<16xf32>, vector<16xf32>, vector<16xf32>, vector<16xf32>, vector<16xf32>, vector<16xf32>, vector<16xf32>, vector<16xf32>
      }
      %scan3A_252 = arith.constant 20 : i32
      %add3A_253 = arith.constant 4 : i32
      %add3A_254 = arith.addi %add3A_238, %add3A_253 : i32
      %lt3A_255 = arith.constant 32 : i32
      %lt3A_256 = arith.cmpi slt, %add3A_254, %lt3A_255 : i32
      %convert_element_type3A_257 = arith.extui %lt3A_256 : i1 to i32
      %cond3A_258 = arith.constant 0 : i32
      %cond3A_259 = arith.cmpi ne, %convert_element_type3A_257, %cond3A_258 : i32
      scf.if %cond3A_259 {
        %add3A_429 = arith.constant 4 : i32
        %add3A_430 = arith.addi %add3A_238, %add3A_429 : i32
        %mul3A_431 = arith.constant 200 : i32
        %mul3A_432 = arith.muli %add3A_430, %mul3A_431 : i32
        %dma_start3A_433 = tpu.memref_slice %arg7[%mul3A_432] : memref<6400xi32, #tpu.memory_space<vmem>> -> memref<200xi32, #tpu.memory_space<vmem>>
        %dma_start3A_434 = arith.constant 0 : i32
        %dma_start3A_435 = arith.constant 0 : i32
        %dma_start3A_436 = tpu.memref_slice %arg3[%dma_start3A_434, %dma_start3A_435] : memref<100000x128xf32, #tpu.memory_space<hbm>> -> memref<100000x128xf32, #tpu.memory_space<hbm>>
        tpu.enqueue_indirect_dma source(%dma_start3A_436 : memref<100000x128xf32, #tpu.memory_space<hbm>>) target(%arg10 : memref<200x128xf32, #tpu.memory_space<vmem>>) offsets(%dma_start3A_433 : memref<200xi32, #tpu.memory_space<vmem>>) semaphore(%arg17 : memref<!tpu.dma_semaphore, #tpu.memory_space<semaphore_mem>>)
      } else {
      }
      %broadcast_in_dim3A_260 = arith.constant false
      %broadcast_in_dim3A_261 = vector.broadcast %broadcast_in_dim3A_260 : i1 to vector<16xi1>
      %add3A_262 = arith.addf %scan3A_251#0, %get3A_5 : vector<16xf32>
      %swap3A_263 = arith.index_cast %add3A_238 : i32 to index
      %swap3A_264 = arith.constant 0 : index
      %swap3A_265 = tpu.vector_load %arg12[%swap3A_263, %swap3A_264] {strides = array<i32>} : memref<32x128xf32, #tpu.memory_space<vmem>>, vector<16xf32>,
      tpu.vector_store %arg12[%swap3A_263, %swap3A_264], %add3A_262 {strides = array<i32>} : memref<32x128xf32, #tpu.memory_space<vmem>>, vector<16xf32>,
      %ne3A_266 = arith.constant 0.000000e+00 : f32
      %ne3A_267 = vector.broadcast %ne3A_266 : f32 to vector<16xf32>
      %ne3A_268 = arith.cmpf one, %add3A_262, %ne3A_267 : vector<16xf32>
      %or3A_269 = arith.ori %broadcast_in_dim3A_261, %ne3A_268 : vector<16xi1>
      %add3A_270 = arith.addf %scan3A_251#1, %get3A_7 : vector<16xf32>
      %swap3A_271 = arith.index_cast %add3A_238 : i32 to index
      %swap3A_272 = arith.constant 16 : index
      %swap3A_273 = tpu.vector_load %arg12[%swap3A_271, %swap3A_272] {strides = array<i32>} : memref<32x128xf32, #tpu.memory_space<vmem>>, vector<16xf32>,
      tpu.vector_store %arg12[%swap3A_271, %swap3A_272], %add3A_270 {strides = array<i32>} : memref<32x128xf32, #tpu.memory_space<vmem>>, vector<16xf32>,
      %ne3A_274 = arith.constant 0.000000e+00 : f32
      %ne3A_275 = vector.broadcast %ne3A_274 : f32 to vector<16xf32>
      %ne3A_276 = arith.cmpf one, %add3A_270, %ne3A_275 : vector<16xf32>
      %or3A_277 = arith.ori %or3A_269, %ne3A_276 : vector<16xi1>
      %add3A_278 = arith.addf %scan3A_251#2, %get3A_9 : vector<16xf32>
      %swap3A_279 = arith.index_cast %add3A_238 : i32 to index
      %swap3A_280 = arith.constant 32 : index
      %swap3A_281 = tpu.vector_load %arg12[%swap3A_279, %swap3A_280] {strides = array<i32>} : memref<32x128xf32, #tpu.memory_space<vmem>>, vector<16xf32>,
      tpu.vector_store %arg12[%swap3A_279, %swap3A_280], %add3A_278 {strides = array<i32>} : memref<32x128xf32, #tpu.memory_space<vmem>>, vector<16xf32>,
      %ne3A_282 = arith.constant 0.000000e+00 : f32
      %ne3A_283 = vector.broadcast %ne3A_282 : f32 to vector<16xf32>
      %ne3A_284 = arith.cmpf one, %add3A_278, %ne3A_283 : vector<16xf32>
      %or3A_285 = arith.ori %or3A_277, %ne3A_284 : vector<16xi1>
      %add3A_286 = arith.addf %scan3A_251#3, %get3A_11 : vector<16xf32>
      %swap3A_287 = arith.index_cast %add3A_238 : i32 to index
      %swap3A_288 = arith.constant 48 : index
      %swap3A_289 = tpu.vector_load %arg12[%swap3A_287, %swap3A_288] {strides = array<i32>} : memref<32x128xf32, #tpu.memory_space<vmem>>, vector<16xf32>,
      tpu.vector_store %arg12[%swap3A_287, %swap3A_288], %add3A_286 {strides = array<i32>} : memref<32x128xf32, #tpu.memory_space<vmem>>, vector<16xf32>,
      %ne3A_290 = arith.constant 0.000000e+00 : f32
      %ne3A_291 = vector.broadcast %ne3A_290 : f32 to vector<16xf32>
      %ne3A_292 = arith.cmpf one, %add3A_286, %ne3A_291 : vector<16xf32>
      %or3A_293 = arith.ori %or3A_285, %ne3A_292 : vector<16xi1>
      %add3A_294 = arith.addf %scan3A_251#4, %get3A_13 : vector<16xf32>
      %swap3A_295 = arith.index_cast %add3A_238 : i32 to index
      %swap3A_296 = arith.constant 64 : index
      %swap3A_297 = tpu.vector_load %arg12[%swap3A_295, %swap3A_296] {strides = array<i32>} : memref<32x128xf32, #tpu.memory_space<vmem>>, vector<16xf32>,
      tpu.vector_store %arg12[%swap3A_295, %swap3A_296], %add3A_294 {strides = array<i32>} : memref<32x128xf32, #tpu.memory_space<vmem>>, vector<16xf32>,
      %ne3A_298 = arith.constant 0.000000e+00 : f32
      %ne3A_299 = vector.broadcast %ne3A_298 : f32 to vector<16xf32>
      %ne3A_300 = arith.cmpf one, %add3A_294, %ne3A_299 : vector<16xf32>
      %or3A_301 = arith.ori %or3A_293, %ne3A_300 : vector<16xi1>
      %add3A_302 = arith.addf %scan3A_251#5, %get3A_15 : vector<16xf32>
      %swap3A_303 = arith.index_cast %add3A_238 : i32 to index
      %swap3A_304 = arith.constant 80 : index
      %swap3A_305 = tpu.vector_load %arg12[%swap3A_303, %swap3A_304] {strides = array<i32>} : memref<32x128xf32, #tpu.memory_space<vmem>>, vector<16xf32>,
      tpu.vector_store %arg12[%swap3A_303, %swap3A_304], %add3A_302 {strides = array<i32>} : memref<32x128xf32, #tpu.memory_space<vmem>>, vector<16xf32>,
      %ne3A_306 = arith.constant 0.000000e+00 : f32
      %ne3A_307 = vector.broadcast %ne3A_306 : f32 to vector<16xf32>
      %ne3A_308 = arith.cmpf one, %add3A_302, %ne3A_307 : vector<16xf32>
      %or3A_309 = arith.ori %or3A_301, %ne3A_308 : vector<16xi1>
      %add3A_310 = arith.addf %scan3A_251#6, %get3A_17 : vector<16xf32>
      %swap3A_311 = arith.index_cast %add3A_238 : i32 to index
      %swap3A_312 = arith.constant 96 : index
      %swap3A_313 = tpu.vector_load %arg12[%swap3A_311, %swap3A_312] {strides = array<i32>} : memref<32x128xf32, #tpu.memory_space<vmem>>, vector<16xf32>,
      tpu.vector_store %arg12[%swap3A_311, %swap3A_312], %add3A_310 {strides = array<i32>} : memref<32x128xf32, #tpu.memory_space<vmem>>, vector<16xf32>,
      %ne3A_314 = arith.constant 0.000000e+00 : f32
      %ne3A_315 = vector.broadcast %ne3A_314 : f32 to vector<16xf32>
      %ne3A_316 = arith.cmpf one, %add3A_310, %ne3A_315 : vector<16xf32>
      %or3A_317 = arith.ori %or3A_309, %ne3A_316 : vector<16xi1>
      %add3A_318 = arith.addf %scan3A_251#7, %get3A_19 : vector<16xf32>
      %swap3A_319 = arith.index_cast %add3A_238 : i32 to index
      %swap3A_320 = arith.constant 112 : index
      %swap3A_321 = tpu.vector_load %arg12[%swap3A_319, %swap3A_320] {strides = array<i32>} : memref<32x128xf32, #tpu.memory_space<vmem>>, vector<16xf32>,
      tpu.vector_store %arg12[%swap3A_319, %swap3A_320], %add3A_318 {strides = array<i32>} : memref<32x128xf32, #tpu.memory_space<vmem>>, vector<16xf32>,
      %ne3A_322 = arith.constant 0.000000e+00 : f32
      %ne3A_323 = vector.broadcast %ne3A_322 : f32 to vector<16xf32>
      %ne3A_324 = arith.cmpf one, %add3A_318, %ne3A_323 : vector<16xf32>
      %or3A_325 = arith.ori %or3A_317, %ne3A_324 : vector<16xi1>
      %jit3A_326 = arith.constant 1 : i32
      %jit3A_327 = arith.constant 0 : i32
      %broadcast_in_dim3A_328 = vector.broadcast %jit3A_326 : i32 to vector<16xi32>
      %broadcast_in_dim3A_329 = vector.broadcast %jit3A_327 : i32 to vector<16xi32>
      %select_n3A_330 = arith.select %or3A_325, %broadcast_in_dim3A_328, %broadcast_in_dim3A_329 : vector<16xi1>, vector<16xi32>
      %broadcast_in_dim3A_331 = vector.broadcast %add3A_238 : i32 to vector<16xi32>
      tpu.vector_store_idx %arg14[%broadcast_in_dim3A_331], %select_n3A_330 {add = true} : memref<32xi32, #tpu.memory_space<vmem>>[vector<16xi32>], vector<16xi32>,
      %mul3A_332 = arith.constant 4 : i32
      %mul3A_333 = arith.muli %mul3A_332, %scan3A_48 : i32
      %add3A_334 = arith.constant 3 : i32
      %add3A_335 = arith.addi %mul3A_333, %add3A_334 : i32
      %mul3A_336 = arith.constant 200 : i32
      %mul3A_337 = arith.muli %add3A_335, %mul3A_336 : i32
      %dma_wait3A_338 = tpu.memref_slice %arg7[%mul3A_337] : memref<6400xi32, #tpu.memory_space<vmem>> -> memref<200xi32, #tpu.memory_space<vmem>>
      %dma_wait3A_339 = arith.constant 0 : i32
      %dma_wait3A_340 = arith.constant 0 : i32
      %dma_wait3A_341 = tpu.memref_slice %arg3[%dma_wait3A_339, %dma_wait3A_340] : memref<100000x128xf32, #tpu.memory_space<hbm>> -> memref<100000x128xf32, #tpu.memory_space<hbm>>
      tpu.wait_indirect_dma semaphore(%arg18 : memref<!tpu.dma_semaphore, #tpu.memory_space<semaphore_mem>>) src(%dma_wait3A_341 : memref<100000x128xf32, #tpu.memory_space<hbm>>) dst(%arg11 : memref<200x128xf32, #tpu.memory_space<vmem>>)
      %broadcast_in_dim3A_342 = arith.constant 0.000000e+00 : f32
      %broadcast_in_dim3A_343 = vector.broadcast %broadcast_in_dim3A_342 : f32 to vector<16xf32>
      %scan3A_344 = arith.constant 0 : i32
      %scan3A_345 = arith.constant 20 : i32
      %scan3A_346 = arith.addi %scan3A_344, %scan3A_345 : i32
      %scan3A_347 = arith.constant 1 : i32
      %scan3A_348:8 = scf.for %scan3A_429 = %scan3A_344 to %scan3A_346 step %scan3A_347 iter_args(%scan3A_430 = %broadcast_in_dim3A_343, %scan3A_431 = %broadcast_in_dim3A_343, %scan3A_432 = %broadcast_in_dim3A_343, %scan3A_433 = %broadcast_in_dim3A_343, %scan3A_434 = %broadcast_in_dim3A_343, %scan3A_435 = %broadcast_in_dim3A_343, %scan3A_436 = %broadcast_in_dim3A_343, %scan3A_437 = %broadcast_in_dim3A_343) -> (vector<16xf32>, vector<16xf32>, vector<16xf32>, vector<16xf32>, vector<16xf32>, vector<16xf32>, vector<16xf32>, vector<16xf32>)  : i32 {
        %mul3A_438 = arith.constant 10 : i32
        %mul3A_439 = arith.muli %scan3A_429, %mul3A_438 : i32
        %add3A_440 = arith.constant 0 : i32
        %add3A_441 = arith.addi %mul3A_439, %add3A_440 : i32
        %get3A_442 = arith.index_cast %add3A_441 : i32 to index
        %get3A_443 = arith.constant 0 : index
        %get3A_444 = tpu.vector_load %arg11[%get3A_442, %get3A_443] {strides = array<i32>} : memref<200x128xf32, #tpu.memory_space<vmem>>, vector<16xf32>,
        %add3A_445 = arith.addf %scan3A_430, %get3A_444 : vector<16xf32>
        %add3A_446 = arith.constant 1 : i32
        %add3A_447 = arith.addi %mul3A_439, %add3A_446 : i32
        %get3A_448 = arith.index_cast %add3A_447 : i32 to index
        %get3A_449 = arith.constant 0 : index
        %get3A_450 = tpu.vector_load %arg11[%get3A_448, %get3A_449] {strides = array<i32>} : memref<200x128xf32, #tpu.memory_space<vmem>>, vector<16xf32>,
        %add3A_451 = arith.addf %add3A_445, %get3A_450 : vector<16xf32>
        %add3A_452 = arith.constant 2 : i32
        %add3A_453 = arith.addi %mul3A_439, %add3A_452 : i32
        %get3A_454 = arith.index_cast %add3A_453 : i32 to index
        %get3A_455 = arith.constant 0 : index
        %get3A_456 = tpu.vector_load %arg11[%get3A_454, %get3A_455] {strides = array<i32>} : memref<200x128xf32, #tpu.memory_space<vmem>>, vector<16xf32>,
        %add3A_457 = arith.addf %add3A_451, %get3A_456 : vector<16xf32>
        %add3A_458 = arith.constant 3 : i32
        %add3A_459 = arith.addi %mul3A_439, %add3A_458 : i32
        %get3A_460 = arith.index_cast %add3A_459 : i32 to index
        %get3A_461 = arith.constant 0 : index
        %get3A_462 = tpu.vector_load %arg11[%get3A_460, %get3A_461] {strides = array<i32>} : memref<200x128xf32, #tpu.memory_space<vmem>>, vector<16xf32>,
        %add3A_463 = arith.addf %add3A_457, %get3A_462 : vector<16xf32>
        %add3A_464 = arith.constant 4 : i32
        %add3A_465 = arith.addi %mul3A_439, %add3A_464 : i32
        %get3A_466 = arith.index_cast %add3A_465 : i32 to index
        %get3A_467 = arith.constant 0 : index
        %get3A_468 = tpu.vector_load %arg11[%get3A_466, %get3A_467] {strides = array<i32>} : memref<200x128xf32, #tpu.memory_space<vmem>>, vector<16xf32>,
        %add3A_469 = arith.addf %add3A_463, %get3A_468 : vector<16xf32>
        %add3A_470 = arith.constant 5 : i32
        %add3A_471 = arith.addi %mul3A_439, %add3A_470 : i32
        %get3A_472 = arith.index_cast %add3A_471 : i32 to index
        %get3A_473 = arith.constant 0 : index
        %get3A_474 = tpu.vector_load %arg11[%get3A_472, %get3A_473] {strides = array<i32>} : memref<200x128xf32, #tpu.memory_space<vmem>>, vector<16xf32>,
        %add3A_475 = arith.addf %add3A_469, %get3A_474 : vector<16xf32>
        %add3A_476 = arith.constant 6 : i32
        %add3A_477 = arith.addi %mul3A_439, %add3A_476 : i32
        %get3A_478 = arith.index_cast %add3A_477 : i32 to index
        %get3A_479 = arith.constant 0 : index
        %get3A_480 = tpu.vector_load %arg11[%get3A_478, %get3A_479] {strides = array<i32>} : memref<200x128xf32, #tpu.memory_space<vmem>>, vector<16xf32>,
        %add3A_481 = arith.addf %add3A_475, %get3A_480 : vector<16xf32>
        %add3A_482 = arith.constant 7 : i32
        %add3A_483 = arith.addi %mul3A_439, %add3A_482 : i32
        %get3A_484 = arith.index_cast %add3A_483 : i32 to index
        %get3A_485 = arith.constant 0 : index
        %get3A_486 = tpu.vector_load %arg11[%get3A_484, %get3A_485] {strides = array<i32>} : memref<200x128xf32, #tpu.memory_space<vmem>>, vector<16xf32>,
        %add3A_487 = arith.addf %add3A_481, %get3A_486 : vector<16xf32>
        %add3A_488 = arith.constant 8 : i32
        %add3A_489 = arith.addi %mul3A_439, %add3A_488 : i32
        %get3A_490 = arith.index_cast %add3A_489 : i32 to index
        %get3A_491 = arith.constant 0 : index
        %get3A_492 = tpu.vector_load %arg11[%get3A_490, %get3A_491] {strides = array<i32>} : memref<200x128xf32, #tpu.memory_space<vmem>>, vector<16xf32>,
        %add3A_493 = arith.addf %add3A_487, %get3A_492 : vector<16xf32>
        %add3A_494 = arith.constant 9 : i32
        %add3A_495 = arith.addi %mul3A_439, %add3A_494 : i32
        %get3A_496 = arith.index_cast %add3A_495 : i32 to index
        %get3A_497 = arith.constant 0 : index
        %get3A_498 = tpu.vector_load %arg11[%get3A_496, %get3A_497] {strides = array<i32>} : memref<200x128xf32, #tpu.memory_space<vmem>>, vector<16xf32>,
        %add3A_499 = arith.addf %add3A_493, %get3A_498 : vector<16xf32>
        %add3A_500 = arith.constant 0 : i32
        %add3A_501 = arith.addi %mul3A_439, %add3A_500 : i32
        %get3A_502 = arith.index_cast %add3A_501 : i32 to index
        %get3A_503 = arith.constant 16 : index
        %get3A_504 = tpu.vector_load %arg11[%get3A_502, %get3A_503] {strides = array<i32>} : memref<200x128xf32, #tpu.memory_space<vmem>>, vector<16xf32>,
        %add3A_505 = arith.addf %scan3A_431, %get3A_504 : vector<16xf32>
        %add3A_506 = arith.constant 1 : i32
        %add3A_507 = arith.addi %mul3A_439, %add3A_506 : i32
        %get3A_508 = arith.index_cast %add3A_507 : i32 to index
        %get3A_509 = arith.constant 16 : index
        %get3A_510 = tpu.vector_load %arg11[%get3A_508, %get3A_509] {strides = array<i32>} : memref<200x128xf32, #tpu.memory_space<vmem>>, vector<16xf32>,
        %add3A_511 = arith.addf %add3A_505, %get3A_510 : vector<16xf32>
        %add3A_512 = arith.constant 2 : i32
        %add3A_513 = arith.addi %mul3A_439, %add3A_512 : i32
        %get3A_514 = arith.index_cast %add3A_513 : i32 to index
        %get3A_515 = arith.constant 16 : index
        %get3A_516 = tpu.vector_load %arg11[%get3A_514, %get3A_515] {strides = array<i32>} : memref<200x128xf32, #tpu.memory_space<vmem>>, vector<16xf32>,
        %add3A_517 = arith.addf %add3A_511, %get3A_516 : vector<16xf32>
        %add3A_518 = arith.constant 3 : i32
        %add3A_519 = arith.addi %mul3A_439, %add3A_518 : i32
        %get3A_520 = arith.index_cast %add3A_519 : i32 to index
        %get3A_521 = arith.constant 16 : index
        %get3A_522 = tpu.vector_load %arg11[%get3A_520, %get3A_521] {strides = array<i32>} : memref<200x128xf32, #tpu.memory_space<vmem>>, vector<16xf32>,
        %add3A_523 = arith.addf %add3A_517, %get3A_522 : vector<16xf32>
        %add3A_524 = arith.constant 4 : i32
        %add3A_525 = arith.addi %mul3A_439, %add3A_524 : i32
        %get3A_526 = arith.index_cast %add3A_525 : i32 to index
        %get3A_527 = arith.constant 16 : index
        %get3A_528 = tpu.vector_load %arg11[%get3A_526, %get3A_527] {strides = array<i32>} : memref<200x128xf32, #tpu.memory_space<vmem>>, vector<16xf32>,
        %add3A_529 = arith.addf %add3A_523, %get3A_528 : vector<16xf32>
        %add3A_530 = arith.constant 5 : i32
        %add3A_531 = arith.addi %mul3A_439, %add3A_530 : i32
        %get3A_532 = arith.index_cast %add3A_531 : i32 to index
        %get3A_533 = arith.constant 16 : index
        %get3A_534 = tpu.vector_load %arg11[%get3A_532, %get3A_533] {strides = array<i32>} : memref<200x128xf32, #tpu.memory_space<vmem>>, vector<16xf32>,
        %add3A_535 = arith.addf %add3A_529, %get3A_534 : vector<16xf32>
        %add3A_536 = arith.constant 6 : i32
        %add3A_537 = arith.addi %mul3A_439, %add3A_536 : i32
        %get3A_538 = arith.index_cast %add3A_537 : i32 to index
        %get3A_539 = arith.constant 16 : index
        %get3A_540 = tpu.vector_load %arg11[%get3A_538, %get3A_539] {strides = array<i32>} : memref<200x128xf32, #tpu.memory_space<vmem>>, vector<16xf32>,
        %add3A_541 = arith.addf %add3A_535, %get3A_540 : vector<16xf32>
        %add3A_542 = arith.constant 7 : i32
        %add3A_543 = arith.addi %mul3A_439, %add3A_542 : i32
        %get3A_544 = arith.index_cast %add3A_543 : i32 to index
        %get3A_545 = arith.constant 16 : index
        %get3A_546 = tpu.vector_load %arg11[%get3A_544, %get3A_545] {strides = array<i32>} : memref<200x128xf32, #tpu.memory_space<vmem>>, vector<16xf32>,
        %add3A_547 = arith.addf %add3A_541, %get3A_546 : vector<16xf32>
        %add3A_548 = arith.constant 8 : i32
        %add3A_549 = arith.addi %mul3A_439, %add3A_548 : i32
        %get3A_550 = arith.index_cast %add3A_549 : i32 to index
        %get3A_551 = arith.constant 16 : index
        %get3A_552 = tpu.vector_load %arg11[%get3A_550, %get3A_551] {strides = array<i32>} : memref<200x128xf32, #tpu.memory_space<vmem>>, vector<16xf32>,
        %add3A_553 = arith.addf %add3A_547, %get3A_552 : vector<16xf32>
        %add3A_554 = arith.constant 9 : i32
        %add3A_555 = arith.addi %mul3A_439, %add3A_554 : i32
        %get3A_556 = arith.index_cast %add3A_555 : i32 to index
        %get3A_557 = arith.constant 16 : index
        %get3A_558 = tpu.vector_load %arg11[%get3A_556, %get3A_557] {strides = array<i32>} : memref<200x128xf32, #tpu.memory_space<vmem>>, vector<16xf32>,
        %add3A_559 = arith.addf %add3A_553, %get3A_558 : vector<16xf32>
        %add3A_560 = arith.constant 0 : i32
        %add3A_561 = arith.addi %mul3A_439, %add3A_560 : i32
        %get3A_562 = arith.index_cast %add3A_561 : i32 to index
        %get3A_563 = arith.constant 32 : index
        %get3A_564 = tpu.vector_load %arg11[%get3A_562, %get3A_563] {strides = array<i32>} : memref<200x128xf32, #tpu.memory_space<vmem>>, vector<16xf32>,
        %add3A_565 = arith.addf %scan3A_432, %get3A_564 : vector<16xf32>
        %add3A_566 = arith.constant 1 : i32
        %add3A_567 = arith.addi %mul3A_439, %add3A_566 : i32
        %get3A_568 = arith.index_cast %add3A_567 : i32 to index
        %get3A_569 = arith.constant 32 : index
        %get3A_570 = tpu.vector_load %arg11[%get3A_568, %get3A_569] {strides = array<i32>} : memref<200x128xf32, #tpu.memory_space<vmem>>, vector<16xf32>,
        %add3A_571 = arith.addf %add3A_565, %get3A_570 : vector<16xf32>
        %add3A_572 = arith.constant 2 : i32
        %add3A_573 = arith.addi %mul3A_439, %add3A_572 : i32
        %get3A_574 = arith.index_cast %add3A_573 : i32 to index
        %get3A_575 = arith.constant 32 : index
        %get3A_576 = tpu.vector_load %arg11[%get3A_574, %get3A_575] {strides = array<i32>} : memref<200x128xf32, #tpu.memory_space<vmem>>, vector<16xf32>,
        %add3A_577 = arith.addf %add3A_571, %get3A_576 : vector<16xf32>
        %add3A_578 = arith.constant 3 : i32
        %add3A_579 = arith.addi %mul3A_439, %add3A_578 : i32
        %get3A_580 = arith.index_cast %add3A_579 : i32 to index
        %get3A_581 = arith.constant 32 : index
        %get3A_582 = tpu.vector_load %arg11[%get3A_580, %get3A_581] {strides = array<i32>} : memref<200x128xf32, #tpu.memory_space<vmem>>, vector<16xf32>,
        %add3A_583 = arith.addf %add3A_577, %get3A_582 : vector<16xf32>
        %add3A_584 = arith.constant 4 : i32
        %add3A_585 = arith.addi %mul3A_439, %add3A_584 : i32
        %get3A_586 = arith.index_cast %add3A_585 : i32 to index
        %get3A_587 = arith.constant 32 : index
        %get3A_588 = tpu.vector_load %arg11[%get3A_586, %get3A_587] {strides = array<i32>} : memref<200x128xf32, #tpu.memory_space<vmem>>, vector<16xf32>,
        %add3A_589 = arith.addf %add3A_583, %get3A_588 : vector<16xf32>
        %add3A_590 = arith.constant 5 : i32
        %add3A_591 = arith.addi %mul3A_439, %add3A_590 : i32
        %get3A_592 = arith.index_cast %add3A_591 : i32 to index
        %get3A_593 = arith.constant 32 : index
        %get3A_594 = tpu.vector_load %arg11[%get3A_592, %get3A_593] {strides = array<i32>} : memref<200x128xf32, #tpu.memory_space<vmem>>, vector<16xf32>,
        %add3A_595 = arith.addf %add3A_589, %get3A_594 : vector<16xf32>
        %add3A_596 = arith.constant 6 : i32
        %add3A_597 = arith.addi %mul3A_439, %add3A_596 : i32
        %get3A_598 = arith.index_cast %add3A_597 : i32 to index
        %get3A_599 = arith.constant 32 : index
        %get3A_600 = tpu.vector_load %arg11[%get3A_598, %get3A_599] {strides = array<i32>} : memref<200x128xf32, #tpu.memory_space<vmem>>, vector<16xf32>,
        %add3A_601 = arith.addf %add3A_595, %get3A_600 : vector<16xf32>
        %add3A_602 = arith.constant 7 : i32
        %add3A_603 = arith.addi %mul3A_439, %add3A_602 : i32
        %get3A_604 = arith.index_cast %add3A_603 : i32 to index
        %get3A_605 = arith.constant 32 : index
        %get3A_606 = tpu.vector_load %arg11[%get3A_604, %get3A_605] {strides = array<i32>} : memref<200x128xf32, #tpu.memory_space<vmem>>, vector<16xf32>,
        %add3A_607 = arith.addf %add3A_601, %get3A_606 : vector<16xf32>
        %add3A_608 = arith.constant 8 : i32
        %add3A_609 = arith.addi %mul3A_439, %add3A_608 : i32
        %get3A_610 = arith.index_cast %add3A_609 : i32 to index
        %get3A_611 = arith.constant 32 : index
        %get3A_612 = tpu.vector_load %arg11[%get3A_610, %get3A_611] {strides = array<i32>} : memref<200x128xf32, #tpu.memory_space<vmem>>, vector<16xf32>,
        %add3A_613 = arith.addf %add3A_607, %get3A_612 : vector<16xf32>
        %add3A_614 = arith.constant 9 : i32
        %add3A_615 = arith.addi %mul3A_439, %add3A_614 : i32
        %get3A_616 = arith.index_cast %add3A_615 : i32 to index
        %get3A_617 = arith.constant 32 : index
        %get3A_618 = tpu.vector_load %arg11[%get3A_616, %get3A_617] {strides = array<i32>} : memref<200x128xf32, #tpu.memory_space<vmem>>, vector<16xf32>,
        %add3A_619 = arith.addf %add3A_613, %get3A_618 : vector<16xf32>
        %add3A_620 = arith.constant 0 : i32
        %add3A_621 = arith.addi %mul3A_439, %add3A_620 : i32
        %get3A_622 = arith.index_cast %add3A_621 : i32 to index
        %get3A_623 = arith.constant 48 : index
        %get3A_624 = tpu.vector_load %arg11[%get3A_622, %get3A_623] {strides = array<i32>} : memref<200x128xf32, #tpu.memory_space<vmem>>, vector<16xf32>,
        %add3A_625 = arith.addf %scan3A_433, %get3A_624 : vector<16xf32>
        %add3A_626 = arith.constant 1 : i32
        %add3A_627 = arith.addi %mul3A_439, %add3A_626 : i32
        %get3A_628 = arith.index_cast %add3A_627 : i32 to index
        %get3A_629 = arith.constant 48 : index
        %get3A_630 = tpu.vector_load %arg11[%get3A_628, %get3A_629] {strides = array<i32>} : memref<200x128xf32, #tpu.memory_space<vmem>>, vector<16xf32>,
        %add3A_631 = arith.addf %add3A_625, %get3A_630 : vector<16xf32>
        %add3A_632 = arith.constant 2 : i32
        %add3A_633 = arith.addi %mul3A_439, %add3A_632 : i32
        %get3A_634 = arith.index_cast %add3A_633 : i32 to index
        %get3A_635 = arith.constant 48 : index
        %get3A_636 = tpu.vector_load %arg11[%get3A_634, %get3A_635] {strides = array<i32>} : memref<200x128xf32, #tpu.memory_space<vmem>>, vector<16xf32>,
        %add3A_637 = arith.addf %add3A_631, %get3A_636 : vector<16xf32>
        %add3A_638 = arith.constant 3 : i32
        %add3A_639 = arith.addi %mul3A_439, %add3A_638 : i32
        %get3A_640 = arith.index_cast %add3A_639 : i32 to index
        %get3A_641 = arith.constant 48 : index
        %get3A_642 = tpu.vector_load %arg11[%get3A_640, %get3A_641] {strides = array<i32>} : memref<200x128xf32, #tpu.memory_space<vmem>>, vector<16xf32>,
        %add3A_643 = arith.addf %add3A_637, %get3A_642 : vector<16xf32>
        %add3A_644 = arith.constant 4 : i32
        %add3A_645 = arith.addi %mul3A_439, %add3A_644 : i32
        %get3A_646 = arith.index_cast %add3A_645 : i32 to index
        %get3A_647 = arith.constant 48 : index
        %get3A_648 = tpu.vector_load %arg11[%get3A_646, %get3A_647] {strides = array<i32>} : memref<200x128xf32, #tpu.memory_space<vmem>>, vector<16xf32>,
        %add3A_649 = arith.addf %add3A_643, %get3A_648 : vector<16xf32>
        %add3A_650 = arith.constant 5 : i32
        %add3A_651 = arith.addi %mul3A_439, %add3A_650 : i32
        %get3A_652 = arith.index_cast %add3A_651 : i32 to index
        %get3A_653 = arith.constant 48 : index
        %get3A_654 = tpu.vector_load %arg11[%get3A_652, %get3A_653] {strides = array<i32>} : memref<200x128xf32, #tpu.memory_space<vmem>>, vector<16xf32>,
        %add3A_655 = arith.addf %add3A_649, %get3A_654 : vector<16xf32>
        %add3A_656 = arith.constant 6 : i32
        %add3A_657 = arith.addi %mul3A_439, %add3A_656 : i32
        %get3A_658 = arith.index_cast %add3A_657 : i32 to index
        %get3A_659 = arith.constant 48 : index
        %get3A_660 = tpu.vector_load %arg11[%get3A_658, %get3A_659] {strides = array<i32>} : memref<200x128xf32, #tpu.memory_space<vmem>>, vector<16xf32>,
        %add3A_661 = arith.addf %add3A_655, %get3A_660 : vector<16xf32>
        %add3A_662 = arith.constant 7 : i32
        %add3A_663 = arith.addi %mul3A_439, %add3A_662 : i32
        %get3A_664 = arith.index_cast %add3A_663 : i32 to index
        %get3A_665 = arith.constant 48 : index
        %get3A_666 = tpu.vector_load %arg11[%get3A_664, %get3A_665] {strides = array<i32>} : memref<200x128xf32, #tpu.memory_space<vmem>>, vector<16xf32>,
        %add3A_667 = arith.addf %add3A_661, %get3A_666 : vector<16xf32>
        %add3A_668 = arith.constant 8 : i32
        %add3A_669 = arith.addi %mul3A_439, %add3A_668 : i32
        %get3A_670 = arith.index_cast %add3A_669 : i32 to index
        %get3A_671 = arith.constant 48 : index
        %get3A_672 = tpu.vector_load %arg11[%get3A_670, %get3A_671] {strides = array<i32>} : memref<200x128xf32, #tpu.memory_space<vmem>>, vector<16xf32>,
        %add3A_673 = arith.addf %add3A_667, %get3A_672 : vector<16xf32>
        %add3A_674 = arith.constant 9 : i32
        %add3A_675 = arith.addi %mul3A_439, %add3A_674 : i32
        %get3A_676 = arith.index_cast %add3A_675 : i32 to index
        %get3A_677 = arith.constant 48 : index
        %get3A_678 = tpu.vector_load %arg11[%get3A_676, %get3A_677] {strides = array<i32>} : memref<200x128xf32, #tpu.memory_space<vmem>>, vector<16xf32>,
        %add3A_679 = arith.addf %add3A_673, %get3A_678 : vector<16xf32>
        %add3A_680 = arith.constant 0 : i32
        %add3A_681 = arith.addi %mul3A_439, %add3A_680 : i32
        %get3A_682 = arith.index_cast %add3A_681 : i32 to index
        %get3A_683 = arith.constant 64 : index
        %get3A_684 = tpu.vector_load %arg11[%get3A_682, %get3A_683] {strides = array<i32>} : memref<200x128xf32, #tpu.memory_space<vmem>>, vector<16xf32>,
        %add3A_685 = arith.addf %scan3A_434, %get3A_684 : vector<16xf32>
        %add3A_686 = arith.constant 1 : i32
        %add3A_687 = arith.addi %mul3A_439, %add3A_686 : i32
        %get3A_688 = arith.index_cast %add3A_687 : i32 to index
        %get3A_689 = arith.constant 64 : index
        %get3A_690 = tpu.vector_load %arg11[%get3A_688, %get3A_689] {strides = array<i32>} : memref<200x128xf32, #tpu.memory_space<vmem>>, vector<16xf32>,
        %add3A_691 = arith.addf %add3A_685, %get3A_690 : vector<16xf32>
        %add3A_692 = arith.constant 2 : i32
        %add3A_693 = arith.addi %mul3A_439, %add3A_692 : i32
        %get3A_694 = arith.index_cast %add3A_693 : i32 to index
        %get3A_695 = arith.constant 64 : index
        %get3A_696 = tpu.vector_load %arg11[%get3A_694, %get3A_695] {strides = array<i32>} : memref<200x128xf32, #tpu.memory_space<vmem>>, vector<16xf32>,
        %add3A_697 = arith.addf %add3A_691, %get3A_696 : vector<16xf32>
        %add3A_698 = arith.constant 3 : i32
        %add3A_699 = arith.addi %mul3A_439, %add3A_698 : i32
        %get3A_700 = arith.index_cast %add3A_699 : i32 to index
        %get3A_701 = arith.constant 64 : index
        %get3A_702 = tpu.vector_load %arg11[%get3A_700, %get3A_701] {strides = array<i32>} : memref<200x128xf32, #tpu.memory_space<vmem>>, vector<16xf32>,
        %add3A_703 = arith.addf %add3A_697, %get3A_702 : vector<16xf32>
        %add3A_704 = arith.constant 4 : i32
        %add3A_705 = arith.addi %mul3A_439, %add3A_704 : i32
        %get3A_706 = arith.index_cast %add3A_705 : i32 to index
        %get3A_707 = arith.constant 64 : index
        %get3A_708 = tpu.vector_load %arg11[%get3A_706, %get3A_707] {strides = array<i32>} : memref<200x128xf32, #tpu.memory_space<vmem>>, vector<16xf32>,
        %add3A_709 = arith.addf %add3A_703, %get3A_708 : vector<16xf32>
        %add3A_710 = arith.constant 5 : i32
        %add3A_711 = arith.addi %mul3A_439, %add3A_710 : i32
        %get3A_712 = arith.index_cast %add3A_711 : i32 to index
        %get3A_713 = arith.constant 64 : index
        %get3A_714 = tpu.vector_load %arg11[%get3A_712, %get3A_713] {strides = array<i32>} : memref<200x128xf32, #tpu.memory_space<vmem>>, vector<16xf32>,
        %add3A_715 = arith.addf %add3A_709, %get3A_714 : vector<16xf32>
        %add3A_716 = arith.constant 6 : i32
        %add3A_717 = arith.addi %mul3A_439, %add3A_716 : i32
        %get3A_718 = arith.index_cast %add3A_717 : i32 to index
        %get3A_719 = arith.constant 64 : index
        %get3A_720 = tpu.vector_load %arg11[%get3A_718, %get3A_719] {strides = array<i32>} : memref<200x128xf32, #tpu.memory_space<vmem>>, vector<16xf32>,
        %add3A_721 = arith.addf %add3A_715, %get3A_720 : vector<16xf32>
        %add3A_722 = arith.constant 7 : i32
        %add3A_723 = arith.addi %mul3A_439, %add3A_722 : i32
        %get3A_724 = arith.index_cast %add3A_723 : i32 to index
        %get3A_725 = arith.constant 64 : index
        %get3A_726 = tpu.vector_load %arg11[%get3A_724, %get3A_725] {strides = array<i32>} : memref<200x128xf32, #tpu.memory_space<vmem>>, vector<16xf32>,
        %add3A_727 = arith.addf %add3A_721, %get3A_726 : vector<16xf32>
        %add3A_728 = arith.constant 8 : i32
        %add3A_729 = arith.addi %mul3A_439, %add3A_728 : i32
        %get3A_730 = arith.index_cast %add3A_729 : i32 to index
        %get3A_731 = arith.constant 64 : index
        %get3A_732 = tpu.vector_load %arg11[%get3A_730, %get3A_731] {strides = array<i32>} : memref<200x128xf32, #tpu.memory_space<vmem>>, vector<16xf32>,
        %add3A_733 = arith.addf %add3A_727, %get3A_732 : vector<16xf32>
        %add3A_734 = arith.constant 9 : i32
        %add3A_735 = arith.addi %mul3A_439, %add3A_734 : i32
        %get3A_736 = arith.index_cast %add3A_735 : i32 to index
        %get3A_737 = arith.constant 64 : index
        %get3A_738 = tpu.vector_load %arg11[%get3A_736, %get3A_737] {strides = array<i32>} : memref<200x128xf32, #tpu.memory_space<vmem>>, vector<16xf32>,
        %add3A_739 = arith.addf %add3A_733, %get3A_738 : vector<16xf32>
        %add3A_740 = arith.constant 0 : i32
        %add3A_741 = arith.addi %mul3A_439, %add3A_740 : i32
        %get3A_742 = arith.index_cast %add3A_741 : i32 to index
        %get3A_743 = arith.constant 80 : index
        %get3A_744 = tpu.vector_load %arg11[%get3A_742, %get3A_743] {strides = array<i32>} : memref<200x128xf32, #tpu.memory_space<vmem>>, vector<16xf32>,
        %add3A_745 = arith.addf %scan3A_435, %get3A_744 : vector<16xf32>
        %add3A_746 = arith.constant 1 : i32
        %add3A_747 = arith.addi %mul3A_439, %add3A_746 : i32
        %get3A_748 = arith.index_cast %add3A_747 : i32 to index
        %get3A_749 = arith.constant 80 : index
        %get3A_750 = tpu.vector_load %arg11[%get3A_748, %get3A_749] {strides = array<i32>} : memref<200x128xf32, #tpu.memory_space<vmem>>, vector<16xf32>,
        %add3A_751 = arith.addf %add3A_745, %get3A_750 : vector<16xf32>
        %add3A_752 = arith.constant 2 : i32
        %add3A_753 = arith.addi %mul3A_439, %add3A_752 : i32
        %get3A_754 = arith.index_cast %add3A_753 : i32 to index
        %get3A_755 = arith.constant 80 : index
        %get3A_756 = tpu.vector_load %arg11[%get3A_754, %get3A_755] {strides = array<i32>} : memref<200x128xf32, #tpu.memory_space<vmem>>, vector<16xf32>,
        %add3A_757 = arith.addf %add3A_751, %get3A_756 : vector<16xf32>
        %add3A_758 = arith.constant 3 : i32
        %add3A_759 = arith.addi %mul3A_439, %add3A_758 : i32
        %get3A_760 = arith.index_cast %add3A_759 : i32 to index
        %get3A_761 = arith.constant 80 : index
        %get3A_762 = tpu.vector_load %arg11[%get3A_760, %get3A_761] {strides = array<i32>} : memref<200x128xf32, #tpu.memory_space<vmem>>, vector<16xf32>,
        %add3A_763 = arith.addf %add3A_757, %get3A_762 : vector<16xf32>
        %add3A_764 = arith.constant 4 : i32
        %add3A_765 = arith.addi %mul3A_439, %add3A_764 : i32
        %get3A_766 = arith.index_cast %add3A_765 : i32 to index
        %get3A_767 = arith.constant 80 : index
        %get3A_768 = tpu.vector_load %arg11[%get3A_766, %get3A_767] {strides = array<i32>} : memref<200x128xf32, #tpu.memory_space<vmem>>, vector<16xf32>,
        %add3A_769 = arith.addf %add3A_763, %get3A_768 : vector<16xf32>
        %add3A_770 = arith.constant 5 : i32
        %add3A_771 = arith.addi %mul3A_439, %add3A_770 : i32
        %get3A_772 = arith.index_cast %add3A_771 : i32 to index
        %get3A_773 = arith.constant 80 : index
        %get3A_774 = tpu.vector_load %arg11[%get3A_772, %get3A_773] {strides = array<i32>} : memref<200x128xf32, #tpu.memory_space<vmem>>, vector<16xf32>,
        %add3A_775 = arith.addf %add3A_769, %get3A_774 : vector<16xf32>
        %add3A_776 = arith.constant 6 : i32
        %add3A_777 = arith.addi %mul3A_439, %add3A_776 : i32
        %get3A_778 = arith.index_cast %add3A_777 : i32 to index
        %get3A_779 = arith.constant 80 : index
        %get3A_780 = tpu.vector_load %arg11[%get3A_778, %get3A_779] {strides = array<i32>} : memref<200x128xf32, #tpu.memory_space<vmem>>, vector<16xf32>,
        %add3A_781 = arith.addf %add3A_775, %get3A_780 : vector<16xf32>
        %add3A_782 = arith.constant 7 : i32
        %add3A_783 = arith.addi %mul3A_439, %add3A_782 : i32
        %get3A_784 = arith.index_cast %add3A_783 : i32 to index
        %get3A_785 = arith.constant 80 : index
        %get3A_786 = tpu.vector_load %arg11[%get3A_784, %get3A_785] {strides = array<i32>} : memref<200x128xf32, #tpu.memory_space<vmem>>, vector<16xf32>,
        %add3A_787 = arith.addf %add3A_781, %get3A_786 : vector<16xf32>
        %add3A_788 = arith.constant 8 : i32
        %add3A_789 = arith.addi %mul3A_439, %add3A_788 : i32
        %get3A_790 = arith.index_cast %add3A_789 : i32 to index
        %get3A_791 = arith.constant 80 : index
        %get3A_792 = tpu.vector_load %arg11[%get3A_790, %get3A_791] {strides = array<i32>} : memref<200x128xf32, #tpu.memory_space<vmem>>, vector<16xf32>,
        %add3A_793 = arith.addf %add3A_787, %get3A_792 : vector<16xf32>
        %add3A_794 = arith.constant 9 : i32
        %add3A_795 = arith.addi %mul3A_439, %add3A_794 : i32
        %get3A_796 = arith.index_cast %add3A_795 : i32 to index
        %get3A_797 = arith.constant 80 : index
        %get3A_798 = tpu.vector_load %arg11[%get3A_796, %get3A_797] {strides = array<i32>} : memref<200x128xf32, #tpu.memory_space<vmem>>, vector<16xf32>,
        %add3A_799 = arith.addf %add3A_793, %get3A_798 : vector<16xf32>
        %add3A_800 = arith.constant 0 : i32
        %add3A_801 = arith.addi %mul3A_439, %add3A_800 : i32
        %get3A_802 = arith.index_cast %add3A_801 : i32 to index
        %get3A_803 = arith.constant 96 : index
        %get3A_804 = tpu.vector_load %arg11[%get3A_802, %get3A_803] {strides = array<i32>} : memref<200x128xf32, #tpu.memory_space<vmem>>, vector<16xf32>,
        %add3A_805 = arith.addf %scan3A_436, %get3A_804 : vector<16xf32>
        %add3A_806 = arith.constant 1 : i32
        %add3A_807 = arith.addi %mul3A_439, %add3A_806 : i32
        %get3A_808 = arith.index_cast %add3A_807 : i32 to index
        %get3A_809 = arith.constant 96 : index
        %get3A_810 = tpu.vector_load %arg11[%get3A_808, %get3A_809] {strides = array<i32>} : memref<200x128xf32, #tpu.memory_space<vmem>>, vector<16xf32>,
        %add3A_811 = arith.addf %add3A_805, %get3A_810 : vector<16xf32>
        %add3A_812 = arith.constant 2 : i32
        %add3A_813 = arith.addi %mul3A_439, %add3A_812 : i32
        %get3A_814 = arith.index_cast %add3A_813 : i32 to index
        %get3A_815 = arith.constant 96 : index
        %get3A_816 = tpu.vector_load %arg11[%get3A_814, %get3A_815] {strides = array<i32>} : memref<200x128xf32, #tpu.memory_space<vmem>>, vector<16xf32>,
        %add3A_817 = arith.addf %add3A_811, %get3A_816 : vector<16xf32>
        %add3A_818 = arith.constant 3 : i32
        %add3A_819 = arith.addi %mul3A_439, %add3A_818 : i32
        %get3A_820 = arith.index_cast %add3A_819 : i32 to index
        %get3A_821 = arith.constant 96 : index
        %get3A_822 = tpu.vector_load %arg11[%get3A_820, %get3A_821] {strides = array<i32>} : memref<200x128xf32, #tpu.memory_space<vmem>>, vector<16xf32>,
        %add3A_823 = arith.addf %add3A_817, %get3A_822 : vector<16xf32>
        %add3A_824 = arith.constant 4 : i32
        %add3A_825 = arith.addi %mul3A_439, %add3A_824 : i32
        %get3A_826 = arith.index_cast %add3A_825 : i32 to index
        %get3A_827 = arith.constant 96 : index
        %get3A_828 = tpu.vector_load %arg11[%get3A_826, %get3A_827] {strides = array<i32>} : memref<200x128xf32, #tpu.memory_space<vmem>>, vector<16xf32>,
        %add3A_829 = arith.addf %add3A_823, %get3A_828 : vector<16xf32>
        %add3A_830 = arith.constant 5 : i32
        %add3A_831 = arith.addi %mul3A_439, %add3A_830 : i32
        %get3A_832 = arith.index_cast %add3A_831 : i32 to index
        %get3A_833 = arith.constant 96 : index
        %get3A_834 = tpu.vector_load %arg11[%get3A_832, %get3A_833] {strides = array<i32>} : memref<200x128xf32, #tpu.memory_space<vmem>>, vector<16xf32>,
        %add3A_835 = arith.addf %add3A_829, %get3A_834 : vector<16xf32>
        %add3A_836 = arith.constant 6 : i32
        %add3A_837 = arith.addi %mul3A_439, %add3A_836 : i32
        %get3A_838 = arith.index_cast %add3A_837 : i32 to index
        %get3A_839 = arith.constant 96 : index
        %get3A_840 = tpu.vector_load %arg11[%get3A_838, %get3A_839] {strides = array<i32>} : memref<200x128xf32, #tpu.memory_space<vmem>>, vector<16xf32>,
        %add3A_841 = arith.addf %add3A_835, %get3A_840 : vector<16xf32>
        %add3A_842 = arith.constant 7 : i32
        %add3A_843 = arith.addi %mul3A_439, %add3A_842 : i32
        %get3A_844 = arith.index_cast %add3A_843 : i32 to index
        %get3A_845 = arith.constant 96 : index
        %get3A_846 = tpu.vector_load %arg11[%get3A_844, %get3A_845] {strides = array<i32>} : memref<200x128xf32, #tpu.memory_space<vmem>>, vector<16xf32>,
        %add3A_847 = arith.addf %add3A_841, %get3A_846 : vector<16xf32>
        %add3A_848 = arith.constant 8 : i32
        %add3A_849 = arith.addi %mul3A_439, %add3A_848 : i32
        %get3A_850 = arith.index_cast %add3A_849 : i32 to index
        %get3A_851 = arith.constant 96 : index
        %get3A_852 = tpu.vector_load %arg11[%get3A_850, %get3A_851] {strides = array<i32>} : memref<200x128xf32, #tpu.memory_space<vmem>>, vector<16xf32>,
        %add3A_853 = arith.addf %add3A_847, %get3A_852 : vector<16xf32>
        %add3A_854 = arith.constant 9 : i32
        %add3A_855 = arith.addi %mul3A_439, %add3A_854 : i32
        %get3A_856 = arith.index_cast %add3A_855 : i32 to index
        %get3A_857 = arith.constant 96 : index
        %get3A_858 = tpu.vector_load %arg11[%get3A_856, %get3A_857] {strides = array<i32>} : memref<200x128xf32, #tpu.memory_space<vmem>>, vector<16xf32>,
        %add3A_859 = arith.addf %add3A_853, %get3A_858 : vector<16xf32>
        %add3A_860 = arith.constant 0 : i32
        %add3A_861 = arith.addi %mul3A_439, %add3A_860 : i32
        %get3A_862 = arith.index_cast %add3A_861 : i32 to index
        %get3A_863 = arith.constant 112 : index
        %get3A_864 = tpu.vector_load %arg11[%get3A_862, %get3A_863] {strides = array<i32>} : memref<200x128xf32, #tpu.memory_space<vmem>>, vector<16xf32>,
        %add3A_865 = arith.addf %scan3A_437, %get3A_864 : vector<16xf32>
        %add3A_866 = arith.constant 1 : i32
        %add3A_867 = arith.addi %mul3A_439, %add3A_866 : i32
        %get3A_868 = arith.index_cast %add3A_867 : i32 to index
        %get3A_869 = arith.constant 112 : index
        %get3A_870 = tpu.vector_load %arg11[%get3A_868, %get3A_869] {strides = array<i32>} : memref<200x128xf32, #tpu.memory_space<vmem>>, vector<16xf32>,
        %add3A_871 = arith.addf %add3A_865, %get3A_870 : vector<16xf32>
        %add3A_872 = arith.constant 2 : i32
        %add3A_873 = arith.addi %mul3A_439, %add3A_872 : i32
        %get3A_874 = arith.index_cast %add3A_873 : i32 to index
        %get3A_875 = arith.constant 112 : index
        %get3A_876 = tpu.vector_load %arg11[%get3A_874, %get3A_875] {strides = array<i32>} : memref<200x128xf32, #tpu.memory_space<vmem>>, vector<16xf32>,
        %add3A_877 = arith.addf %add3A_871, %get3A_876 : vector<16xf32>
        %add3A_878 = arith.constant 3 : i32
        %add3A_879 = arith.addi %mul3A_439, %add3A_878 : i32
        %get3A_880 = arith.index_cast %add3A_879 : i32 to index
        %get3A_881 = arith.constant 112 : index
        %get3A_882 = tpu.vector_load %arg11[%get3A_880, %get3A_881] {strides = array<i32>} : memref<200x128xf32, #tpu.memory_space<vmem>>, vector<16xf32>,
        %add3A_883 = arith.addf %add3A_877, %get3A_882 : vector<16xf32>
        %add3A_884 = arith.constant 4 : i32
        %add3A_885 = arith.addi %mul3A_439, %add3A_884 : i32
        %get3A_886 = arith.index_cast %add3A_885 : i32 to index
        %get3A_887 = arith.constant 112 : index
        %get3A_888 = tpu.vector_load %arg11[%get3A_886, %get3A_887] {strides = array<i32>} : memref<200x128xf32, #tpu.memory_space<vmem>>, vector<16xf32>,
        %add3A_889 = arith.addf %add3A_883, %get3A_888 : vector<16xf32>
        %add3A_890 = arith.constant 5 : i32
        %add3A_891 = arith.addi %mul3A_439, %add3A_890 : i32
        %get3A_892 = arith.index_cast %add3A_891 : i32 to index
        %get3A_893 = arith.constant 112 : index
        %get3A_894 = tpu.vector_load %arg11[%get3A_892, %get3A_893] {strides = array<i32>} : memref<200x128xf32, #tpu.memory_space<vmem>>, vector<16xf32>,
        %add3A_895 = arith.addf %add3A_889, %get3A_894 : vector<16xf32>
        %add3A_896 = arith.constant 6 : i32
        %add3A_897 = arith.addi %mul3A_439, %add3A_896 : i32
        %get3A_898 = arith.index_cast %add3A_897 : i32 to index
        %get3A_899 = arith.constant 112 : index
        %get3A_900 = tpu.vector_load %arg11[%get3A_898, %get3A_899] {strides = array<i32>} : memref<200x128xf32, #tpu.memory_space<vmem>>, vector<16xf32>,
        %add3A_901 = arith.addf %add3A_895, %get3A_900 : vector<16xf32>
        %add3A_902 = arith.constant 7 : i32
        %add3A_903 = arith.addi %mul3A_439, %add3A_902 : i32
        %get3A_904 = arith.index_cast %add3A_903 : i32 to index
        %get3A_905 = arith.constant 112 : index
        %get3A_906 = tpu.vector_load %arg11[%get3A_904, %get3A_905] {strides = array<i32>} : memref<200x128xf32, #tpu.memory_space<vmem>>, vector<16xf32>,
        %add3A_907 = arith.addf %add3A_901, %get3A_906 : vector<16xf32>
        %add3A_908 = arith.constant 8 : i32
        %add3A_909 = arith.addi %mul3A_439, %add3A_908 : i32
        %get3A_910 = arith.index_cast %add3A_909 : i32 to index
        %get3A_911 = arith.constant 112 : index
        %get3A_912 = tpu.vector_load %arg11[%get3A_910, %get3A_911] {strides = array<i32>} : memref<200x128xf32, #tpu.memory_space<vmem>>, vector<16xf32>,
        %add3A_913 = arith.addf %add3A_907, %get3A_912 : vector<16xf32>
        %add3A_914 = arith.constant 9 : i32
        %add3A_915 = arith.addi %mul3A_439, %add3A_914 : i32
        %get3A_916 = arith.index_cast %add3A_915 : i32 to index
        %get3A_917 = arith.constant 112 : index
        %get3A_918 = tpu.vector_load %arg11[%get3A_916, %get3A_917] {strides = array<i32>} : memref<200x128xf32, #tpu.memory_space<vmem>>, vector<16xf32>,
        %add3A_919 = arith.addf %add3A_913, %get3A_918 : vector<16xf32>
        scf.yield %add3A_499, %add3A_559, %add3A_619, %add3A_679, %add3A_739, %add3A_799, %add3A_859, %add3A_919 : vector<16xf32>, vector<16xf32>, vector<16xf32>, vector<16xf32>, vector<16xf32>, vector<16xf32>, vector<16xf32>, vector<16xf32>
      }
      %scan3A_349 = arith.constant 20 : i32
      %add3A_350 = arith.constant 4 : i32
      %add3A_351 = arith.addi %add3A_335, %add3A_350 : i32
      %lt3A_352 = arith.constant 32 : i32
      %lt3A_353 = arith.cmpi slt, %add3A_351, %lt3A_352 : i32
      %convert_element_type3A_354 = arith.extui %lt3A_353 : i1 to i32
      %cond3A_355 = arith.constant 0 : i32
      %cond3A_356 = arith.cmpi ne, %convert_element_type3A_354, %cond3A_355 : i32
      scf.if %cond3A_356 {
        %add3A_429 = arith.constant 4 : i32
        %add3A_430 = arith.addi %add3A_335, %add3A_429 : i32
        %mul3A_431 = arith.constant 200 : i32
        %mul3A_432 = arith.muli %add3A_430, %mul3A_431 : i32
        %dma_start3A_433 = tpu.memref_slice %arg7[%mul3A_432] : memref<6400xi32, #tpu.memory_space<vmem>> -> memref<200xi32, #tpu.memory_space<vmem>>
        %dma_start3A_434 = arith.constant 0 : i32
        %dma_start3A_435 = arith.constant 0 : i32
        %dma_start3A_436 = tpu.memref_slice %arg3[%dma_start3A_434, %dma_start3A_435] : memref<100000x128xf32, #tpu.memory_space<hbm>> -> memref<100000x128xf32, #tpu.memory_space<hbm>>
        tpu.enqueue_indirect_dma source(%dma_start3A_436 : memref<100000x128xf32, #tpu.memory_space<hbm>>) target(%arg11 : memref<200x128xf32, #tpu.memory_space<vmem>>) offsets(%dma_start3A_433 : memref<200xi32, #tpu.memory_space<vmem>>) semaphore(%arg18 : memref<!tpu.dma_semaphore, #tpu.memory_space<semaphore_mem>>)
      } else {
      }
      %broadcast_in_dim3A_357 = arith.constant false
      %broadcast_in_dim3A_358 = vector.broadcast %broadcast_in_dim3A_357 : i1 to vector<16xi1>
      %add3A_359 = arith.addf %scan3A_348#0, %get3A_5 : vector<16xf32>
      %swap3A_360 = arith.index_cast %add3A_335 : i32 to index
      %swap3A_361 = arith.constant 0 : index
      %swap3A_362 = tpu.vector_load %arg12[%swap3A_360, %swap3A_361] {strides = array<i32>} : memref<32x128xf32, #tpu.memory_space<vmem>>, vector<16xf32>,
      tpu.vector_store %arg12[%swap3A_360, %swap3A_361], %add3A_359 {strides = array<i32>} : memref<32x128xf32, #tpu.memory_space<vmem>>, vector<16xf32>,
      %ne3A_363 = arith.constant 0.000000e+00 : f32
      %ne3A_364 = vector.broadcast %ne3A_363 : f32 to vector<16xf32>
      %ne3A_365 = arith.cmpf one, %add3A_359, %ne3A_364 : vector<16xf32>
      %or3A_366 = arith.ori %broadcast_in_dim3A_358, %ne3A_365 : vector<16xi1>
      %add3A_367 = arith.addf %scan3A_348#1, %get3A_7 : vector<16xf32>
      %swap3A_368 = arith.index_cast %add3A_335 : i32 to index
      %swap3A_369 = arith.constant 16 : index
      %swap3A_370 = tpu.vector_load %arg12[%swap3A_368, %swap3A_369] {strides = array<i32>} : memref<32x128xf32, #tpu.memory_space<vmem>>, vector<16xf32>,
      tpu.vector_store %arg12[%swap3A_368, %swap3A_369], %add3A_367 {strides = array<i32>} : memref<32x128xf32, #tpu.memory_space<vmem>>, vector<16xf32>,
      %ne3A_371 = arith.constant 0.000000e+00 : f32
      %ne3A_372 = vector.broadcast %ne3A_371 : f32 to vector<16xf32>
      %ne3A_373 = arith.cmpf one, %add3A_367, %ne3A_372 : vector<16xf32>
      %or3A_374 = arith.ori %or3A_366, %ne3A_373 : vector<16xi1>
      %add3A_375 = arith.addf %scan3A_348#2, %get3A_9 : vector<16xf32>
      %swap3A_376 = arith.index_cast %add3A_335 : i32 to index
      %swap3A_377 = arith.constant 32 : index
      %swap3A_378 = tpu.vector_load %arg12[%swap3A_376, %swap3A_377] {strides = array<i32>} : memref<32x128xf32, #tpu.memory_space<vmem>>, vector<16xf32>,
      tpu.vector_store %arg12[%swap3A_376, %swap3A_377], %add3A_375 {strides = array<i32>} : memref<32x128xf32, #tpu.memory_space<vmem>>, vector<16xf32>,
      %ne3A_379 = arith.constant 0.000000e+00 : f32
      %ne3A_380 = vector.broadcast %ne3A_379 : f32 to vector<16xf32>
      %ne3A_381 = arith.cmpf one, %add3A_375, %ne3A_380 : vector<16xf32>
      %or3A_382 = arith.ori %or3A_374, %ne3A_381 : vector<16xi1>
      %add3A_383 = arith.addf %scan3A_348#3, %get3A_11 : vector<16xf32>
      %swap3A_384 = arith.index_cast %add3A_335 : i32 to index
      %swap3A_385 = arith.constant 48 : index
      %swap3A_386 = tpu.vector_load %arg12[%swap3A_384, %swap3A_385] {strides = array<i32>} : memref<32x128xf32, #tpu.memory_space<vmem>>, vector<16xf32>,
      tpu.vector_store %arg12[%swap3A_384, %swap3A_385], %add3A_383 {strides = array<i32>} : memref<32x128xf32, #tpu.memory_space<vmem>>, vector<16xf32>,
      %ne3A_387 = arith.constant 0.000000e+00 : f32
      %ne3A_388 = vector.broadcast %ne3A_387 : f32 to vector<16xf32>
      %ne3A_389 = arith.cmpf one, %add3A_383, %ne3A_388 : vector<16xf32>
      %or3A_390 = arith.ori %or3A_382, %ne3A_389 : vector<16xi1>
      %add3A_391 = arith.addf %scan3A_348#4, %get3A_13 : vector<16xf32>
      %swap3A_392 = arith.index_cast %add3A_335 : i32 to index
      %swap3A_393 = arith.constant 64 : index
      %swap3A_394 = tpu.vector_load %arg12[%swap3A_392, %swap3A_393] {strides = array<i32>} : memref<32x128xf32, #tpu.memory_space<vmem>>, vector<16xf32>,
      tpu.vector_store %arg12[%swap3A_392, %swap3A_393], %add3A_391 {strides = array<i32>} : memref<32x128xf32, #tpu.memory_space<vmem>>, vector<16xf32>,
      %ne3A_395 = arith.constant 0.000000e+00 : f32
      %ne3A_396 = vector.broadcast %ne3A_395 : f32 to vector<16xf32>
      %ne3A_397 = arith.cmpf one, %add3A_391, %ne3A_396 : vector<16xf32>
      %or3A_398 = arith.ori %or3A_390, %ne3A_397 : vector<16xi1>
      %add3A_399 = arith.addf %scan3A_348#5, %get3A_15 : vector<16xf32>
      %swap3A_400 = arith.index_cast %add3A_335 : i32 to index
      %swap3A_401 = arith.constant 80 : index
      %swap3A_402 = tpu.vector_load %arg12[%swap3A_400, %swap3A_401] {strides = array<i32>} : memref<32x128xf32, #tpu.memory_space<vmem>>, vector<16xf32>,
      tpu.vector_store %arg12[%swap3A_400, %swap3A_401], %add3A_399 {strides = array<i32>} : memref<32x128xf32, #tpu.memory_space<vmem>>, vector<16xf32>,
      %ne3A_403 = arith.constant 0.000000e+00 : f32
      %ne3A_404 = vector.broadcast %ne3A_403 : f32 to vector<16xf32>
      %ne3A_405 = arith.cmpf one, %add3A_399, %ne3A_404 : vector<16xf32>
      %or3A_406 = arith.ori %or3A_398, %ne3A_405 : vector<16xi1>
      %add3A_407 = arith.addf %scan3A_348#6, %get3A_17 : vector<16xf32>
      %swap3A_408 = arith.index_cast %add3A_335 : i32 to index
      %swap3A_409 = arith.constant 96 : index
      %swap3A_410 = tpu.vector_load %arg12[%swap3A_408, %swap3A_409] {strides = array<i32>} : memref<32x128xf32, #tpu.memory_space<vmem>>, vector<16xf32>,
      tpu.vector_store %arg12[%swap3A_408, %swap3A_409], %add3A_407 {strides = array<i32>} : memref<32x128xf32, #tpu.memory_space<vmem>>, vector<16xf32>,
      %ne3A_411 = arith.constant 0.000000e+00 : f32
      %ne3A_412 = vector.broadcast %ne3A_411 : f32 to vector<16xf32>
      %ne3A_413 = arith.cmpf one, %add3A_407, %ne3A_412 : vector<16xf32>
      %or3A_414 = arith.ori %or3A_406, %ne3A_413 : vector<16xi1>
      %add3A_415 = arith.addf %scan3A_348#7, %get3A_19 : vector<16xf32>
      %swap3A_416 = arith.index_cast %add3A_335 : i32 to index
      %swap3A_417 = arith.constant 112 : index
      %swap3A_418 = tpu.vector_load %arg12[%swap3A_416, %swap3A_417] {strides = array<i32>} : memref<32x128xf32, #tpu.memory_space<vmem>>, vector<16xf32>,
      tpu.vector_store %arg12[%swap3A_416, %swap3A_417], %add3A_415 {strides = array<i32>} : memref<32x128xf32, #tpu.memory_space<vmem>>, vector<16xf32>,
      %ne3A_419 = arith.constant 0.000000e+00 : f32
      %ne3A_420 = vector.broadcast %ne3A_419 : f32 to vector<16xf32>
      %ne3A_421 = arith.cmpf one, %add3A_415, %ne3A_420 : vector<16xf32>
      %or3A_422 = arith.ori %or3A_414, %ne3A_421 : vector<16xi1>
      %jit3A_423 = arith.constant 1 : i32
      %jit3A_424 = arith.constant 0 : i32
      %broadcast_in_dim3A_425 = vector.broadcast %jit3A_423 : i32 to vector<16xi32>
      %broadcast_in_dim3A_426 = vector.broadcast %jit3A_424 : i32 to vector<16xi32>
      %select_n3A_427 = arith.select %or3A_422, %broadcast_in_dim3A_425, %broadcast_in_dim3A_426 : vector<16xi1>, vector<16xi32>
      %broadcast_in_dim3A_428 = vector.broadcast %add3A_335 : i32 to vector<16xi32>
      tpu.vector_store_idx %arg14[%broadcast_in_dim3A_428], %select_n3A_427 {add = true} : memref<32xi32, #tpu.memory_space<vmem>>[vector<16xi32>], vector<16xi32>,
    }
    %scan3A_47 = arith.constant 8 : i32
    "tpu.region"() ({
      %run_scoped3A = tpu.sem_alloc : memref<!tpu.dma_semaphore, #tpu.memory_space<semaphore_mem>>
      %dma_start3A_48 = arith.constant 0 : i32
      %dma_start3A_49 = tpu.memref_slice %arg5[%mul3A_2, %dma_start3A_48] : memref<1024x128xf32, #tpu.memory_space<hbm>> -> memref<32x128xf32, #tpu.memory_space<hbm>>
      %dma_start3A_50 = arith.constant 0 : i32
      %dma_start3A_51 = tpu.memref_slice %arg5[%mul3A_2, %dma_start3A_50] : memref<1024x128xf32, #tpu.memory_space<hbm>> -> memref<32x128xf32, #tpu.memory_space<hbm>>
      tpu.enqueue_dma source(%arg12 : memref<32x128xf32, #tpu.memory_space<vmem>>) target(%dma_start3A_51 : memref<32x128xf32, #tpu.memory_space<hbm>>) target_semaphore(%run_scoped3A : memref<!tpu.dma_semaphore, #tpu.memory_space<semaphore_mem>>)
      %dma_wait3A = arith.constant 0 : i32
      %dma_wait3A_52 = tpu.memref_slice %arg5[%mul3A_2, %dma_wait3A] : memref<1024x128xf32, #tpu.memory_space<hbm>> -> memref<32x128xf32, #tpu.memory_space<hbm>>
      %dma_wait3A_53 = arith.constant 0 : i32
      %dma_wait3A_54 = tpu.memref_slice %arg5[%mul3A_2, %dma_wait3A_53] : memref<1024x128xf32, #tpu.memory_space<hbm>> -> memref<32x128xf32, #tpu.memory_space<hbm>>
      tpu.wait_dma2 semaphore(%run_scoped3A : memref<!tpu.dma_semaphore, #tpu.memory_space<semaphore_mem>>) src(%arg12 : memref<32x128xf32, #tpu.memory_space<vmem>>) dst(%dma_wait3A_54 : memref<32x128xf32, #tpu.memory_space<hbm>>)
      tpu.yield
    }) : () -> ()
    "tpu.region"() ({
      %run_scoped3A = tpu.sem_alloc : memref<!tpu.dma_semaphore, #tpu.memory_space<semaphore_mem>>
      %dma_start3A_48 = tpu.memref_slice %arg6[%mul3A_2] : memref<1024xi32, #tpu.memory_space<hbm>> -> memref<32xi32, #tpu.memory_space<hbm>>
      %dma_start3A_49 = tpu.memref_slice %arg6[%mul3A_2] : memref<1024xi32, #tpu.memory_space<hbm>> -> memref<32xi32, #tpu.memory_space<hbm>>
      tpu.enqueue_dma source(%arg14 : memref<32xi32, #tpu.memory_space<vmem>>) target(%dma_start3A_49 : memref<32xi32, #tpu.memory_space<hbm>>) target_semaphore(%run_scoped3A : memref<!tpu.dma_semaphore, #tpu.memory_space<semaphore_mem>>)
      %dma_wait3A = tpu.memref_slice %arg6[%mul3A_2] : memref<1024xi32, #tpu.memory_space<hbm>> -> memref<32xi32, #tpu.memory_space<hbm>>
      %dma_wait3A_50 = tpu.memref_slice %arg6[%mul3A_2] : memref<1024xi32, #tpu.memory_space<hbm>> -> memref<32xi32, #tpu.memory_space<hbm>>
      tpu.wait_dma2 semaphore(%run_scoped3A : memref<!tpu.dma_semaphore, #tpu.memory_space<semaphore_mem>>) src(%arg14 : memref<32xi32, #tpu.memory_space<vmem>>) dst(%dma_wait3A_50 : memref<32xi32, #tpu.memory_space<hbm>>)
      tpu.yield
    }) : () -> ()
    return
  }
}

</mosaic_0001>

<sc_bundles>
// kernel: kernel.3.cloned.1.call-start
scs
__scs_entry_jumppad:
0x0: {  	(pc) =	sbr.rel $0x88, $3  }
0x1: {  	(tag) =	ssettag $0x0;
	lr =	simm.s32 $0x1  }
0x2: {  	[smem:$0x3F9E] =	sst lr;
	_ =	strace $0xD0000000  }
0x3: {  	_ = 	snop  }
0x4: {  	_ = 	snop  }
0x5: {  	_ = 	snop  }
0x6: {  	_ = 	snop  }
0x7: {  	_ = 	snop  }
__scs_overlays_trampoline_lowered:
0x8: {  	[smem:$0x3FAD] =	sst s0  }
0x9: {  	[smem:$0x3FAE] =	sst s1  }
0xa: {  	[smem:$0x3FAF] =	sst s2  }
0xb: {  	[smem:$0x3FB0] =	sst s3  }
0xc: {  	[smem:$0x3FB1] =	sst s4  }
0xd: {  	[smem:$0x3FB2] =	sst s5  }
0xe: {  	[smem:$0x3FB3] =	sst s6  }
0xf: {  	[smem:$0x3FB4] =	sst s7  }
0x10: {  	[smem:$0x3FB5] =	sst s8  }
0x11: {  	[smem:$0x3FB6] =	sst s9;
	s0 =	simm.s32 @!p0 $0x0  }
0x12: {  	s1 =	sld [smem:$0x3F9C];
	s0 =	simm.s32 @p0 $0x1  }
0x13: {  	[smem:$0x3FB7] =	sst s0;
	s0 =	simm.s32 @!p1 $0x0  }
0x14: {  	s2 =	sld [smem:$0x3F9B];
	s0 =	simm.s32 @p1 $0x1  }
0x15: {  	[smem:$0x3FB8] =	sst s0;
	s0 =	simm.s32 @!p2 $0x0  }
0x16: {  	s3 =	sld [smem:$0x3FDB];
	s0 =	simm.s32 @p2 $0x1  }
0x17: {  	s4 =	simm.s32 $0x1BF5;
	[smem:$0x3FBA] =	sst s0  }
0x18: {  	s0 =	sld [smem:$0x3F9D];
	_ =	swait.ge [sflag:s4], $0x0  }
0x19: {  	s7 =	sld [smem:$0x3F9E]  }
0x1a: {  	s8 =	sadd.s32 $0xFFFFE003, lr  }
0x1b: {  	s9 =	sadd.s32 $0xFFFFFEF7, lr;
	s5 =	simm.s32 $0xFFFFFFFF;
	p2 =	slt.u32 s8, $0xFFFFF086  }
0x1c: {  	p1 =	slt.u32 s9, $0xF7A;
	s5 =	simm.s32 @!p2 $0x0  }
0x1d: {  	s5 =	simm.s32 @p1 $0x1;
	p0 =	seq.s32 s7, s2  }
0x1e: {  	s7 =	smul.u32 @!p0 $0xF7A, s2;
	p2 =	seq.s32 @!p0 s5, $0x0  }
0x1f: {  	s9 =	smul.u32 $0xF7A, s1;
	s8 =	simm.s32 @!p0 $0x1BF5;
	p2 =	por !p2, p0  }
0x20: {  	[sflag:s8] =	ssyncset.s32 @!p0 $0xFFFFF086;
	s6 =	sadd.s32 @!p0 s3, s7;
	s7 =	simm.s32 @!p0 $0x108  }
0x21: {  	s3 =	sadd.s32 s3, s9;
	s6 =	sadd.s32 @!p0 $0x88, s6;
	s7 =	simm.s32 @p2 $0x1082  }
0x22: {  	[simem:s7], [sflag:s8] =	dma.local @!p0 [hbm:s6], $0xF7A  }
0x23: {  	s9 =	sor.u32 $0xD0000000, s2;
	s6 =	simm.s32 $0x108;
	_ =	swait.ge @!p0 [sflag:s8], $0x0  }
0x24: {  	s3 =	sadd.s32 $0x88, s3;
	s6 =	simm.s32 @!p1 $0x1082;
	[sflag:s4] =	ssyncset.s32 $0xFFFFF086  }
0x25: {  	[simem:s6], [sflag:s4] =	dma.local [hbm:s3], $0xF7A  }
0x26: {  	[smem:$0x3F9E] =	sst s1;
	(tag) =	ssettag s2;
	_ =	strace s9  }
0x27: {  	s1 =	sld [smem:$0x3FAE]  }
0x28: {  	s2 =	sld [smem:$0x3FAF]  }
0x29: {  	s4 =	sld [smem:$0x3FB1]  }
0x2a: {  	p0 =	seq.s32 s5, $0x0;
	s5 =	sld [smem:$0x3FB2]  }
0x2b: {  	s6 =	sld [smem:$0x3FB3]  }
0x2c: {  	s7 =	sld [smem:$0x3FB4]  }
0x2d: {  	s3 =	simm.s32 $0x108;
	s8 =	sld [smem:$0x3FB5]  }
0x2e: {  	s3 =	simm.s32 @!p0 $0x1082;
	s9 =	sld [smem:$0x3FB6]  }
0x2f: {  	lr =	sadd.s32 s0, s3;
	s0 =	sld [smem:$0x3FAD]  }
0x30: {  	s3 =	sld [smem:$0x3FB0]  }
0x31: {  	[smem:$0x3FB9] =	sst s10  }
0x32: {  	s10 =	sld [smem:$0x3FB7];
	_ =	sdelay $0x3  }
0x33: {  	p0 =	seq.s32 s10, $0x1;
	s10 =	sld [smem:$0x3FB9];
	_ =	sdelay $0x3  }
0x34: {  	[smem:$0x3FB9] =	sst s10  }
0x35: {  	s10 =	sld [smem:$0x3FB8];
	_ =	sdelay $0x3  }
0x36: {  	p1 =	seq.s32 s10, $0x1;
	s10 =	sld [smem:$0x3FB9];
	_ =	sdelay $0x3  }
0x37: {  	[smem:$0x3FB9] =	sst s10  }
0x38: {  	s10 =	sld [smem:$0x3FBA]  }
0x39: {  	_ = 	snop;
	(pc) =	sbr.ind lr, $3  }
0x3a: {  	_ = 	snop  }
0x3b: {  	_ = 	snop  }
0x3c: {  	p2 =	seq.s32 s10, $0x1;
	s10 =	sld [smem:$0x3FB9]  }
0x3d: {  	_ =	shalt  }
0x3e: {  	_ =	shalt  }
0x3f: {  	_ =	shalt  }
0x40: {  	_ =	shalt  }
0x41: {  	_ =	shalt  }
0x42: {  	_ =	shalt  }
0x43: {  	_ =	shalt  }
0x44: {  	_ =	shalt  }
0x45: {  	_ =	shalt  }
0x46: {  	_ =	shalt  }
0x47: {  	_ =	shalt  }
0x48: {  	_ =	shalt  }
0x49: {  	_ =	shalt  }
0x4a: {  	_ =	shalt  }
0x4b: {  	_ =	shalt  }
0x4c: {  	_ =	shalt  }
0x4d: {  	_ =	shalt  }
0x4e: {  	_ =	shalt  }
0x4f: {  	_ =	shalt  }
0x50: {  	_ =	shalt  }
0x51: {  	_ =	shalt  }
0x52: {  	_ =	shalt  }
0x53: {  	_ =	shalt  }
0x54: {  	_ =	shalt  }
0x55: {  	_ =	shalt  }
0x56: {  	_ =	shalt  }
0x57: {  	_ =	shalt  }
0x58: {  	_ =	shalt  }
0x59: {  	_ =	shalt  }
0x5a: {  	_ =	shalt  }
0x5b: {  	_ =	shalt  }
0x5c: {  	_ =	shalt  }
0x5d: {  	_ =	shalt  }
0x5e: {  	_ =	shalt  }
0x5f: {  	_ =	shalt  }
0x60: {  	_ =	shalt  }
0x61: {  	_ =	shalt  }
0x62: {  	_ =	shalt  }
0x63: {  	_ =	shalt  }
0x64: {  	_ =	shalt  }
0x65: {  	_ =	shalt  }
0x66: {  	_ =	shalt  }
0x67: {  	_ =	shalt  }
0x68: {  	_ =	shalt  }
0x69: {  	_ =	shalt  }
0x6a: {  	_ =	shalt  }
0x6b: {  	_ =	shalt  }
0x6c: {  	_ =	shalt  }
0x6d: {  	_ =	shalt  }
0x6e: {  	_ =	shalt  }
0x6f: {  	_ =	shalt  }
0x70: {  	_ =	shalt  }
0x71: {  	_ =	shalt  }
0x72: {  	_ =	shalt  }
0x73: {  	_ =	shalt  }
0x74: {  	_ =	shalt  }
0x75: {  	_ =	shalt  }
0x76: {  	_ =	shalt  }
0x77: {  	_ =	shalt  }
0x78: {  	_ =	shalt  }
0x79: {  	_ =	shalt  }
0x7a: {  	_ =	shalt  }
0x7b: {  	_ =	shalt  }
0x7c: {  	_ =	shalt  }
0x7d: {  	_ =	shalt  }
0x7e: {  	_ =	shalt  }
0x7f: {  	_ =	shalt  }
0x80: {  	_ =	shalt  }
0x81: {  	_ =	shalt  }
0x82: {  	_ =	shalt  }
0x83: {  	_ =	shalt  }
0x84: {  	_ =	shalt  }
0x85: {  	_ =	shalt  }
0x86: {  	_ =	shalt  }
0x87: {  	_ =	shalt  }
.Lfunc_end0:
.L_simem_size_0:
called_computation_lowered:
.L_overlay_start_0:
0x88: {  	s2 =	sld [smem:$0x3FD9]  }
0x89: {  	s3 =	sld [smem:$0x3FFE];
	_ =	sdelay $0x1  }
0x8a: {  	s1 =	srdreg.scid  }
0x8b: {  	s0 =	sand.u32 $0x1, s1  }
0x8c: {  	s14 =	sshll.u32 s0, $0xA;
	s2 =	sadd.s32 s3, s2  }
0x8d: {  	s2 =	sadd.s32 s2, s14  }
0x8e: {  	[smem:$0x3FC5] =	sst s2  }
0x8f: {  	_ = 	snop  }
0x90: {  	s2 =	sld [smem:$0x3FD0];
	_ =	sdelay $0x1  }
0x91: {  	s15 =	sld [smem:$0x3FC8]  }
0x92: {  	s5 =	simm.s32 $0xA;
	s6 =	simm.s32 $0x10;
	s4 =	sld [smem:$0x3FC7]  }
0x93: {  	[smem:s6], [sflag:s5] =	dma.local [hbm:s2], $0x1  }
0x94: {  	_ =	swait.eq [sflag:s5], $0x1  }
0x95: {  	[sflag:s5] =	ssyncset.done $0x0  }
0x96: {  	s16 =	sld [smem:$0x10];
	[sflag:s5] =	ssyncadd.s32 $0xFFFFFFFF  }
0x97: {  	s17 =	sld [smem:$0x11];
	(tm) =	ssettm $0x1  }
0x98: {  	s18 =	sld [smem:$0x3FFB];
	_ =	sdelay $0x3  }
0x99: {  	_ =	strace s18  }
0x9a: {  	s6 =	sld [smem:$0x3FFC];
	_ =	sdelay $0x3  }
0x9b: {  	_ =	strace s6  }
0x9c: {  	s6 =	sld [smem:$0x3FFD];
	_ =	sdelay $0x3  }
0x9d: {  	_ =	strace s6  }
0x9e: {  	_ =	strace $0x8FFFFFFF  }
0x9f: {  	s19 =	sld [smem:$0x3FDB];
	_ =	sdelay $0x1  }
0xa0: {  	s7 =	simm.s32 $_scs_section_size  }
0xa1: {  	s8 =	simm.s32 $_size__tile_overlayer_lowered;
	s9 =	simm.s32 $_tile_overlayer_lowered  }
0xa2: {  	s22 =	simm.s32 $0x1BFF;
	s21 =	sshll.u32 s9, $0x1;
	s6 =	sadd.s32 s7, s19  }
0xa3: {  	s10 =	simm.s32 $0x0;
	s20 =	sshll.u32 s8, $0x1;
	s8 =	sadd.s32 s21, s6  }
0xa4: {  	[timem:s10], [sflag:s22] =	dma.local [hbm:s8], s20  }
0xa5: {  	_ =	swait.ge [sflag:s22], s20  }
0xa6: {  	s7 =	ssub.s32 $0x0, s20;
	[sflag:s22] =	ssyncset.done $0x0  }
0xa7: {  	[sflag:s22] =	ssyncadd.s32 s7;
	_ =	sdelay $0x1  }
0xa8: {  	s23 =	simm.s32 $0x1B8B  }
0xa9: {  	_ =	swait.ge [sflag:s23], $0x1  }
0xaa: {  	[sflag:s23] =	ssyncset.done $0x0  }
0xab: {  	s25 =	simm.s32 $0x1B8E;
	s24 =	sld [smem:$0x3FFE];
	[sflag:s23] =	ssyncadd.s32 $0xFFFFFFFF  }
0xac: {  	s26 =	simm.s32 $execute0_lowered;
	[smem:$0x3FD2] =	sst s25  }
0xad: {  	s8 =	sshll.u32 s26, $0x1;
	_ =	strace $0x80000046;
	[dreg:$0x1] =	wrdreg $0xFFFFFFFF  }
0xae: {  	s28 =	simm.s32 $_size_execute0_lowered;
	s6 =	sadd.s32 s6, s8;
	[dreg:$0x0] =	wrdreg $0x0  }
0xaf: {  	s8 =	sshll.u32 s28, $0x1;
	[dreg:$0x2] =	wrdreg s6  }
0xb0: {  	[dreg:$0x3] =	wrdreg s8  }
0xb1: {  	[dreg:$0x4] =	wrdreg $0xC0  }
0xb2: {  	_ =	task [dreg:s10], $0x5FFFF  }
0xb3: {  	[dreg:$0x1] =	wrdreg $0xFFFFFFFF  }
0xb4: {  	[dreg:$0x0] =	wrdreg $0x60  }
0xb5: {  	[dreg:$0x2] =	wrdreg s24  }
0xb6: {  	[dreg:$0x3] =	wrdreg s15  }
0xb7: {  	[dreg:$0x4] =	wrdreg s4  }
0xb8: {  	[dreg:$0x5] =	wrdreg s16  }
0xb9: {  	[dreg:$0x6] =	wrdreg s17  }
0xba: {  	[dreg:$0x7] =	wrdreg $0x9  }
0xbb: {  	_ =	task.clear_ibuf [dreg:s10], $0x8FFFF;
	_ =	strace $0x90000046  }
0xbc: {  	s29 =	simm.s32 $0x9;
	_ =	strace $0x80000048  }
0xbd: {  	_ =	swait.ge [sflag:s29], $0x1  }
0xbe: {  	[sflag:s29] =	ssyncadd.s32 $0xFFFFFFFF  }
0xbf: {  	_ =	strace $0x90000048  }
0xc0: {  	_ =	sfence  }
0xc1: {  	s30 =	sld [smem:$0x0];
	_ =	sdelay $0x2  }
0xc2: {  	s31 =	sshll.u32 s1, $0xD;
	s1 =	sshrl.u32 s1, $0x2  }
0xc3: {  	s3 =	sand.u32 $0x4000, s31;
	s1 =	sadd.s32 s1, s30  }
0xc4: {  	s0 =	sor.u32 s3, s0;
	s1 =	sshll.u32 s1, $0x11  }
0xc5: {  	s0 =	sor.u32 s1, s0  }
0xc6: {  	s0 =	sadd.s32 $0x8F2B, s0  }
0xc7: {  	[sflag:s0] =	ssyncadd.remote.s32 $0x1  }
0xc8: {  	_ =	sfence.sel $0xFFFF  }
0xc9: {  	[dreg:$0x0] =	wrdreg $0xFFFFFFFF;
	(pc) =	sbr.abs _section_cstart, $3  }
0xca: {  	[dreg:$0x1] =	wrdreg $0xFFFFFFFF  }
0xcb: {  	_ =	task.clear_ibuf [dreg:s10], $0x2FFFF;
	_ =	strace $0x9FFFFFFF  }
0xcc: {  	(tm) =	ssettm $0x7FFFFFFF  }
0xcd: {  	_ =	shalt  }
tec
execute0_lowered:
.L_overlay_start_1:
0x0: {  	(tag) =	ssettag $0x1  }
0x1: {  	s5 =	rddreg [dreg:$0x0]  }
0x2: {  	s1 =	rddreg [dreg:$0x1]  }
0x3: {  	s2 =	rddreg [dreg:$0x2]  }
0x4: {  	s6 =	rddreg [dreg:$0x3];
	s3 =	srdreg.scid  }
0x5: {  	s0 =	stileid.u32;
	s7 =	rddreg [dreg:$0x4]  }
0x6: {  	s4 =	simm.s32 $0x0;
	s12 =	simm.s32 $0x1900;
	s13 =	simm.s32 $0x7D00  }
0x7: {  	s14 =	simm.s32 $0x190;
	s15 =	simm.s32 $0xE100;
	s16 =	simm.s32 $0x258  }
0x8: {  	s17 =	simm.s32 $0x14500;
	s18 =	simm.s32 $0x1;
	s19 =	simm.s32 $0x1B980  }
0x9: {  	s20 =	simm.s32 $0x2;
	s21 =	simm.s32 $0x3;
	s22 =	simm.s32 $0x4  }
0xa: {  	s23 =	simm.s32 $0x1A900;
	s8 =	sand.u32 $0x1, s3;
	s9 =	sshll.u32 s0, $0x1  }
0xb: {  	s24 =	simm.s32 $0x0;
	[smem:$0x7FF] =	sst s4;
	s9 =	sor.u32 s8, s9  }
0xc: {  	s8 =	ssub.s32 $0x2, s8;
	_ =	strace $0x80000047;
	s10 =	smul.u32 $0x320, s9  }
0xd: {  	s11 =	sshrl.u32 s8, $0x1;
	s31 =	sshll.u32 s9, $0x9;
	s9 =	sshll.u32 s9, $0x2  }
0xe: {  	s8 =	ssub.s32 s8, s11;
	s6 =	sadd.s32 s6, s31;
	s7 =	sadd.s32 s7, s9  }
0xf: {  	s9 =	simm.s32 $0x5;
	s11 =	simm.s32 $0xC8;
	s5 =	sadd.s32 s10, s5  }
0x10: {  	v0 =	vimm.s32 $0x0;
	s8 =	smax.u32 s8, $0x1;
	s10 =	simm.s32 $0x1B900;
	s5 =	sadd.s32 $0x800, s5  }
.LBB2_1:
0x11: {  	[tilespmem:s4], [sflag:$0x5] =	stream.linear.gather [hbm4b:s5+s4], $0x1900, $0x38;
	[tilespmem:$0x1BA00] =	vst v63  }
0x12: {  	_ =	swait.ge [sflag:s9], $0x1900  }
0x13: {  	[sflag:s9] =	ssyncset.done $0x0  }
0x14: {  	[sflag:s9] =	ssyncadd.s32 $0xFFFFE700  }
0x15: {  	[tilespmem:s10], [sflag:$0x5] =	stream.linear.gather [hbm4b:s2+s4], $0x80, $0x38;
	[tilespmem:$0x1BA00] =	vst v63  }
0x16: {  	_ =	swait.ge [sflag:s9], $0x80  }
0x17: {  	[sflag:s9] =	ssyncset.done $0x0  }
0x18: {  	[sflag:s9] =	ssyncadd.s32 $0xFFFFFF80  }
0x19: {  	v1 =	vld [tilespmem:$0x1B900]  }
0x1a: {  	v2 =	vld [tilespmem:$0x1B910]  }
0x1b: {  	v3 =	vld [tilespmem:$0x1B920]  }
0x1c: {  	v4 =	vld [tilespmem:$0x1B930]  }
0x1d: {  	v5 =	vld [tilespmem:$0x1B940]  }
0x1e: {  	v6 =	vld [tilespmem:$0x1B950];
	[tilespmem:$0x1B980] =	vst v0  }
0x1f: {  	v7 =	vld [tilespmem:$0x1B960];
	[tilespmem:$0x1B990] =	vst v0  }
0x20: {  	v8 =	vld [tilespmem:$0x1B970];
	[tilespmem:s12], [sflag:$0x1] =	stream.indirect.gather [hbm4b:s1+s11], $0x80, s4, s11, $0xb8  }
0x21: {  	_ = 	snop  }
0x22: {  	[tilespmem:s13], [sflag:$0x2] =	stream.indirect.gather [hbm4b:s1+s11], $0x80, s11, s11, $0xb8;
	[tilespmem:$0x1BA00] =	vst v63  }
0x23: {  	_ = 	snop  }
0x24: {  	[tilespmem:s15], [sflag:$0x3] =	stream.indirect.gather [hbm4b:s1+s11], $0x80, s14, s11, $0xb8;
	[tilespmem:$0x1BA00] =	vst v63  }
0x25: {  	s25 =	simm.s32 $0x0  }
0x26: {  	[tilespmem:s17], [sflag:$0x4] =	stream.indirect.gather [hbm4b:s1+s11], $0x80, s16, s11, $0xb8;
	[tilespmem:$0x1BA00] =	vst v63  }
.LBB2_2:
0x27: {  	_ =	swait.ge [sflag:s18], $0x6400  }
0x28: {  	[sflag:s18] =	ssyncset.done $0x0  }
0x29: {  	s26 =	simm.s32 $0x0;
	[sflag:s18] =	ssyncadd.s32 $0xFFFF9C00  }
0x2a: {  	v17 =	vld [tilespmem:s26+$0x1D80]  }
0x2b: {  	v18 =	vld [tilespmem:s26+$0x1D90]  }
0x2c: {  	v19 =	vld [tilespmem:s26+$0x1DA0]  }
0x2d: {  	v20 =	vld [tilespmem:s26+$0x1DB0]  }
0x2e: {  	v10 =	vld [tilespmem:s26+$0x1DC0]  }
0x2f: {  	v9 =	vld [tilespmem:s26+$0x1DD0]  }
0x30: {  	v23 =	vld [tilespmem:s26+$0x1D00]  }
0x31: {  	v27 =	vld [tilespmem:s26+$0x1D10]  }
0x32: {  	v22 =	vld [tilespmem:s26+$0x1D20]  }
0x33: {  	v24 =	vld [tilespmem:s26+$0x1D30]  }
0x34: {  	v11 =	vld [tilespmem:s26+$0x1D40]  }
0x35: {  	v12 =	vld [tilespmem:s26+$0x1D50]  }
0x36: {  	v28 =	vld [tilespmem:s26+$0x1C80]  }
0x37: {  	v29 =	vld [tilespmem:s26+$0x1C90]  }
0x38: {  	v30 =	vld [tilespmem:s26+$0x1CA0]  }
0x39: {  	v34 =	vld [tilespmem:s26+$0x1CB0]  }
0x3a: {  	v13 =	vld [tilespmem:s26+$0x1CC0]  }
0x3b: {  	v14 =	vld [tilespmem:s26+$0x1CD0]  }
0x3c: {  	v31 =	vld [tilespmem:s26+$0x1C00]  }
0x3d: {  	v32 =	vld [tilespmem:s26+$0x1C10]  }
0x3e: {  	v33 =	vld [tilespmem:s26+$0x1C20]  }
0x3f: {  	v43 =	vld [tilespmem:s26+$0x1C30]  }
0x40: {  	v15 =	vld [tilespmem:s26+$0x1C40]  }
0x41: {  	v16 =	vld [tilespmem:s26+$0x1C50]  }
0x42: {  	v40 =	vld [tilespmem:s26+$0x1B80]  }
0x43: {  	v41 =	vld [tilespmem:s26+$0x1B90]  }
0x44: {  	v42 =	vld [tilespmem:s26+$0x1BA0]  }
0x45: {  	v44 =	vld [tilespmem:s26+$0x1BB0]  }
0x46: {  	v21 =	vld [tilespmem:s26+$0x1BC0]  }
0x47: {  	v38 =	vld [tilespmem:s26+$0x1B00]  }
0x48: {  	v39 =	vld [tilespmem:s26+$0x1B10]  }
0x49: {  	v36 =	vld [tilespmem:s26+$0x1A80]  }
0x4a: {  	v37 =	vld [tilespmem:s26+$0x1A90]  }
0x4b: {  	v26 =	vld [tilespmem:s26+$0x1A00]  }
0x4c: {  	v35 =	vld [tilespmem:s26+$0x1A10]  }
0x4d: {  	v45 =	vld [tilespmem:s26+$0x1980]  }
0x4e: {  	v46 =	vld [tilespmem:s26+$0x1990]  }
0x4f: {  	v47 =	vld [tilespmem:s26+$0x1900]  }
0x50: {  	v48 =	vld [tilespmem:s26+$0x1910]  }
0x51: {  	v49 =	vld [tilespmem:s26+$0x1920]  }
0x52: {  	v50 =	vld [tilespmem:s26+$0x1930]  }
0x53: {  	v51 =	vld [tilespmem:s26+$0x19A0]  }
0x54: {  	v52 =	vld [tilespmem:s26+$0x19B0]  }
0x55: {  	v25 =	vimm.f32 $0.0e+00;
	v53 =	vld [tilespmem:s26+$0x1A20]  }
0x56: {  	v54 =	vld [tilespmem:s26+$0x1A30];
	v47 =	vadd.f32 v47, v25;
	v48 =	vadd.f32 v48, v25  }
0x57: {  	v55 =	vld [tilespmem:s26+$0x1AA0];
	v49 =	vadd.f32 v49, v25;
	v50 =	vadd.f32 v50, v25  }
0x58: {  	v59 =	vld [tilespmem:s26+$0x1AB0];
	v45 =	vadd.f32 v45, v47;
	v46 =	vadd.f32 v46, v48  }
0x59: {  	v61 =	vld [tilespmem:s26+$0x1B20];
	v60 =	vadd.f32 v51, v49;
	v50 =	vadd.f32 v52, v50  }
0x5a: {  	v62 =	vld [tilespmem:s26+$0x1B30];
	v45 =	vadd.f32 v26, v45;
	v46 =	vadd.f32 v35, v46  }
0x5b: {  	v26 =	vld [tilespmem:s26+$0x1BD0];
	v48 =	vadd.f32 v53, v60;
	v50 =	vadd.f32 v54, v50  }
0x5c: {  	v35 =	vld [tilespmem:s26+$0x1B40];
	v45 =	vadd.f32 v36, v45;
	v46 =	vadd.f32 v37, v46  }
0x5d: {  	v36 =	vld [tilespmem:s26+$0x1B50];
	v48 =	vadd.f32 v55, v48;
	v47 =	vadd.f32 v59, v50  }
0x5e: {  	v37 =	vld [tilespmem:s26+$0x1AC0];
	v45 =	vadd.f32 v38, v45;
	v46 =	vadd.f32 v39, v46  }
0x5f: {  	v38 =	vld [tilespmem:s26+$0x1AD0];
	v48 =	vadd.f32 v61, v48;
	v47 =	vadd.f32 v62, v47  }
0x60: {  	v39 =	vld [tilespmem:s26+$0x1A40];
	v45 =	vadd.f32 v40, v45;
	v46 =	vadd.f32 v41, v46  }
0x61: {  	v40 =	vld [tilespmem:s26+$0x1A50];
	v48 =	vadd.f32 v42, v48;
	v44 =	vadd.f32 v44, v47  }
0x62: {  	v41 =	vld [tilespmem:s26+$0x19C0];
	v31 =	vadd.f32 v31, v45;
	v32 =	vadd.f32 v32, v46  }
0x63: {  	v42 =	vld [tilespmem:s26+$0x19D0];
	v33 =	vadd.f32 v33, v48;
	v63 =	vadd.f32 v43, v44  }
0x64: {  	v43 =	vld [tilespmem:s26+$0x1940];
	v31 =	vadd.f32 v28, v31;
	v32 =	vadd.f32 v29, v32  }
0x65: {  	v44 =	vld [tilespmem:s26+$0x1950];
	v33 =	vadd.f32 v30, v33;
	v34 =	vadd.f32 v34, v63  }
0x66: {  	s28 =	simm.s32 $0x1400;
	v45 =	vld [tilespmem:s26+$0x1960];
	v30 =	vimm.f32 $0.0e+00;
	v29 =	vimm.f32 $0.0e+00;
	v28 =	vimm.f32 $0.0e+00  }
.LBB2_3:
0x67: {  	p0 =	sne.s32 s28, $0x17C00;
	v23 =	vadd.f32 v23, v31;
	v27 =	vadd.f32 v27, v32;
	v46 =	vld [tilespmem:s26+$0x1970]  }
0x68: {  	v22 =	vadd.f32 v22, v33;
	v24 =	vadd.f32 v24, v34;
	v47 =	vld [tilespmem:s26+$0x19E0]  }
0x69: {  	v32 =	vadd.f32 v17, v23;
	v33 =	vadd.f32 v18, v27;
	v17 =	vld [tilespmem:s26+$0x19F0]  }
0x6a: {  	v34 =	vadd.f32 v19, v22;
	v31 =	vadd.f32 v20, v24;
	v18 =	vld [tilespmem:s26+$0x1A60]  }
0x6b: {  	v19 =	vadd.f32 v43, v25;
	v20 =	vadd.f32 v44, v30;
	v22 =	vld [tilespmem:s26+$0x1A70]  }
0x6c: {  	v23 =	vadd.f32 v45, v29;
	v24 =	vld [tilespmem:s26+$0x1AE0];
	v25 =	vadd.f32 v46, v28  }
0x6d: {  	v19 =	vadd.f32 v41, v19;
	v20 =	vadd.f32 v42, v20;
	v27 =	vld [tilespmem:s26+$0x1AF0]  }
0x6e: {  	v23 =	vadd.f32 v47, v23;
	v28 =	vld [tilespmem:s26+$0x1B60];
	v17 =	vadd.f32 v17, v25  }
0x6f: {  	v19 =	vadd.f32 v39, v19;
	v20 =	vadd.f32 v40, v20;
	v25 =	vld [tilespmem:s26+$0x1B70]  }
0x70: {  	v18 =	vadd.f32 v18, v23;
	v23 =	vld [tilespmem:s26+$0x1BE0];
	v17 =	vadd.f32 v22, v17  }
0x71: {  	v19 =	vadd.f32 v37, v19;
	v20 =	vadd.f32 v38, v20;
	v22 =	vld [tilespmem:s26+$0x1BF0]  }
0x72: {  	v18 =	vadd.f32 v24, v18;
	v24 =	vld [tilespmem:s26+$0x1C60];
	v17 =	vadd.f32 v27, v17  }
0x73: {  	v19 =	vadd.f32 v35, v19;
	v20 =	vadd.f32 v36, v20;
	v27 =	vld [tilespmem:s26+$0x1C70]  }
0x74: {  	v18 =	vadd.f32 v28, v18;
	v28 =	vld [tilespmem:s26+$0x1CE0];
	v17 =	vadd.f32 v25, v17  }
0x75: {  	v19 =	vadd.f32 v21, v19;
	v20 =	vadd.f32 v26, v20;
	v21 =	vld [tilespmem:s26+$0x1CF0]  }
0x76: {  	v18 =	vadd.f32 v23, v18;
	v23 =	vld [tilespmem:s26+$0x1D60];
	v17 =	vadd.f32 v22, v17  }
0x77: {  	v15 =	vadd.f32 v15, v19;
	v16 =	vadd.f32 v16, v20;
	v20 =	vld [tilespmem:s26+$0x1D70]  }
0x78: {  	v18 =	vadd.f32 v24, v18;
	v22 =	vld [tilespmem:s26+$0x1DE0];
	v19 =	vadd.f32 v27, v17  }
0x79: {  	v13 =	vadd.f32 v13, v15;
	v14 =	vadd.f32 v14, v16;
	v15 =	vld [tilespmem:s26+$0x1DF0];
	s26 =	sshra.s32 s28, $0x2  }
0x7a: {  	v16 =	vadd.f32 v28, v18;
	v17 =	vld [tilespmem:s26+$0x1D80];
	v21 =	vadd.f32 v21, v19  }
0x7b: {  	v11 =	vadd.f32 v11, v13;
	v12 =	vadd.f32 v12, v14;
	v18 =	vld [tilespmem:s26+$0x1D90]  }
0x7c: {  	v13 =	vadd.f32 v23, v16;
	v19 =	vld [tilespmem:s26+$0x1DA0];
	v14 =	vadd.f32 v20, v21  }
0x7d: {  	v25 =	vadd.f32 v10, v11;
	v30 =	vadd.f32 v9, v12;
	v20 =	vld [tilespmem:s26+$0x1DB0]  }
0x7e: {  	v29 =	vadd.f32 v22, v13;
	v10 =	vld [tilespmem:s26+$0x1DC0];
	v28 =	vadd.f32 v15, v14  }
0x7f: {  	v9 =	vld [tilespmem:s26+$0x1DD0]  }
0x80: {  	v23 =	vld [tilespmem:s26+$0x1D00]  }
0x81: {  	v27 =	vld [tilespmem:s26+$0x1D10]  }
0x82: {  	v22 =	vld [tilespmem:s26+$0x1D20]  }
0x83: {  	v24 =	vld [tilespmem:s26+$0x1D30]  }
0x84: {  	v11 =	vld [tilespmem:s26+$0x1D40]  }
0x85: {  	v12 =	vld [tilespmem:s26+$0x1D50]  }
0x86: {  	v44 =	vld [tilespmem:s26+$0x1C80]  }
0x87: {  	v45 =	vld [tilespmem:s26+$0x1C90]  }
0x88: {  	v46 =	vld [tilespmem:s26+$0x1CA0]  }
0x89: {  	v47 =	vld [tilespmem:s26+$0x1CB0]  }
0x8a: {  	v13 =	vld [tilespmem:s26+$0x1CC0]  }
0x8b: {  	v14 =	vld [tilespmem:s26+$0x1CD0]  }
0x8c: {  	v42 =	vld [tilespmem:s26+$0x1C00]  }
0x8d: {  	v43 =	vld [tilespmem:s26+$0x1C10]  }
0x8e: {  	v48 =	vld [tilespmem:s26+$0x1C20]  }
0x8f: {  	v49 =	vld [tilespmem:s26+$0x1C30]  }
0x90: {  	v15 =	vld [tilespmem:s26+$0x1C40]  }
0x91: {  	v16 =	vld [tilespmem:s26+$0x1C50]  }
0x92: {  	v40 =	vld [tilespmem:s26+$0x1B80]  }
0x93: {  	v41 =	vld [tilespmem:s26+$0x1B90]  }
0x94: {  	v50 =	vld [tilespmem:s26+$0x1BA0]  }
0x95: {  	v51 =	vld [tilespmem:s26+$0x1BB0]  }
0x96: {  	v21 =	vld [tilespmem:s26+$0x1BC0]  }
0x97: {  	v26 =	vld [tilespmem:s26+$0x1BD0]  }
0x98: {  	v38 =	vld [tilespmem:s26+$0x1B00]  }
0x99: {  	v39 =	vld [tilespmem:s26+$0x1B10]  }
0x9a: {  	v36 =	vld [tilespmem:s26+$0x1A80]  }
0x9b: {  	v37 =	vld [tilespmem:s26+$0x1A90]  }
0x9c: {  	v35 =	vld [tilespmem:s26+$0x1A00]  }
0x9d: {  	v52 =	vld [tilespmem:s26+$0x1A10]  }
0x9e: {  	v53 =	vld [tilespmem:s26+$0x1980]  }
0x9f: {  	v54 =	vld [tilespmem:s26+$0x1990]  }
0xa0: {  	v55 =	vld [tilespmem:s26+$0x1900]  }
0xa1: {  	v56 =	vld [tilespmem:s26+$0x1910]  }
0xa2: {  	v57 =	vld [tilespmem:s26+$0x1920]  }
0xa3: {  	v58 =	vld [tilespmem:s26+$0x1930]  }
0xa4: {  	v59 =	vld [tilespmem:s26+$0x19A0]  }
0xa5: {  	v60 =	vld [tilespmem:s26+$0x19B0]  }
0xa6: {  	v61 =	vld [tilespmem:s26+$0x1A20]  }
0xa7: {  	v32 =	vadd.f32 v55, v32;
	v33 =	vadd.f32 v56, v33;
	v55 =	vld [tilespmem:s26+$0x1A30]  }
0xa8: {  	v34 =	vadd.f32 v57, v34;
	v56 =	vld [tilespmem:s26+$0x1AA0];
	v31 =	vadd.f32 v58, v31  }
0xa9: {  	v32 =	vadd.f32 v53, v32;
	v33 =	vadd.f32 v54, v33;
	v53 =	vld [tilespmem:s26+$0x1AB0]  }
0xaa: {  	v34 =	vadd.f32 v59, v34;
	v54 =	vld [tilespmem:s26+$0x1B20];
	v31 =	vadd.f32 v60, v31  }
0xab: {  	v32 =	vadd.f32 v35, v32;
	v33 =	vadd.f32 v52, v33;
	v52 =	vld [tilespmem:s26+$0x1B30]  }
0xac: {  	v34 =	vadd.f32 v61, v34;
	v31 =	vadd.f32 v55, v31;
	v35 =	vld [tilespmem:s26+$0x1B40]  }
0xad: {  	v32 =	vadd.f32 v36, v32;
	v33 =	vadd.f32 v37, v33;
	v36 =	vld [tilespmem:s26+$0x1B50]  }
0xae: {  	v34 =	vadd.f32 v56, v34;
	v31 =	vadd.f32 v53, v31;
	v37 =	vld [tilespmem:s26+$0x1AC0]  }
0xaf: {  	v32 =	vadd.f32 v38, v32;
	v33 =	vadd.f32 v39, v33;
	v38 =	vld [tilespmem:s26+$0x1AD0]  }
0xb0: {  	v34 =	vadd.f32 v54, v34;
	v31 =	vadd.f32 v52, v31;
	v39 =	vld [tilespmem:s26+$0x1A40]  }
0xb1: {  	v32 =	vadd.f32 v40, v32;
	v33 =	vadd.f32 v41, v33;
	v40 =	vld [tilespmem:s26+$0x1A50]  }
.Ltmp0:
0xb2: {  	v34 =	vadd.f32 v50, v34;
	v31 =	vadd.f32 v51, v31;
	v41 =	vld [tilespmem:s26+$0x19C0];
	(pc) =	sbr.rel @p0 .LBB2_3-.Ltmp0, $4  }
0xb3: {  	v32 =	vadd.f32 v42, v32;
	v33 =	vadd.f32 v43, v33;
	v42 =	vld [tilespmem:s26+$0x19D0]  }
0xb4: {  	v34 =	vadd.f32 v48, v34;
	v48 =	vadd.f32 v49, v31;
	v43 =	vld [tilespmem:s26+$0x1940]  }
0xb5: {  	v31 =	vadd.f32 v44, v32;
	v32 =	vadd.f32 v45, v33;
	v44 =	vld [tilespmem:s26+$0x1950]  }
0xb6: {  	s28 =	sadd.s32 $0x1400, s28;
	v33 =	vadd.f32 v46, v34;
	v34 =	vadd.f32 v47, v48;
	v45 =	vld [tilespmem:s26+$0x1960]  }
0xb7: {  	v23 =	vadd.f32 v23, v31;
	v27 =	vadd.f32 v27, v32;
	v31 =	vld [tilespmem:s26+$0x1970]  }
0xb8: {  	v60 =	vld [tilespmem:s26+$0x19E0];
	v22 =	vadd.f32 v22, v33;
	v24 =	vadd.f32 v24, v34  }
0xb9: {  	v17 =	vadd.f32 v17, v23;
	v18 =	vadd.f32 v18, v27;
	v23 =	vld [tilespmem:s26+$0x19F0]  }
0xba: {  	v27 =	vld [tilespmem:s26+$0x1A70];
	v19 =	vadd.f32 v19, v22;
	v20 =	vadd.f32 v20, v24  }
0xbb: {  	v22 =	vld [tilespmem:s26+$0x1A60];
	v24 =	vadd.f32 v43, v25;
	v25 =	vadd.f32 v44, v30  }
0xbc: {  	v30 =	vld [tilespmem:s26+$0x1AE0];
	v29 =	vadd.f32 v45, v29;
	v28 =	vadd.f32 v31, v28  }
0xbd: {  	v24 =	vadd.f32 v41, v24;
	v25 =	vadd.f32 v42, v25;
	v31 =	vld [tilespmem:s26+$0x1AF0]  }
0xbe: {  	v61 =	vld [tilespmem:s26+$0x1B60];
	v29 =	vadd.f32 v60, v29;
	v23 =	vadd.f32 v23, v28  }
0xbf: {  	v24 =	vadd.f32 v39, v24;
	v25 =	vadd.f32 v40, v25;
	v28 =	vld [tilespmem:s26+$0x1B70]  }
0xc0: {  	v22 =	vadd.f32 v22, v29;
	v29 =	vld [tilespmem:s26+$0x1BE0];
	v23 =	vadd.f32 v27, v23  }
0xc1: {  	v24 =	vadd.f32 v37, v24;
	v25 =	vadd.f32 v38, v25;
	v27 =	vld [tilespmem:s26+$0x1BF0]  }
0xc2: {  	v22 =	vadd.f32 v30, v22;
	v30 =	vld [tilespmem:s26+$0x1C60];
	v23 =	vadd.f32 v31, v23  }
0xc3: {  	v24 =	vadd.f32 v35, v24;
	v25 =	vadd.f32 v36, v25;
	v31 =	vld [tilespmem:s26+$0x1C70]  }
0xc4: {  	v62 =	vld [tilespmem:s26+$0x1CE0];
	v22 =	vadd.f32 v61, v22;
	v23 =	vadd.f32 v28, v23  }
0xc5: {  	v21 =	vadd.f32 v21, v24;
	v24 =	vadd.f32 v26, v25;
	v25 =	vld [tilespmem:s26+$0x1CF0]  }
0xc6: {  	v22 =	vadd.f32 v29, v22;
	v23 =	vadd.f32 v27, v23  }
0xc7: {  	v15 =	vadd.f32 v15, v21;
	v21 =	vld [tilespmem:s26+$0x1D60];
	v16 =	vadd.f32 v16, v24  }
0xc8: {  	v22 =	vadd.f32 v30, v22;
	v23 =	vadd.f32 v31, v23  }
0xc9: {  	v24 =	vld [tilespmem:s26+$0x1D70];
	v13 =	vadd.f32 v13, v15;
	v14 =	vadd.f32 v14, v16  }
0xca: {  	v15 =	vadd.f32 v62, v22;
	v16 =	vadd.f32 v25, v23  }
0xcb: {  	v11 =	vadd.f32 v11, v13;
	v12 =	vadd.f32 v12, v14  }
0xcc: {  	v13 =	vadd.f32 v17, v1;
	v14 =	vadd.f32 v21, v15  }
0xcd: {  	v15 =	vadd.f32 v18, v2;
	v18 =	vadd.f32 v19, v3  }
0xce: {  	p0 =	seq.s32 s25, $0x7;
	v19 =	vadd.f32 v20, v4;
	v16 =	vadd.f32 v24, v16  }
0xcf: {  	s28 =	smul.u32 @!p0 $0xC80, s25;
	v17 =	vld [tilespmem:s26+$0x1DE0];
	vm0 =	vlt.f32 v13, $0.0e+00;
	vm1 =	vgt.f32 v13, $0.0e+00;
	v10 =	vadd.f32 v10, v11  }
0xd0: {  	v9 =	vadd.f32 v9, v12;
	vm2 =	vlt.f32 v15, $0.0e+00;
	vm3 =	vgt.f32 v15, $0.0e+00  }
0xd1: {  	v11 =	vld [tilespmem:s26+$0x1DF0];
	s26 =	sshra.s32 @!p0 s28, $0x2;
	vm0 =	vmor vm1, vm0;
	vm10 =	vlt.f32 v18, $0.0e+00;
	vm11 =	vgt.f32 v18, $0.0e+00  }
0xd2: {  	s29 =	simm.s32 @!p0 $0xC8;
	s30 =	simm.s32 @!p0 $0x1900;
	s28 =	sadd.s32 @!p0 $0x320, s26;
	vm13 =	vlt.f32 v19, $0.0e+00;
	vm14 =	vgt.f32 v19, $0.0e+00;
	vm9 =	vmor vm3, vm2  }
0xd3: {  	vm12 =	vmor vm11, vm10;
	v10 =	vadd.f32 v10, v5;
	[tilespmem:s30], [sflag:$0x1] =	stream.indirect.gather @!p0 [hbm4b:s1+s29], $0x80, s28, s29, $0xb8;
	vm15 =	vmor vm14, vm13;
	[tilespmem:$0x1BA00] =	vst v63  }
0xd4: {  	s29 =	sshll.u32 s25, $0x9;
	v9 =	vadd.f32 v9, v6;
	vm0 =	vmor vm0, vm9;
	v12 =	vadd.f32 v17, v14  }
0xd5: {  	s28 =	sshll.u32 s25, $0x2;
	s29 =	sand.u32 $0x3FFFFE00, s29;
	vm0 =	vmor vm0, vm12;
	vm6 =	vlt.f32 v10, $0.0e+00;
	vm7 =	vgt.f32 v10, $0.0e+00  }
0xd6: {  	[tilespmem:s29+$0x1A900] =	vst v13;
	vm9 =	vlt.f32 v9, $0.0e+00;
	v13 =	vmov s28;
	vm10 =	vgt.f32 v9, $0.0e+00  }
0xd7: {  	v11 =	vadd.f32 v11, v16;
	vm0 =	vmor vm0, vm15;
	vm8 =	vmor vm7, vm6  }
0xd8: {  	[tilespmem:s29+$0x1A910] =	vst v15;
	v12 =	vadd.f32 v12, v7;
	v13 =	vand.u32 $0xFFFFFFFC, v13;
	vm1 =	vmor vm10, vm9  }
0xd9: {  	[tilespmem:s29+$0x1A920] =	vst v18;
	vm0 =	vmor vm0, vm8;
	v13 =	vbroadcast v13, $0x0;
	v11 =	vadd.f32 v11, v8  }
0xda: {  	[tilespmem:s29+$0x1A930] =	vst v19;
	vm0 =	vmor vm0, vm1;
	vm11 =	vlt.f32 v12, $0.0e+00;
	vm12 =	vgt.f32 v12, $0.0e+00  }
0xdb: {  	[tilespmem:s29+$0x1A940] =	vst v10;
	vm1 =	vmor vm12, vm11;
	vm13 =	vlt.f32 v11, $0.0e+00;
	vm14 =	vgt.f32 v11, $0.0e+00  }
0xdc: {  	[tilespmem:s29+$0x1A950] =	vst v9;
	vm0 =	vmor vm0, vm1;
	vm15 =	vmor vm14, vm13  }
0xdd: {  	[tilespmem:s29+$0x1A960] =	vst v12;
	vm0 =	vmor vm0, vm15  }
0xde: {  	[tilespmem:s29+$0x1A970] =	vst v11;
	v9 =	vsel vm0, $0x1, v0  }
0xdf: {  	[tilespmem:v13+s19+$0x0] =	vst.idx.add.s32.msk $0xffff, v9  }
0xe0: {  	_ =	swait.ge [sflag:s20], $0x6400  }
0xe1: {  	[sflag:s20] =	ssyncset.done $0x0  }
0xe2: {  	s29 =	simm.s32 $0x0;
	[sflag:s20] =	ssyncadd.s32 $0xFFFF9C00  }
0xe3: {  	v17 =	vld [tilespmem:s29+$0x8180]  }
0xe4: {  	v18 =	vld [tilespmem:s29+$0x8190]  }
0xe5: {  	v19 =	vld [tilespmem:s29+$0x81A0]  }
0xe6: {  	v20 =	vld [tilespmem:s29+$0x81B0]  }
0xe7: {  	v10 =	vld [tilespmem:s29+$0x81C0]  }
0xe8: {  	v9 =	vld [tilespmem:s29+$0x81D0]  }
0xe9: {  	v23 =	vld [tilespmem:s29+$0x8100]  }
0xea: {  	v27 =	vld [tilespmem:s29+$0x8110]  }
0xeb: {  	v22 =	vld [tilespmem:s29+$0x8120]  }
0xec: {  	v24 =	vld [tilespmem:s29+$0x8130]  }
0xed: {  	v11 =	vld [tilespmem:s29+$0x8140]  }
0xee: {  	v12 =	vld [tilespmem:s29+$0x8150]  }
0xef: {  	v28 =	vld [tilespmem:s29+$0x8080]  }
0xf0: {  	v29 =	vld [tilespmem:s29+$0x8090]  }
0xf1: {  	v30 =	vld [tilespmem:s29+$0x80A0]  }
0xf2: {  	v34 =	vld [tilespmem:s29+$0x80B0]  }
0xf3: {  	v13 =	vld [tilespmem:s29+$0x80C0]  }
0xf4: {  	v14 =	vld [tilespmem:s29+$0x80D0]  }
0xf5: {  	v31 =	vld [tilespmem:s29+$0x8000]  }
0xf6: {  	v32 =	vld [tilespmem:s29+$0x8010]  }
0xf7: {  	v33 =	vld [tilespmem:s29+$0x8020]  }
0xf8: {  	v43 =	vld [tilespmem:s29+$0x8030]  }
0xf9: {  	v15 =	vld [tilespmem:s29+$0x8040]  }
0xfa: {  	v16 =	vld [tilespmem:s29+$0x8050]  }
0xfb: {  	v40 =	vld [tilespmem:s29+$0x7F80]  }
0xfc: {  	v41 =	vld [tilespmem:s29+$0x7F90]  }
0xfd: {  	v42 =	vld [tilespmem:s29+$0x7FA0]  }
0xfe: {  	v44 =	vld [tilespmem:s29+$0x7FB0]  }
0xff: {  	v21 =	vld [tilespmem:s29+$0x7FC0]  }
0x100: {  	v38 =	vld [tilespmem:s29+$0x7F00]  }
0x101: {  	v39 =	vld [tilespmem:s29+$0x7F10]  }
0x102: {  	v36 =	vld [tilespmem:s29+$0x7E80]  }
0x103: {  	v63 =	vld [tilespmem:s29+$0x7E90]  }
0x104: {  	v26 =	vld [tilespmem:s29+$0x7E00]  }
0x105: {  	v57 =	vld [tilespmem:s29+$0x7E10]  }
0x106: {  	v58 =	vld [tilespmem:s29+$0x7D80]  }
0x107: {  	v46 =	vld [tilespmem:s29+$0x7D90]  }
0x108: {  	v47 =	vld [tilespmem:s29+$0x7D00]  }
0x109: {  	v48 =	vld [tilespmem:s29+$0x7D10]  }
0x10a: {  	v49 =	vld [tilespmem:s29+$0x7D20]  }
0x10b: {  	v50 =	vld [tilespmem:s29+$0x7D30]  }
0x10c: {  	v51 =	vld [tilespmem:s29+$0x7DA0]  }
0x10d: {  	v52 =	vld [tilespmem:s29+$0x7DB0]  }
0x10e: {  	v25 =	vimm.f32 $0.0e+00;
	v53 =	vld [tilespmem:s29+$0x7E20]  }
0x10f: {  	v54 =	vld [tilespmem:s29+$0x7E30];
	v47 =	vadd.f32 v47, v25;
	v48 =	vadd.f32 v48, v25  }
0x110: {  	v55 =	vld [tilespmem:s29+$0x7EA0];
	v49 =	vadd.f32 v49, v25;
	v50 =	vadd.f32 v50, v25  }
0x111: {  	v59 =	vld [tilespmem:s29+$0x7EB0];
	v45 =	vadd.f32 v58, v47;
	v46 =	vadd.f32 v46, v48  }
0x112: {  	v61 =	vld [tilespmem:s29+$0x7F20];
	v60 =	vadd.f32 v51, v49;
	v50 =	vadd.f32 v52, v50  }
0x113: {  	v62 =	vld [tilespmem:s29+$0x7F30];
	v45 =	vadd.f32 v26, v45;
	v46 =	vadd.f32 v57, v46  }
0x114: {  	v35 =	vld [tilespmem:s29+$0x7F40];
	v48 =	vadd.f32 v53, v60;
	v50 =	vadd.f32 v54, v50  }
0x115: {  	v37 =	vld [tilespmem:s29+$0x7EC0];
	v45 =	vadd.f32 v36, v45;
	v46 =	vadd.f32 v63, v46  }
0x116: {  	v26 =	vld [tilespmem:s29+$0x7FD0];
	v48 =	vadd.f32 v55, v48;
	v47 =	vadd.f32 v59, v50  }
0x117: {  	v36 =	vld [tilespmem:s29+$0x7F50];
	v45 =	vadd.f32 v38, v45;
	v46 =	vadd.f32 v39, v46  }
0x118: {  	v38 =	vld [tilespmem:s29+$0x7ED0];
	v48 =	vadd.f32 v61, v48;
	v47 =	vadd.f32 v62, v47  }
0x119: {  	v39 =	vld [tilespmem:s29+$0x7E40];
	v45 =	vadd.f32 v40, v45;
	v46 =	vadd.f32 v41, v46  }
0x11a: {  	v40 =	vld [tilespmem:s29+$0x7E50];
	v48 =	vadd.f32 v42, v48;
	v44 =	vadd.f32 v44, v47  }
0x11b: {  	v41 =	vld [tilespmem:s29+$0x7DC0];
	v31 =	vadd.f32 v31, v45;
	v32 =	vadd.f32 v32, v46  }
0x11c: {  	v42 =	vld [tilespmem:s29+$0x7DD0];
	v33 =	vadd.f32 v33, v48;
	v63 =	vadd.f32 v43, v44  }
0x11d: {  	v43 =	vld [tilespmem:s29+$0x7D40];
	v31 =	vadd.f32 v28, v31;
	v32 =	vadd.f32 v29, v32  }
0x11e: {  	v44 =	vld [tilespmem:s29+$0x7D50];
	v33 =	vadd.f32 v30, v33;
	v34 =	vadd.f32 v34, v63  }
0x11f: {  	s30 =	simm.s32 $0x1400;
	v45 =	vld [tilespmem:s29+$0x7D60];
	v30 =	vimm.f32 $0.0e+00;
	v29 =	vimm.f32 $0.0e+00;
	v28 =	vimm.f32 $0.0e+00  }
.LBB2_5:
0x120: {  	p1 =	sne.s32 s30, $0x17C00;
	v23 =	vadd.f32 v23, v31;
	v27 =	vadd.f32 v27, v32;
	v46 =	vld [tilespmem:s29+$0x7D70]  }
0x121: {  	v22 =	vadd.f32 v22, v33;
	v24 =	vadd.f32 v24, v34;
	v47 =	vld [tilespmem:s29+$0x7DE0]  }
0x122: {  	v32 =	vadd.f32 v17, v23;
	v33 =	vadd.f32 v18, v27;
	v17 =	vld [tilespmem:s29+$0x7DF0]  }
0x123: {  	v34 =	vadd.f32 v19, v22;
	v31 =	vadd.f32 v20, v24;
	v18 =	vld [tilespmem:s29+$0x7E60]  }
0x124: {  	v19 =	vadd.f32 v43, v25;
	v20 =	vadd.f32 v44, v30;
	v22 =	vld [tilespmem:s29+$0x7E70]  }
0x125: {  	v23 =	vadd.f32 v45, v29;
	v24 =	vld [tilespmem:s29+$0x7EE0];
	v25 =	vadd.f32 v46, v28  }
0x126: {  	v19 =	vadd.f32 v41, v19;
	v20 =	vadd.f32 v42, v20;
	v27 =	vld [tilespmem:s29+$0x7EF0]  }
0x127: {  	v23 =	vadd.f32 v47, v23;
	v28 =	vld [tilespmem:s29+$0x7F60];
	v17 =	vadd.f32 v17, v25  }
0x128: {  	v19 =	vadd.f32 v39, v19;
	v20 =	vadd.f32 v40, v20;
	v25 =	vld [tilespmem:s29+$0x7F70]  }
0x129: {  	v18 =	vadd.f32 v18, v23;
	v23 =	vld [tilespmem:s29+$0x7FE0];
	v17 =	vadd.f32 v22, v17  }
0x12a: {  	v19 =	vadd.f32 v37, v19;
	v20 =	vadd.f32 v38, v20;
	v22 =	vld [tilespmem:s29+$0x7FF0]  }
0x12b: {  	v18 =	vadd.f32 v24, v18;
	v24 =	vld [tilespmem:s29+$0x8060];
	v17 =	vadd.f32 v27, v17  }
0x12c: {  	v19 =	vadd.f32 v35, v19;
	v20 =	vadd.f32 v36, v20;
	v27 =	vld [tilespmem:s29+$0x8070]  }
0x12d: {  	v18 =	vadd.f32 v28, v18;
	v28 =	vld [tilespmem:s29+$0x80E0];
	v17 =	vadd.f32 v25, v17  }
0x12e: {  	v19 =	vadd.f32 v21, v19;
	v20 =	vadd.f32 v26, v20;
	v21 =	vld [tilespmem:s29+$0x80F0]  }
0x12f: {  	v18 =	vadd.f32 v23, v18;
	v23 =	vld [tilespmem:s29+$0x8160];
	v17 =	vadd.f32 v22, v17  }
0x130: {  	v15 =	vadd.f32 v15, v19;
	v16 =	vadd.f32 v16, v20;
	v20 =	vld [tilespmem:s29+$0x8170]  }
0x131: {  	v18 =	vadd.f32 v24, v18;
	v22 =	vld [tilespmem:s29+$0x81E0];
	v19 =	vadd.f32 v27, v17  }
0x132: {  	v13 =	vadd.f32 v13, v15;
	v14 =	vadd.f32 v14, v16;
	v15 =	vld [tilespmem:s29+$0x81F0];
	s29 =	sshra.s32 s30, $0x2  }
0x133: {  	v16 =	vadd.f32 v28, v18;
	v17 =	vld [tilespmem:s29+$0x8180];
	v21 =	vadd.f32 v21, v19  }
0x134: {  	v11 =	vadd.f32 v11, v13;
	v12 =	vadd.f32 v12, v14;
	v18 =	vld [tilespmem:s29+$0x8190]  }
0x135: {  	v13 =	vadd.f32 v23, v16;
	v19 =	vld [tilespmem:s29+$0x81A0];
	v14 =	vadd.f32 v20, v21  }
0x136: {  	v25 =	vadd.f32 v10, v11;
	v30 =	vadd.f32 v9, v12;
	v20 =	vld [tilespmem:s29+$0x81B0]  }
0x137: {  	v29 =	vadd.f32 v22, v13;
	v10 =	vld [tilespmem:s29+$0x81C0];
	v28 =	vadd.f32 v15, v14  }
0x138: {  	v9 =	vld [tilespmem:s29+$0x81D0]  }
0x139: {  	v23 =	vld [tilespmem:s29+$0x8100]  }
0x13a: {  	v27 =	vld [tilespmem:s29+$0x8110]  }
0x13b: {  	v22 =	vld [tilespmem:s29+$0x8120]  }
0x13c: {  	v24 =	vld [tilespmem:s29+$0x8130]  }
0x13d: {  	v11 =	vld [tilespmem:s29+$0x8140]  }
0x13e: {  	v12 =	vld [tilespmem:s29+$0x8150]  }
0x13f: {  	v44 =	vld [tilespmem:s29+$0x8080]  }
0x140: {  	v45 =	vld [tilespmem:s29+$0x8090]  }
0x141: {  	v46 =	vld [tilespmem:s29+$0x80A0]  }
0x142: {  	v47 =	vld [tilespmem:s29+$0x80B0]  }
0x143: {  	v13 =	vld [tilespmem:s29+$0x80C0]  }
0x144: {  	v14 =	vld [tilespmem:s29+$0x80D0]  }
0x145: {  	v42 =	vld [tilespmem:s29+$0x8000]  }
0x146: {  	v43 =	vld [tilespmem:s29+$0x8010]  }
0x147: {  	v48 =	vld [tilespmem:s29+$0x8020]  }
0x148: {  	v49 =	vld [tilespmem:s29+$0x8030]  }
0x149: {  	v15 =	vld [tilespmem:s29+$0x8040]  }
0x14a: {  	v16 =	vld [tilespmem:s29+$0x8050]  }
0x14b: {  	v40 =	vld [tilespmem:s29+$0x7F80]  }
0x14c: {  	v41 =	vld [tilespmem:s29+$0x7F90]  }
0x14d: {  	v50 =	vld [tilespmem:s29+$0x7FA0]  }
0x14e: {  	v51 =	vld [tilespmem:s29+$0x7FB0]  }
0x14f: {  	v21 =	vld [tilespmem:s29+$0x7FC0]  }
0x150: {  	v26 =	vld [tilespmem:s29+$0x7FD0]  }
0x151: {  	v38 =	vld [tilespmem:s29+$0x7F00]  }
0x152: {  	v39 =	vld [tilespmem:s29+$0x7F10]  }
0x153: {  	v36 =	vld [tilespmem:s29+$0x7E80]  }
0x154: {  	v37 =	vld [tilespmem:s29+$0x7E90]  }
0x155: {  	v35 =	vld [tilespmem:s29+$0x7E00]  }
0x156: {  	v52 =	vld [tilespmem:s29+$0x7E10]  }
0x157: {  	v53 =	vld [tilespmem:s29+$0x7D80]  }
0x158: {  	v54 =	vld [tilespmem:s29+$0x7D90]  }
0x159: {  	v55 =	vld [tilespmem:s29+$0x7D00]  }
0x15a: {  	v56 =	vld [tilespmem:s29+$0x7D10]  }
0x15b: {  	v57 =	vld [tilespmem:s29+$0x7D20]  }
0x15c: {  	v58 =	vld [tilespmem:s29+$0x7D30]  }
0x15d: {  	v59 =	vld [tilespmem:s29+$0x7DA0]  }
0x15e: {  	v60 =	vld [tilespmem:s29+$0x7DB0]  }
0x15f: {  	v61 =	vld [tilespmem:s29+$0x7E20]  }
0x160: {  	v32 =	vadd.f32 v55, v32;
	v33 =	vadd.f32 v56, v33;
	v55 =	vld [tilespmem:s29+$0x7E30]  }
0x161: {  	v34 =	vadd.f32 v57, v34;
	v56 =	vld [tilespmem:s29+$0x7EA0];
	v31 =	vadd.f32 v58, v31  }
0x162: {  	v32 =	vadd.f32 v53, v32;
	v33 =	vadd.f32 v54, v33;
	v53 =	vld [tilespmem:s29+$0x7EB0]  }
0x163: {  	v34 =	vadd.f32 v59, v34;
	v54 =	vld [tilespmem:s29+$0x7F20];
	v31 =	vadd.f32 v60, v31  }
0x164: {  	v32 =	vadd.f32 v35, v32;
	v33 =	vadd.f32 v52, v33;
	v52 =	vld [tilespmem:s29+$0x7F30]  }
0x165: {  	v34 =	vadd.f32 v61, v34;
	v31 =	vadd.f32 v55, v31;
	v35 =	vld [tilespmem:s29+$0x7F40]  }
0x166: {  	v32 =	vadd.f32 v36, v32;
	v33 =	vadd.f32 v37, v33;
	v36 =	vld [tilespmem:s29+$0x7F50]  }
0x167: {  	v34 =	vadd.f32 v56, v34;
	v31 =	vadd.f32 v53, v31;
	v37 =	vld [tilespmem:s29+$0x7EC0]  }
0x168: {  	v32 =	vadd.f32 v38, v32;
	v33 =	vadd.f32 v39, v33;
	v38 =	vld [tilespmem:s29+$0x7ED0]  }
0x169: {  	v34 =	vadd.f32 v54, v34;
	v31 =	vadd.f32 v52, v31;
	v39 =	vld [tilespmem:s29+$0x7E40]  }
0x16a: {  	v32 =	vadd.f32 v40, v32;
	v33 =	vadd.f32 v41, v33;
	v40 =	vld [tilespmem:s29+$0x7E50]  }
.Ltmp1:
0x16b: {  	v34 =	vadd.f32 v50, v34;
	v31 =	vadd.f32 v51, v31;
	v41 =	vld [tilespmem:s29+$0x7DC0];
	(pc) =	sbr.rel @p1 .LBB2_5-.Ltmp1, $4  }
0x16c: {  	v32 =	vadd.f32 v42, v32;
	v33 =	vadd.f32 v43, v33;
	v42 =	vld [tilespmem:s29+$0x7DD0]  }
0x16d: {  	v34 =	vadd.f32 v48, v34;
	v48 =	vadd.f32 v49, v31;
	v43 =	vld [tilespmem:s29+$0x7D40]  }
0x16e: {  	v31 =	vadd.f32 v44, v32;
	v32 =	vadd.f32 v45, v33;
	v44 =	vld [tilespmem:s29+$0x7D50]  }
0x16f: {  	s30 =	sadd.s32 $0x1400, s30;
	v33 =	vadd.f32 v46, v34;
	v34 =	vadd.f32 v47, v48;
	v45 =	vld [tilespmem:s29+$0x7D60]  }
0x170: {  	v23 =	vadd.f32 v23, v31;
	v27 =	vadd.f32 v27, v32;
	v31 =	vld [tilespmem:s29+$0x7D70]  }
0x171: {  	v60 =	vld [tilespmem:s29+$0x7DE0];
	v22 =	vadd.f32 v22, v33;
	v24 =	vadd.f32 v24, v34  }
0x172: {  	v17 =	vadd.f32 v17, v23;
	v18 =	vadd.f32 v18, v27;
	v23 =	vld [tilespmem:s29+$0x7DF0]  }
0x173: {  	v27 =	vld [tilespmem:s29+$0x7E70];
	v19 =	vadd.f32 v19, v22;
	v20 =	vadd.f32 v20, v24  }
0x174: {  	v22 =	vld [tilespmem:s29+$0x7E60];
	v24 =	vadd.f32 v43, v25;
	v25 =	vadd.f32 v44, v30  }
0x175: {  	v30 =	vld [tilespmem:s29+$0x7EE0];
	v29 =	vadd.f32 v45, v29;
	v28 =	vadd.f32 v31, v28  }
0x176: {  	v24 =	vadd.f32 v41, v24;
	v25 =	vadd.f32 v42, v25;
	v31 =	vld [tilespmem:s29+$0x7EF0]  }
0x177: {  	v61 =	vld [tilespmem:s29+$0x7F60];
	v29 =	vadd.f32 v60, v29;
	v23 =	vadd.f32 v23, v28  }
0x178: {  	v24 =	vadd.f32 v39, v24;
	v25 =	vadd.f32 v40, v25;
	v28 =	vld [tilespmem:s29+$0x7F70]  }
0x179: {  	v22 =	vadd.f32 v22, v29;
	v29 =	vld [tilespmem:s29+$0x7FE0];
	v23 =	vadd.f32 v27, v23  }
0x17a: {  	v24 =	vadd.f32 v37, v24;
	v25 =	vadd.f32 v38, v25;
	v27 =	vld [tilespmem:s29+$0x7FF0]  }
0x17b: {  	v22 =	vadd.f32 v30, v22;
	v30 =	vld [tilespmem:s29+$0x8060];
	v23 =	vadd.f32 v31, v23  }
0x17c: {  	v24 =	vadd.f32 v35, v24;
	v25 =	vadd.f32 v36, v25;
	v31 =	vld [tilespmem:s29+$0x8070]  }
0x17d: {  	v62 =	vld [tilespmem:s29+$0x80E0];
	v22 =	vadd.f32 v61, v22;
	v23 =	vadd.f32 v28, v23  }
0x17e: {  	v21 =	vadd.f32 v21, v24;
	v24 =	vadd.f32 v26, v25;
	v25 =	vld [tilespmem:s29+$0x80F0]  }
0x17f: {  	v22 =	vadd.f32 v29, v22;
	v23 =	vadd.f32 v27, v23  }
0x180: {  	v15 =	vadd.f32 v15, v21;
	v21 =	vld [tilespmem:s29+$0x8160];
	v16 =	vadd.f32 v16, v24  }
0x181: {  	v22 =	vadd.f32 v30, v22;
	v23 =	vadd.f32 v31, v23  }
0x182: {  	v24 =	vld [tilespmem:s29+$0x8170];
	v13 =	vadd.f32 v13, v15;
	v14 =	vadd.f32 v14, v16  }
0x183: {  	v15 =	vadd.f32 v62, v22;
	v16 =	vadd.f32 v25, v23  }
0x184: {  	v11 =	vadd.f32 v11, v13;
	v12 =	vadd.f32 v12, v14  }
0x185: {  	v13 =	vadd.f32 v17, v1;
	v14 =	vadd.f32 v21, v15  }
0x186: {  	v15 =	vadd.f32 v18, v2;
	v18 =	vadd.f32 v19, v3  }
0x187: {  	v19 =	vadd.f32 v20, v4;
	v16 =	vadd.f32 v24, v16  }
0x188: {  	v17 =	vld [tilespmem:s29+$0x81E0];
	vm0 =	vlt.f32 v13, $0.0e+00;
	vm1 =	vgt.f32 v13, $0.0e+00;
	v10 =	vadd.f32 v10, v11  }
0x189: {  	s30 =	sadd.s32 @!p0 $0x3E8, s26;
	v9 =	vadd.f32 v9, v12;
	vm2 =	vlt.f32 v15, $0.0e+00;
	vm3 =	vgt.f32 v15, $0.0e+00  }
0x18a: {  	s31 =	simm.s32 @!p0 $0xC8;
	s3 =	simm.s32 @!p0 $0x7D00;
	v11 =	vld [tilespmem:s29+$0x81F0];
	s29 =	sor.u32 $0x1, s28;
	vm0 =	vmor vm1, vm0;
	vm10 =	vlt.f32 v18, $0.0e+00;
	vm11 =	vgt.f32 v18, $0.0e+00  }
0x18b: {  	[tilespmem:s3], [sflag:$0x2] =	stream.indirect.gather @!p0 [hbm4b:s1+s31], $0x80, s30, s31, $0xb8;
	vm13 =	vlt.f32 v19, $0.0e+00;
	vm14 =	vgt.f32 v19, $0.0e+00;
	vm9 =	vmor vm3, vm2;
	[tilespmem:$0x1BA00] =	vst v63  }
0x18c: {  	s31 =	sshll.u32 s29, $0x7;
	vm12 =	vmor vm11, vm10;
	v10 =	vadd.f32 v10, v5;
	vm15 =	vmor vm14, vm13  }
0x18d: {  	v9 =	vadd.f32 v9, v6;
	s3 =	sand.u32 $0x3FFFFF80, s31;
	vm0 =	vmor vm0, vm9;
	v12 =	vadd.f32 v17, v14  }
0x18e: {  	[tilespmem:s3+$0x1A900] =	vst v13;
	v13 =	vmov s29;
	vm0 =	vmor vm0, vm12;
	vm6 =	vlt.f32 v10, $0.0e+00  }
0x18f: {  	vm7 =	vgt.f32 v10, $0.0e+00;
	vm9 =	vlt.f32 v9, $0.0e+00;
	vm10 =	vgt.f32 v9, $0.0e+00  }
0x190: {  	v13 =	vand.u32 $0xFFFFFFFD, v13;
	v11 =	vadd.f32 v11, v16;
	vm0 =	vmor vm0, vm15  }
0x191: {  	[tilespmem:s3+$0x1A910] =	vst v15;
	vm8 =	vmor vm7, vm6;
	v12 =	vadd.f32 v12, v7;
	vm1 =	vmor vm10, vm9  }
0x192: {  	[tilespmem:s3+$0x1A920] =	vst v18;
	v13 =	vbroadcast v13, $0x0;
	vm0 =	vmor vm0, vm8;
	v11 =	vadd.f32 v11, v8  }
0x193: {  	[tilespmem:s3+$0x1A930] =	vst v19;
	vm0 =	vmor vm0, vm1;
	vm11 =	vlt.f32 v12, $0.0e+00;
	vm12 =	vgt.f32 v12, $0.0e+00  }
0x194: {  	[tilespmem:s3+$0x1A940] =	vst v10;
	vm1 =	vmor vm12, vm11;
	vm13 =	vlt.f32 v11, $0.0e+00;
	vm14 =	vgt.f32 v11, $0.0e+00  }
0x195: {  	[tilespmem:s3+$0x1A950] =	vst v9;
	vm0 =	vmor vm0, vm1;
	vm15 =	vmor vm14, vm13  }
0x196: {  	[tilespmem:s3+$0x1A960] =	vst v12;
	vm0 =	vmor vm0, vm15  }
0x197: {  	[tilespmem:s3+$0x1A970] =	vst v11;
	v9 =	vsel vm0, $0x1, v0  }
0x198: {  	[tilespmem:v13+s19+$0x0] =	vst.idx.add.s32.msk $0xffff, v9  }
0x199: {  	_ =	swait.ge [sflag:s21], $0x6400  }
0x19a: {  	[sflag:s21] =	ssyncset.done $0x0  }
0x19b: {  	s29 =	simm.s32 $0x0;
	[sflag:s21] =	ssyncadd.s32 $0xFFFF9C00  }
0x19c: {  	v17 =	vld [tilespmem:s29+$0xE580]  }
0x19d: {  	v18 =	vld [tilespmem:s29+$0xE590]  }
0x19e: {  	v19 =	vld [tilespmem:s29+$0xE5A0]  }
0x19f: {  	v20 =	vld [tilespmem:s29+$0xE5B0]  }
0x1a0: {  	v10 =	vld [tilespmem:s29+$0xE5C0]  }
0x1a1: {  	v9 =	vld [tilespmem:s29+$0xE5D0]  }
0x1a2: {  	v23 =	vld [tilespmem:s29+$0xE500]  }
0x1a3: {  	v27 =	vld [tilespmem:s29+$0xE510]  }
0x1a4: {  	v22 =	vld [tilespmem:s29+$0xE520]  }
0x1a5: {  	v24 =	vld [tilespmem:s29+$0xE530]  }
0x1a6: {  	v11 =	vld [tilespmem:s29+$0xE540]  }
0x1a7: {  	v12 =	vld [tilespmem:s29+$0xE550]  }
0x1a8: {  	v28 =	vld [tilespmem:s29+$0xE480]  }
0x1a9: {  	v29 =	vld [tilespmem:s29+$0xE490]  }
0x1aa: {  	v30 =	vld [tilespmem:s29+$0xE4A0]  }
0x1ab: {  	v34 =	vld [tilespmem:s29+$0xE4B0]  }
0x1ac: {  	v13 =	vld [tilespmem:s29+$0xE4C0]  }
0x1ad: {  	v14 =	vld [tilespmem:s29+$0xE4D0]  }
0x1ae: {  	v31 =	vld [tilespmem:s29+$0xE400]  }
0x1af: {  	v32 =	vld [tilespmem:s29+$0xE410]  }
0x1b0: {  	v33 =	vld [tilespmem:s29+$0xE420]  }
0x1b1: {  	v43 =	vld [tilespmem:s29+$0xE430]  }
0x1b2: {  	v15 =	vld [tilespmem:s29+$0xE440]  }
0x1b3: {  	v16 =	vld [tilespmem:s29+$0xE450]  }
0x1b4: {  	v40 =	vld [tilespmem:s29+$0xE380]  }
0x1b5: {  	v41 =	vld [tilespmem:s29+$0xE390]  }
0x1b6: {  	v42 =	vld [tilespmem:s29+$0xE3A0]  }
0x1b7: {  	v44 =	vld [tilespmem:s29+$0xE3B0]  }
0x1b8: {  	v21 =	vld [tilespmem:s29+$0xE3C0]  }
0x1b9: {  	v38 =	vld [tilespmem:s29+$0xE300]  }
0x1ba: {  	v39 =	vld [tilespmem:s29+$0xE310]  }
0x1bb: {  	v36 =	vld [tilespmem:s29+$0xE280]  }
0x1bc: {  	v63 =	vld [tilespmem:s29+$0xE290]  }
0x1bd: {  	v26 =	vld [tilespmem:s29+$0xE200]  }
0x1be: {  	v57 =	vld [tilespmem:s29+$0xE210]  }
0x1bf: {  	v58 =	vld [tilespmem:s29+$0xE180]  }
0x1c0: {  	v46 =	vld [tilespmem:s29+$0xE190]  }
0x1c1: {  	v47 =	vld [tilespmem:s29+$0xE100]  }
0x1c2: {  	v48 =	vld [tilespmem:s29+$0xE110]  }
0x1c3: {  	v49 =	vld [tilespmem:s29+$0xE120]  }
0x1c4: {  	v50 =	vld [tilespmem:s29+$0xE130]  }
0x1c5: {  	v51 =	vld [tilespmem:s29+$0xE1A0]  }
0x1c6: {  	v52 =	vld [tilespmem:s29+$0xE1B0]  }
0x1c7: {  	v25 =	vimm.f32 $0.0e+00;
	v53 =	vld [tilespmem:s29+$0xE220]  }
0x1c8: {  	v54 =	vld [tilespmem:s29+$0xE230];
	v47 =	vadd.f32 v47, v25;
	v48 =	vadd.f32 v48, v25  }
0x1c9: {  	v55 =	vld [tilespmem:s29+$0xE2A0];
	v49 =	vadd.f32 v49, v25;
	v50 =	vadd.f32 v50, v25  }
0x1ca: {  	v59 =	vld [tilespmem:s29+$0xE2B0];
	v45 =	vadd.f32 v58, v47;
	v46 =	vadd.f32 v46, v48  }
0x1cb: {  	v61 =	vld [tilespmem:s29+$0xE320];
	v60 =	vadd.f32 v51, v49;
	v50 =	vadd.f32 v52, v50  }
0x1cc: {  	v62 =	vld [tilespmem:s29+$0xE330];
	v45 =	vadd.f32 v26, v45;
	v46 =	vadd.f32 v57, v46  }
0x1cd: {  	v35 =	vld [tilespmem:s29+$0xE340];
	v48 =	vadd.f32 v53, v60;
	v50 =	vadd.f32 v54, v50  }
0x1ce: {  	v37 =	vld [tilespmem:s29+$0xE2C0];
	v45 =	vadd.f32 v36, v45;
	v46 =	vadd.f32 v63, v46  }
0x1cf: {  	v26 =	vld [tilespmem:s29+$0xE3D0];
	v48 =	vadd.f32 v55, v48;
	v47 =	vadd.f32 v59, v50  }
0x1d0: {  	v36 =	vld [tilespmem:s29+$0xE350];
	v45 =	vadd.f32 v38, v45;
	v46 =	vadd.f32 v39, v46  }
0x1d1: {  	v38 =	vld [tilespmem:s29+$0xE2D0];
	v48 =	vadd.f32 v61, v48;
	v47 =	vadd.f32 v62, v47  }
0x1d2: {  	v39 =	vld [tilespmem:s29+$0xE240];
	v45 =	vadd.f32 v40, v45;
	v46 =	vadd.f32 v41, v46  }
0x1d3: {  	v40 =	vld [tilespmem:s29+$0xE250];
	v48 =	vadd.f32 v42, v48;
	v44 =	vadd.f32 v44, v47  }
0x1d4: {  	v41 =	vld [tilespmem:s29+$0xE1C0];
	v31 =	vadd.f32 v31, v45;
	v32 =	vadd.f32 v32, v46  }
0x1d5: {  	v42 =	vld [tilespmem:s29+$0xE1D0];
	v33 =	vadd.f32 v33, v48;
	v63 =	vadd.f32 v43, v44  }
0x1d6: {  	v43 =	vld [tilespmem:s29+$0xE140];
	v31 =	vadd.f32 v28, v31;
	v32 =	vadd.f32 v29, v32  }
0x1d7: {  	v44 =	vld [tilespmem:s29+$0xE150];
	v33 =	vadd.f32 v30, v33;
	v34 =	vadd.f32 v34, v63  }
0x1d8: {  	s30 =	simm.s32 $0x1400;
	v45 =	vld [tilespmem:s29+$0xE160];
	v30 =	vimm.f32 $0.0e+00;
	v29 =	vimm.f32 $0.0e+00;
	v28 =	vimm.f32 $0.0e+00  }
.LBB2_7:
0x1d9: {  	p1 =	sne.s32 s30, $0x17C00;
	v23 =	vadd.f32 v23, v31;
	v27 =	vadd.f32 v27, v32;
	v46 =	vld [tilespmem:s29+$0xE170]  }
0x1da: {  	v22 =	vadd.f32 v22, v33;
	v24 =	vadd.f32 v24, v34;
	v47 =	vld [tilespmem:s29+$0xE1E0]  }
0x1db: {  	v32 =	vadd.f32 v17, v23;
	v33 =	vadd.f32 v18, v27;
	v17 =	vld [tilespmem:s29+$0xE1F0]  }
0x1dc: {  	v34 =	vadd.f32 v19, v22;
	v31 =	vadd.f32 v20, v24;
	v18 =	vld [tilespmem:s29+$0xE260]  }
0x1dd: {  	v19 =	vadd.f32 v43, v25;
	v20 =	vadd.f32 v44, v30;
	v22 =	vld [tilespmem:s29+$0xE270]  }
0x1de: {  	v23 =	vadd.f32 v45, v29;
	v24 =	vld [tilespmem:s29+$0xE2E0];
	v25 =	vadd.f32 v46, v28  }
0x1df: {  	v19 =	vadd.f32 v41, v19;
	v20 =	vadd.f32 v42, v20;
	v27 =	vld [tilespmem:s29+$0xE2F0]  }
0x1e0: {  	v23 =	vadd.f32 v47, v23;
	v28 =	vld [tilespmem:s29+$0xE360];
	v17 =	vadd.f32 v17, v25  }
0x1e1: {  	v19 =	vadd.f32 v39, v19;
	v20 =	vadd.f32 v40, v20;
	v25 =	vld [tilespmem:s29+$0xE370]  }
0x1e2: {  	v18 =	vadd.f32 v18, v23;
	v23 =	vld [tilespmem:s29+$0xE3E0];
	v17 =	vadd.f32 v22, v17  }
0x1e3: {  	v19 =	vadd.f32 v37, v19;
	v20 =	vadd.f32 v38, v20;
	v22 =	vld [tilespmem:s29+$0xE3F0]  }
0x1e4: {  	v18 =	vadd.f32 v24, v18;
	v24 =	vld [tilespmem:s29+$0xE460];
	v17 =	vadd.f32 v27, v17  }
0x1e5: {  	v19 =	vadd.f32 v35, v19;
	v20 =	vadd.f32 v36, v20;
	v27 =	vld [tilespmem:s29+$0xE470]  }
0x1e6: {  	v18 =	vadd.f32 v28, v18;
	v28 =	vld [tilespmem:s29+$0xE4E0];
	v17 =	vadd.f32 v25, v17  }
0x1e7: {  	v19 =	vadd.f32 v21, v19;
	v20 =	vadd.f32 v26, v20;
	v21 =	vld [tilespmem:s29+$0xE4F0]  }
0x1e8: {  	v18 =	vadd.f32 v23, v18;
	v23 =	vld [tilespmem:s29+$0xE560];
	v17 =	vadd.f32 v22, v17  }
0x1e9: {  	v15 =	vadd.f32 v15, v19;
	v16 =	vadd.f32 v16, v20;
	v20 =	vld [tilespmem:s29+$0xE570]  }
0x1ea: {  	v18 =	vadd.f32 v24, v18;
	v22 =	vld [tilespmem:s29+$0xE5E0];
	v19 =	vadd.f32 v27, v17  }
0x1eb: {  	v13 =	vadd.f32 v13, v15;
	v14 =	vadd.f32 v14, v16;
	v15 =	vld [tilespmem:s29+$0xE5F0];
	s29 =	sshra.s32 s30, $0x2  }
0x1ec: {  	v16 =	vadd.f32 v28, v18;
	v17 =	vld [tilespmem:s29+$0xE580];
	v21 =	vadd.f32 v21, v19  }
0x1ed: {  	v11 =	vadd.f32 v11, v13;
	v12 =	vadd.f32 v12, v14;
	v18 =	vld [tilespmem:s29+$0xE590]  }
0x1ee: {  	v13 =	vadd.f32 v23, v16;
	v19 =	vld [tilespmem:s29+$0xE5A0];
	v14 =	vadd.f32 v20, v21  }
0x1ef: {  	v25 =	vadd.f32 v10, v11;
	v30 =	vadd.f32 v9, v12;
	v20 =	vld [tilespmem:s29+$0xE5B0]  }
0x1f0: {  	v29 =	vadd.f32 v22, v13;
	v10 =	vld [tilespmem:s29+$0xE5C0];
	v28 =	vadd.f32 v15, v14  }
0x1f1: {  	v9 =	vld [tilespmem:s29+$0xE5D0]  }
0x1f2: {  	v23 =	vld [tilespmem:s29+$0xE500]  }
0x1f3: {  	v27 =	vld [tilespmem:s29+$0xE510]  }
0x1f4: {  	v22 =	vld [tilespmem:s29+$0xE520]  }
0x1f5: {  	v24 =	vld [tilespmem:s29+$0xE530]  }
0x1f6: {  	v11 =	vld [tilespmem:s29+$0xE540]  }
0x1f7: {  	v12 =	vld [tilespmem:s29+$0xE550]  }
0x1f8: {  	v44 =	vld [tilespmem:s29+$0xE480]  }
0x1f9: {  	v45 =	vld [tilespmem:s29+$0xE490]  }
0x1fa: {  	v46 =	vld [tilespmem:s29+$0xE4A0]  }
0x1fb: {  	v47 =	vld [tilespmem:s29+$0xE4B0]  }
0x1fc: {  	v13 =	vld [tilespmem:s29+$0xE4C0]  }
0x1fd: {  	v14 =	vld [tilespmem:s29+$0xE4D0]  }
0x1fe: {  	v42 =	vld [tilespmem:s29+$0xE400]  }
0x1ff: {  	v43 =	vld [tilespmem:s29+$0xE410]  }
0x200: {  	v48 =	vld [tilespmem:s29+$0xE420]  }
0x201: {  	v49 =	vld [tilespmem:s29+$0xE430]  }
0x202: {  	v15 =	vld [tilespmem:s29+$0xE440]  }
0x203: {  	v16 =	vld [tilespmem:s29+$0xE450]  }
0x204: {  	v40 =	vld [tilespmem:s29+$0xE380]  }
0x205: {  	v41 =	vld [tilespmem:s29+$0xE390]  }
0x206: {  	v50 =	vld [tilespmem:s29+$0xE3A0]  }
0x207: {  	v51 =	vld [tilespmem:s29+$0xE3B0]  }
0x208: {  	v21 =	vld [tilespmem:s29+$0xE3C0]  }
0x209: {  	v26 =	vld [tilespmem:s29+$0xE3D0]  }
0x20a: {  	v38 =	vld [tilespmem:s29+$0xE300]  }
0x20b: {  	v39 =	vld [tilespmem:s29+$0xE310]  }
0x20c: {  	v36 =	vld [tilespmem:s29+$0xE280]  }
0x20d: {  	v37 =	vld [tilespmem:s29+$0xE290]  }
0x20e: {  	v35 =	vld [tilespmem:s29+$0xE200]  }
0x20f: {  	v52 =	vld [tilespmem:s29+$0xE210]  }
0x210: {  	v53 =	vld [tilespmem:s29+$0xE180]  }
0x211: {  	v54 =	vld [tilespmem:s29+$0xE190]  }
0x212: {  	v55 =	vld [tilespmem:s29+$0xE100]  }
0x213: {  	v56 =	vld [tilespmem:s29+$0xE110]  }
0x214: {  	v57 =	vld [tilespmem:s29+$0xE120]  }
0x215: {  	v58 =	vld [tilespmem:s29+$0xE130]  }
0x216: {  	v59 =	vld [tilespmem:s29+$0xE1A0]  }
0x217: {  	v60 =	vld [tilespmem:s29+$0xE1B0]  }
0x218: {  	v61 =	vld [tilespmem:s29+$0xE220]  }
0x219: {  	v32 =	vadd.f32 v55, v32;
	v33 =	vadd.f32 v56, v33;
	v55 =	vld [tilespmem:s29+$0xE230]  }
0x21a: {  	v34 =	vadd.f32 v57, v34;
	v56 =	vld [tilespmem:s29+$0xE2A0];
	v31 =	vadd.f32 v58, v31  }
0x21b: {  	v32 =	vadd.f32 v53, v32;
	v33 =	vadd.f32 v54, v33;
	v53 =	vld [tilespmem:s29+$0xE2B0]  }
0x21c: {  	v34 =	vadd.f32 v59, v34;
	v54 =	vld [tilespmem:s29+$0xE320];
	v31 =	vadd.f32 v60, v31  }
0x21d: {  	v32 =	vadd.f32 v35, v32;
	v33 =	vadd.f32 v52, v33;
	v52 =	vld [tilespmem:s29+$0xE330]  }
0x21e: {  	v34 =	vadd.f32 v61, v34;
	v31 =	vadd.f32 v55, v31;
	v35 =	vld [tilespmem:s29+$0xE340]  }
0x21f: {  	v32 =	vadd.f32 v36, v32;
	v33 =	vadd.f32 v37, v33;
	v36 =	vld [tilespmem:s29+$0xE350]  }
0x220: {  	v34 =	vadd.f32 v56, v34;
	v31 =	vadd.f32 v53, v31;
	v37 =	vld [tilespmem:s29+$0xE2C0]  }
0x221: {  	v32 =	vadd.f32 v38, v32;
	v33 =	vadd.f32 v39, v33;
	v38 =	vld [tilespmem:s29+$0xE2D0]  }
0x222: {  	v34 =	vadd.f32 v54, v34;
	v31 =	vadd.f32 v52, v31;
	v39 =	vld [tilespmem:s29+$0xE240]  }
0x223: {  	v32 =	vadd.f32 v40, v32;
	v33 =	vadd.f32 v41, v33;
	v40 =	vld [tilespmem:s29+$0xE250]  }
.Ltmp2:
0x224: {  	v34 =	vadd.f32 v50, v34;
	v31 =	vadd.f32 v51, v31;
	v41 =	vld [tilespmem:s29+$0xE1C0];
	(pc) =	sbr.rel @p1 .LBB2_7-.Ltmp2, $4  }
0x225: {  	v32 =	vadd.f32 v42, v32;
	v33 =	vadd.f32 v43, v33;
	v42 =	vld [tilespmem:s29+$0xE1D0]  }
0x226: {  	v34 =	vadd.f32 v48, v34;
	v48 =	vadd.f32 v49, v31;
	v43 =	vld [tilespmem:s29+$0xE140]  }
0x227: {  	v31 =	vadd.f32 v44, v32;
	v32 =	vadd.f32 v45, v33;
	v44 =	vld [tilespmem:s29+$0xE150]  }
0x228: {  	s30 =	sadd.s32 $0x1400, s30;
	v33 =	vadd.f32 v46, v34;
	v34 =	vadd.f32 v47, v48;
	v45 =	vld [tilespmem:s29+$0xE160]  }
0x229: {  	v23 =	vadd.f32 v23, v31;
	v27 =	vadd.f32 v27, v32;
	v31 =	vld [tilespmem:s29+$0xE170]  }
0x22a: {  	v60 =	vld [tilespmem:s29+$0xE1E0];
	v22 =	vadd.f32 v22, v33;
	v24 =	vadd.f32 v24, v34  }
0x22b: {  	v17 =	vadd.f32 v17, v23;
	v18 =	vadd.f32 v18, v27;
	v23 =	vld [tilespmem:s29+$0xE1F0]  }
0x22c: {  	v27 =	vld [tilespmem:s29+$0xE270];
	v19 =	vadd.f32 v19, v22;
	v20 =	vadd.f32 v20, v24  }
0x22d: {  	v22 =	vld [tilespmem:s29+$0xE260];
	v24 =	vadd.f32 v43, v25;
	v25 =	vadd.f32 v44, v30  }
0x22e: {  	v30 =	vld [tilespmem:s29+$0xE2E0];
	v29 =	vadd.f32 v45, v29;
	v28 =	vadd.f32 v31, v28  }
0x22f: {  	v24 =	vadd.f32 v41, v24;
	v25 =	vadd.f32 v42, v25;
	v31 =	vld [tilespmem:s29+$0xE2F0]  }
0x230: {  	v61 =	vld [tilespmem:s29+$0xE360];
	v29 =	vadd.f32 v60, v29;
	v23 =	vadd.f32 v23, v28  }
0x231: {  	v24 =	vadd.f32 v39, v24;
	v25 =	vadd.f32 v40, v25;
	v28 =	vld [tilespmem:s29+$0xE370]  }
0x232: {  	v22 =	vadd.f32 v22, v29;
	v29 =	vld [tilespmem:s29+$0xE3E0];
	v23 =	vadd.f32 v27, v23  }
0x233: {  	v24 =	vadd.f32 v37, v24;
	v25 =	vadd.f32 v38, v25;
	v27 =	vld [tilespmem:s29+$0xE3F0]  }
0x234: {  	v22 =	vadd.f32 v30, v22;
	v30 =	vld [tilespmem:s29+$0xE460];
	v23 =	vadd.f32 v31, v23  }
0x235: {  	v24 =	vadd.f32 v35, v24;
	v25 =	vadd.f32 v36, v25;
	v31 =	vld [tilespmem:s29+$0xE470]  }
0x236: {  	v62 =	vld [tilespmem:s29+$0xE4E0];
	v22 =	vadd.f32 v61, v22;
	v23 =	vadd.f32 v28, v23  }
0x237: {  	v21 =	vadd.f32 v21, v24;
	v24 =	vadd.f32 v26, v25;
	v25 =	vld [tilespmem:s29+$0xE4F0]  }
0x238: {  	v22 =	vadd.f32 v29, v22;
	v23 =	vadd.f32 v27, v23  }
0x239: {  	v15 =	vadd.f32 v15, v21;
	v21 =	vld [tilespmem:s29+$0xE560];
	v16 =	vadd.f32 v16, v24  }
0x23a: {  	v22 =	vadd.f32 v30, v22;
	v23 =	vadd.f32 v31, v23  }
0x23b: {  	v24 =	vld [tilespmem:s29+$0xE570];
	v13 =	vadd.f32 v13, v15;
	v14 =	vadd.f32 v14, v16  }
0x23c: {  	v15 =	vadd.f32 v62, v22;
	v16 =	vadd.f32 v25, v23  }
0x23d: {  	v11 =	vadd.f32 v11, v13;
	v12 =	vadd.f32 v12, v14  }
0x23e: {  	v13 =	vadd.f32 v17, v1;
	v14 =	vadd.f32 v21, v15  }
0x23f: {  	v15 =	vadd.f32 v18, v2;
	v18 =	vadd.f32 v19, v3  }
0x240: {  	v19 =	vadd.f32 v20, v4;
	v16 =	vadd.f32 v24, v16  }
0x241: {  	v17 =	vld [tilespmem:s29+$0xE5E0];
	vm0 =	vlt.f32 v13, $0.0e+00;
	vm1 =	vgt.f32 v13, $0.0e+00;
	v10 =	vadd.f32 v10, v11  }
0x242: {  	s3 =	sor.u32 $0x2, s28;
	v9 =	vadd.f32 v9, v12;
	vm2 =	vlt.f32 v15, $0.0e+00;
	vm3 =	vgt.f32 v15, $0.0e+00  }
0x243: {  	s30 =	simm.s32 @!p0 $0xC8;
	s31 =	simm.s32 @!p0 $0xE100;
	v11 =	vld [tilespmem:s29+$0xE5F0];
	s29 =	sadd.s32 @!p0 $0x4B0, s26;
	vm0 =	vmor vm1, vm0;
	vm10 =	vlt.f32 v18, $0.0e+00;
	vm11 =	vgt.f32 v18, $0.0e+00  }
0x244: {  	vm13 =	vlt.f32 v19, $0.0e+00;
	vm14 =	vgt.f32 v19, $0.0e+00;
	[tilespmem:s31], [sflag:$0x3] =	stream.indirect.gather @!p0 [hbm4b:s1+s30], $0x80, s29, s30, $0xb8;
	vm9 =	vmor vm3, vm2;
	[tilespmem:$0x1BA00] =	vst v63  }
0x245: {  	s29 =	sshll.u32 s3, $0x7;
	vm12 =	vmor vm11, vm10;
	v10 =	vadd.f32 v10, v5;
	vm15 =	vmor vm14, vm13  }
0x246: {  	v9 =	vadd.f32 v9, v6;
	s29 =	sand.u32 $0x3FFFFF80, s29;
	vm0 =	vmor vm0, vm9;
	v12 =	vadd.f32 v17, v14  }
0x247: {  	[tilespmem:s29+$0x1A900] =	vst v13;
	v13 =	vmov s3;
	vm0 =	vmor vm0, vm12;
	vm6 =	vlt.f32 v10, $0.0e+00  }
0x248: {  	vm7 =	vgt.f32 v10, $0.0e+00;
	vm9 =	vlt.f32 v9, $0.0e+00;
	vm10 =	vgt.f32 v9, $0.0e+00  }
0x249: {  	v13 =	vand.u32 $0xFFFFFFFE, v13;
	v11 =	vadd.f32 v11, v16;
	vm0 =	vmor vm0, vm15  }
0x24a: {  	[tilespmem:s29+$0x1A910] =	vst v15;
	vm8 =	vmor vm7, vm6;
	v12 =	vadd.f32 v12, v7;
	vm1 =	vmor vm10, vm9  }
0x24b: {  	[tilespmem:s29+$0x1A920] =	vst v18;
	v13 =	vbroadcast v13, $0x0;
	vm0 =	vmor vm0, vm8;
	v11 =	vadd.f32 v11, v8  }
0x24c: {  	[tilespmem:s29+$0x1A930] =	vst v19;
	vm0 =	vmor vm0, vm1;
	vm11 =	vlt.f32 v12, $0.0e+00;
	vm12 =	vgt.f32 v12, $0.0e+00  }
0x24d: {  	[tilespmem:s29+$0x1A940] =	vst v10;
	vm1 =	vmor vm12, vm11;
	vm13 =	vlt.f32 v11, $0.0e+00;
	vm14 =	vgt.f32 v11, $0.0e+00  }
0x24e: {  	[tilespmem:s29+$0x1A950] =	vst v9;
	vm0 =	vmor vm0, vm1;
	vm15 =	vmor vm14, vm13  }
0x24f: {  	[tilespmem:s29+$0x1A960] =	vst v12;
	vm0 =	vmor vm0, vm15  }
0x250: {  	[tilespmem:s29+$0x1A970] =	vst v11;
	v9 =	vsel vm0, $0x1, v0  }
0x251: {  	[tilespmem:v13+s19+$0x0] =	vst.idx.add.s32.msk $0xffff, v9  }
0x252: {  	_ =	swait.ge [sflag:s22], $0x6400  }
0x253: {  	[sflag:s22] =	ssyncset.done $0x0  }
0x254: {  	s29 =	simm.s32 $0x0;
	[sflag:s22] =	ssyncadd.s32 $0xFFFF9C00  }
0x255: {  	v17 =	vld [tilespmem:s29+$0x14980]  }
0x256: {  	v18 =	vld [tilespmem:s29+$0x14990]  }
0x257: {  	v19 =	vld [tilespmem:s29+$0x149A0]  }
0x258: {  	v20 =	vld [tilespmem:s29+$0x149B0]  }
0x259: {  	v9 =	vld [tilespmem:s29+$0x149C0]  }
0x25a: {  	v10 =	vld [tilespmem:s29+$0x149D0]  }
0x25b: {  	v23 =	vld [tilespmem:s29+$0x14900]  }
0x25c: {  	v27 =	vld [tilespmem:s29+$0x14910]  }
0x25d: {  	v22 =	vld [tilespmem:s29+$0x14920]  }
0x25e: {  	v24 =	vld [tilespmem:s29+$0x14930]  }
0x25f: {  	v11 =	vld [tilespmem:s29+$0x14940]  }
0x260: {  	v12 =	vld [tilespmem:s29+$0x14950]  }
0x261: {  	v28 =	vld [tilespmem:s29+$0x14880]  }
0x262: {  	v29 =	vld [tilespmem:s29+$0x14890]  }
0x263: {  	v30 =	vld [tilespmem:s29+$0x148A0]  }
0x264: {  	v34 =	vld [tilespmem:s29+$0x148B0]  }
0x265: {  	v13 =	vld [tilespmem:s29+$0x148C0]  }
0x266: {  	v14 =	vld [tilespmem:s29+$0x148D0]  }
0x267: {  	v31 =	vld [tilespmem:s29+$0x14800]  }
0x268: {  	v32 =	vld [tilespmem:s29+$0x14810]  }
0x269: {  	v33 =	vld [tilespmem:s29+$0x14820]  }
0x26a: {  	v43 =	vld [tilespmem:s29+$0x14830]  }
0x26b: {  	v15 =	vld [tilespmem:s29+$0x14840]  }
0x26c: {  	v16 =	vld [tilespmem:s29+$0x14850]  }
0x26d: {  	v40 =	vld [tilespmem:s29+$0x14780]  }
0x26e: {  	v41 =	vld [tilespmem:s29+$0x14790]  }
0x26f: {  	v42 =	vld [tilespmem:s29+$0x147A0]  }
0x270: {  	v44 =	vld [tilespmem:s29+$0x147B0]  }
0x271: {  	v21 =	vld [tilespmem:s29+$0x147C0]  }
0x272: {  	v38 =	vld [tilespmem:s29+$0x14700]  }
0x273: {  	v39 =	vld [tilespmem:s29+$0x14710]  }
0x274: {  	v36 =	vld [tilespmem:s29+$0x14680]  }
0x275: {  	v63 =	vld [tilespmem:s29+$0x14690]  }
0x276: {  	v26 =	vld [tilespmem:s29+$0x14600]  }
0x277: {  	v57 =	vld [tilespmem:s29+$0x14610]  }
0x278: {  	v58 =	vld [tilespmem:s29+$0x14580]  }
0x279: {  	v46 =	vld [tilespmem:s29+$0x14590]  }
0x27a: {  	v47 =	vld [tilespmem:s29+$0x14500]  }
0x27b: {  	v48 =	vld [tilespmem:s29+$0x14510]  }
0x27c: {  	v49 =	vld [tilespmem:s29+$0x14520]  }
0x27d: {  	v50 =	vld [tilespmem:s29+$0x14530]  }
0x27e: {  	v51 =	vld [tilespmem:s29+$0x145A0]  }
0x27f: {  	v52 =	vld [tilespmem:s29+$0x145B0]  }
0x280: {  	v25 =	vimm.f32 $0.0e+00;
	v53 =	vld [tilespmem:s29+$0x14620]  }
0x281: {  	v54 =	vld [tilespmem:s29+$0x14630];
	v47 =	vadd.f32 v47, v25;
	v48 =	vadd.f32 v48, v25  }
0x282: {  	v55 =	vld [tilespmem:s29+$0x146A0];
	v49 =	vadd.f32 v49, v25;
	v50 =	vadd.f32 v50, v25  }
0x283: {  	v59 =	vld [tilespmem:s29+$0x146B0];
	v45 =	vadd.f32 v58, v47;
	v46 =	vadd.f32 v46, v48  }
0x284: {  	v61 =	vld [tilespmem:s29+$0x14720];
	v60 =	vadd.f32 v51, v49;
	v50 =	vadd.f32 v52, v50  }
0x285: {  	v62 =	vld [tilespmem:s29+$0x14730];
	v45 =	vadd.f32 v26, v45;
	v46 =	vadd.f32 v57, v46  }
0x286: {  	v35 =	vld [tilespmem:s29+$0x14740];
	v48 =	vadd.f32 v53, v60;
	v50 =	vadd.f32 v54, v50  }
0x287: {  	v37 =	vld [tilespmem:s29+$0x146C0];
	v45 =	vadd.f32 v36, v45;
	v46 =	vadd.f32 v63, v46  }
0x288: {  	v26 =	vld [tilespmem:s29+$0x147D0];
	v48 =	vadd.f32 v55, v48;
	v47 =	vadd.f32 v59, v50  }
0x289: {  	v36 =	vld [tilespmem:s29+$0x14750];
	v45 =	vadd.f32 v38, v45;
	v46 =	vadd.f32 v39, v46  }
0x28a: {  	v38 =	vld [tilespmem:s29+$0x146D0];
	v48 =	vadd.f32 v61, v48;
	v47 =	vadd.f32 v62, v47  }
0x28b: {  	v39 =	vld [tilespmem:s29+$0x14640];
	v45 =	vadd.f32 v40, v45;
	v46 =	vadd.f32 v41, v46  }
0x28c: {  	v40 =	vld [tilespmem:s29+$0x14650];
	v48 =	vadd.f32 v42, v48;
	v44 =	vadd.f32 v44, v47  }
0x28d: {  	v41 =	vld [tilespmem:s29+$0x145C0];
	v31 =	vadd.f32 v31, v45;
	v32 =	vadd.f32 v32, v46  }
0x28e: {  	v42 =	vld [tilespmem:s29+$0x145D0];
	v33 =	vadd.f32 v33, v48;
	v63 =	vadd.f32 v43, v44  }
0x28f: {  	v43 =	vld [tilespmem:s29+$0x14540];
	v31 =	vadd.f32 v28, v31;
	v32 =	vadd.f32 v29, v32  }
0x290: {  	v44 =	vld [tilespmem:s29+$0x14550];
	v33 =	vadd.f32 v30, v33;
	v34 =	vadd.f32 v34, v63  }
0x291: {  	s30 =	simm.s32 $0x1400;
	v45 =	vld [tilespmem:s29+$0x14560];
	v30 =	vimm.f32 $0.0e+00;
	v29 =	vimm.f32 $0.0e+00;
	v28 =	vimm.f32 $0.0e+00  }
.LBB2_9:
0x292: {  	p1 =	sne.s32 s30, $0x17C00;
	v23 =	vadd.f32 v23, v31;
	v27 =	vadd.f32 v27, v32;
	v46 =	vld [tilespmem:s29+$0x14570]  }
0x293: {  	v22 =	vadd.f32 v22, v33;
	v24 =	vadd.f32 v24, v34;
	v47 =	vld [tilespmem:s29+$0x145E0]  }
0x294: {  	v32 =	vadd.f32 v17, v23;
	v33 =	vadd.f32 v18, v27;
	v17 =	vld [tilespmem:s29+$0x145F0]  }
0x295: {  	v34 =	vadd.f32 v19, v22;
	v31 =	vadd.f32 v20, v24;
	v18 =	vld [tilespmem:s29+$0x14660]  }
0x296: {  	v19 =	vadd.f32 v43, v25;
	v20 =	vadd.f32 v44, v30;
	v22 =	vld [tilespmem:s29+$0x14670]  }
0x297: {  	v23 =	vadd.f32 v45, v29;
	v24 =	vld [tilespmem:s29+$0x146E0];
	v25 =	vadd.f32 v46, v28  }
0x298: {  	v19 =	vadd.f32 v41, v19;
	v20 =	vadd.f32 v42, v20;
	v27 =	vld [tilespmem:s29+$0x146F0]  }
0x299: {  	v23 =	vadd.f32 v47, v23;
	v28 =	vld [tilespmem:s29+$0x14760];
	v17 =	vadd.f32 v17, v25  }
0x29a: {  	v19 =	vadd.f32 v39, v19;
	v20 =	vadd.f32 v40, v20;
	v25 =	vld [tilespmem:s29+$0x14770]  }
0x29b: {  	v18 =	vadd.f32 v18, v23;
	v23 =	vld [tilespmem:s29+$0x147E0];
	v17 =	vadd.f32 v22, v17  }
0x29c: {  	v19 =	vadd.f32 v37, v19;
	v20 =	vadd.f32 v38, v20;
	v22 =	vld [tilespmem:s29+$0x147F0]  }
0x29d: {  	v18 =	vadd.f32 v24, v18;
	v24 =	vld [tilespmem:s29+$0x14860];
	v17 =	vadd.f32 v27, v17  }
0x29e: {  	v19 =	vadd.f32 v35, v19;
	v20 =	vadd.f32 v36, v20;
	v27 =	vld [tilespmem:s29+$0x14870]  }
0x29f: {  	v18 =	vadd.f32 v28, v18;
	v28 =	vld [tilespmem:s29+$0x148E0];
	v17 =	vadd.f32 v25, v17  }
0x2a0: {  	v19 =	vadd.f32 v21, v19;
	v20 =	vadd.f32 v26, v20;
	v21 =	vld [tilespmem:s29+$0x148F0]  }
0x2a1: {  	v18 =	vadd.f32 v23, v18;
	v23 =	vld [tilespmem:s29+$0x14960];
	v17 =	vadd.f32 v22, v17  }
0x2a2: {  	v15 =	vadd.f32 v15, v19;
	v16 =	vadd.f32 v16, v20;
	v20 =	vld [tilespmem:s29+$0x14970]  }
0x2a3: {  	v18 =	vadd.f32 v24, v18;
	v22 =	vld [tilespmem:s29+$0x149E0];
	v19 =	vadd.f32 v27, v17  }
0x2a4: {  	v13 =	vadd.f32 v13, v15;
	v14 =	vadd.f32 v14, v16;
	v15 =	vld [tilespmem:s29+$0x149F0];
	s29 =	sshra.s32 s30, $0x2  }
0x2a5: {  	v16 =	vadd.f32 v28, v18;
	v17 =	vld [tilespmem:s29+$0x14980];
	v21 =	vadd.f32 v21, v19  }
0x2a6: {  	v11 =	vadd.f32 v11, v13;
	v12 =	vadd.f32 v12, v14;
	v18 =	vld [tilespmem:s29+$0x14990]  }
0x2a7: {  	v13 =	vadd.f32 v23, v16;
	v19 =	vld [tilespmem:s29+$0x149A0];
	v14 =	vadd.f32 v20, v21  }
0x2a8: {  	v25 =	vadd.f32 v9, v11;
	v30 =	vadd.f32 v10, v12;
	v20 =	vld [tilespmem:s29+$0x149B0]  }
0x2a9: {  	v29 =	vadd.f32 v22, v13;
	v9 =	vld [tilespmem:s29+$0x149C0];
	v28 =	vadd.f32 v15, v14  }
0x2aa: {  	v10 =	vld [tilespmem:s29+$0x149D0]  }
0x2ab: {  	v23 =	vld [tilespmem:s29+$0x14900]  }
0x2ac: {  	v27 =	vld [tilespmem:s29+$0x14910]  }
0x2ad: {  	v22 =	vld [tilespmem:s29+$0x14920]  }
0x2ae: {  	v24 =	vld [tilespmem:s29+$0x14930]  }
0x2af: {  	v11 =	vld [tilespmem:s29+$0x14940]  }
0x2b0: {  	v12 =	vld [tilespmem:s29+$0x14950]  }
0x2b1: {  	v44 =	vld [tilespmem:s29+$0x14880]  }
0x2b2: {  	v45 =	vld [tilespmem:s29+$0x14890]  }
0x2b3: {  	v46 =	vld [tilespmem:s29+$0x148A0]  }
0x2b4: {  	v47 =	vld [tilespmem:s29+$0x148B0]  }
0x2b5: {  	v13 =	vld [tilespmem:s29+$0x148C0]  }
0x2b6: {  	v14 =	vld [tilespmem:s29+$0x148D0]  }
0x2b7: {  	v42 =	vld [tilespmem:s29+$0x14800]  }
0x2b8: {  	v43 =	vld [tilespmem:s29+$0x14810]  }
0x2b9: {  	v48 =	vld [tilespmem:s29+$0x14820]  }
0x2ba: {  	v49 =	vld [tilespmem:s29+$0x14830]  }
0x2bb: {  	v15 =	vld [tilespmem:s29+$0x14840]  }
0x2bc: {  	v16 =	vld [tilespmem:s29+$0x14850]  }
0x2bd: {  	v40 =	vld [tilespmem:s29+$0x14780]  }
0x2be: {  	v41 =	vld [tilespmem:s29+$0x14790]  }
0x2bf: {  	v50 =	vld [tilespmem:s29+$0x147A0]  }
0x2c0: {  	v51 =	vld [tilespmem:s29+$0x147B0]  }
0x2c1: {  	v21 =	vld [tilespmem:s29+$0x147C0]  }
0x2c2: {  	v26 =	vld [tilespmem:s29+$0x147D0]  }
0x2c3: {  	v38 =	vld [tilespmem:s29+$0x14700]  }
0x2c4: {  	v39 =	vld [tilespmem:s29+$0x14710]  }
0x2c5: {  	v36 =	vld [tilespmem:s29+$0x14680]  }
0x2c6: {  	v37 =	vld [tilespmem:s29+$0x14690]  }
0x2c7: {  	v35 =	vld [tilespmem:s29+$0x14600]  }
0x2c8: {  	v52 =	vld [tilespmem:s29+$0x14610]  }
0x2c9: {  	v53 =	vld [tilespmem:s29+$0x14580]  }
0x2ca: {  	v54 =	vld [tilespmem:s29+$0x14590]  }
0x2cb: {  	v55 =	vld [tilespmem:s29+$0x14500]  }
0x2cc: {  	v56 =	vld [tilespmem:s29+$0x14510]  }
0x2cd: {  	v57 =	vld [tilespmem:s29+$0x14520]  }
0x2ce: {  	v58 =	vld [tilespmem:s29+$0x14530]  }
0x2cf: {  	v59 =	vld [tilespmem:s29+$0x145A0]  }
0x2d0: {  	v60 =	vld [tilespmem:s29+$0x145B0]  }
0x2d1: {  	v61 =	vld [tilespmem:s29+$0x14620]  }
0x2d2: {  	v32 =	vadd.f32 v55, v32;
	v33 =	vadd.f32 v56, v33;
	v55 =	vld [tilespmem:s29+$0x14630]  }
0x2d3: {  	v34 =	vadd.f32 v57, v34;
	v56 =	vld [tilespmem:s29+$0x146A0];
	v31 =	vadd.f32 v58, v31  }
0x2d4: {  	v32 =	vadd.f32 v53, v32;
	v33 =	vadd.f32 v54, v33;
	v53 =	vld [tilespmem:s29+$0x146B0]  }
0x2d5: {  	v34 =	vadd.f32 v59, v34;
	v54 =	vld [tilespmem:s29+$0x14720];
	v31 =	vadd.f32 v60, v31  }
0x2d6: {  	v32 =	vadd.f32 v35, v32;
	v33 =	vadd.f32 v52, v33;
	v52 =	vld [tilespmem:s29+$0x14730]  }
0x2d7: {  	v34 =	vadd.f32 v61, v34;
	v31 =	vadd.f32 v55, v31;
	v35 =	vld [tilespmem:s29+$0x14740]  }
0x2d8: {  	v32 =	vadd.f32 v36, v32;
	v33 =	vadd.f32 v37, v33;
	v36 =	vld [tilespmem:s29+$0x14750]  }
0x2d9: {  	v34 =	vadd.f32 v56, v34;
	v31 =	vadd.f32 v53, v31;
	v37 =	vld [tilespmem:s29+$0x146C0]  }
0x2da: {  	v32 =	vadd.f32 v38, v32;
	v33 =	vadd.f32 v39, v33;
	v38 =	vld [tilespmem:s29+$0x146D0]  }
0x2db: {  	v34 =	vadd.f32 v54, v34;
	v31 =	vadd.f32 v52, v31;
	v39 =	vld [tilespmem:s29+$0x14640]  }
0x2dc: {  	v32 =	vadd.f32 v40, v32;
	v33 =	vadd.f32 v41, v33;
	v40 =	vld [tilespmem:s29+$0x14650]  }
.Ltmp3:
0x2dd: {  	v34 =	vadd.f32 v50, v34;
	v31 =	vadd.f32 v51, v31;
	v41 =	vld [tilespmem:s29+$0x145C0];
	(pc) =	sbr.rel @p1 .LBB2_9-.Ltmp3, $4  }
0x2de: {  	v32 =	vadd.f32 v42, v32;
	v33 =	vadd.f32 v43, v33;
	v42 =	vld [tilespmem:s29+$0x145D0]  }
0x2df: {  	v34 =	vadd.f32 v48, v34;
	v48 =	vadd.f32 v49, v31;
	v43 =	vld [tilespmem:s29+$0x14540]  }
0x2e0: {  	v31 =	vadd.f32 v44, v32;
	v32 =	vadd.f32 v45, v33;
	v44 =	vld [tilespmem:s29+$0x14550]  }
0x2e1: {  	s30 =	sadd.s32 $0x1400, s30;
	v33 =	vadd.f32 v46, v34;
	v34 =	vadd.f32 v47, v48;
	v45 =	vld [tilespmem:s29+$0x14560]  }
0x2e2: {  	v23 =	vadd.f32 v23, v31  }
0x2e3: {  	v27 =	vadd.f32 v27, v32;
	v56 =	vld [tilespmem:s29+$0x14570];
	v22 =	vadd.f32 v22, v33  }
0x2e4: {  	v24 =	vadd.f32 v24, v34;
	v17 =	vadd.f32 v17, v23  }
0x2e5: {  	v57 =	vld [tilespmem:s29+$0x145E0];
	v18 =	vadd.f32 v18, v27;
	v60 =	vadd.f32 v43, v25  }
0x2e6: {  	v58 =	vld [tilespmem:s29+$0x145F0];
	v19 =	vadd.f32 v19, v22;
	v20 =	vadd.f32 v20, v24  }
0x2e7: {  	v61 =	vadd.f32 v44, v30;
	v29 =	vadd.f32 v45, v29  }
0x2e8: {  	v59 =	vld [tilespmem:s29+$0x14660];
	v24 =	vadd.f32 v41, v60;
	v28 =	vadd.f32 v56, v28  }
0x2e9: {  	v62 =	vld [tilespmem:s29+$0x14670];
	v25 =	vadd.f32 v42, v61;
	v60 =	vadd.f32 v19, v3  }
0x2ea: {  	v63 =	vld [tilespmem:s29+$0x146E0];
	v61 =	vadd.f32 v20, v4;
	v29 =	vadd.f32 v57, v29  }
0x2eb: {  	v41 =	vld [tilespmem:s29+$0x146F0];
	v24 =	vadd.f32 v39, v24;
	v23 =	vadd.f32 v58, v28  }
0x2ec: {  	v42 =	vld [tilespmem:s29+$0x14760];
	v25 =	vadd.f32 v40, v25;
	v58 =	vadd.f32 v17, v1  }
0x2ed: {  	v43 =	vld [tilespmem:s29+$0x14770];
	v22 =	vadd.f32 v59, v29;
	v24 =	vadd.f32 v37, v24  }
0x2ee: {  	v44 =	vld [tilespmem:s29+$0x147E0];
	v23 =	vadd.f32 v62, v23;
	v25 =	vadd.f32 v38, v25  }
0x2ef: {  	v45 =	vld [tilespmem:s29+$0x147F0];
	v22 =	vadd.f32 v63, v22;
	v24 =	vadd.f32 v35, v24  }
0x2f0: {  	v46 =	vld [tilespmem:s29+$0x14860];
	v23 =	vadd.f32 v41, v23;
	v25 =	vadd.f32 v36, v25  }
0x2f1: {  	v47 =	vld [tilespmem:s29+$0x14870];
	v22 =	vadd.f32 v42, v22;
	v21 =	vadd.f32 v21, v24  }
0x2f2: {  	v48 =	vld [tilespmem:s29+$0x148E0];
	vm11 =	vlt.f32 v60, $0.0e+00;
	v23 =	vadd.f32 v43, v23;
	v49 =	vadd.f32 v26, v25  }
0x2f3: {  	v50 =	vld [tilespmem:s29+$0x148F0];
	vm12 =	vgt.f32 v60, $0.0e+00;
	v22 =	vadd.f32 v44, v22;
	v15 =	vadd.f32 v15, v21  }
0x2f4: {  	vm14 =	vlt.f32 v61, $0.0e+00;
	v23 =	vadd.f32 v45, v23;
	v16 =	vadd.f32 v16, v49  }
0x2f5: {  	v51 =	vld [tilespmem:s29+$0x14960];
	vm15 =	vgt.f32 v61, $0.0e+00;
	v22 =	vadd.f32 v46, v22;
	v13 =	vadd.f32 v13, v15  }
0x2f6: {  	v52 =	vld [tilespmem:s29+$0x14970];
	vm13 =	vmor vm12, vm11;
	v23 =	vadd.f32 v47, v23;
	v14 =	vadd.f32 v14, v16  }
0x2f7: {  	v55 =	vld [tilespmem:s29+$0x149E0];
	vm5 =	vmor vm15, vm14;
	v53 =	vadd.f32 v48, v22;
	v11 =	vadd.f32 v11, v13  }
0x2f8: {  	v59 =	vld [tilespmem:s29+$0x149F0];
	vm0 =	vlt.f32 v58, $0.0e+00;
	v54 =	vadd.f32 v50, v23;
	v12 =	vadd.f32 v12, v14  }
0x2f9: {  	s3 =	sor.u32 $0x3, s28;
	vm1 =	vgt.f32 v58, $0.0e+00;
	v9 =	vadd.f32 v9, v11;
	v11 =	vadd.f32 v18, v2  }
0x2fa: {  	vm0 =	vmor vm1, vm0;
	v63 =	vmov s3;
	v56 =	vadd.f32 v51, v53  }
0x2fb: {  	s26 =	sadd.s32 @!p0 $0x578, s26;
	v57 =	vadd.f32 v52, v54;
	v10 =	vadd.f32 v10, v12;
	vm2 =	vlt.f32 v11, $0.0e+00  }
0x2fc: {  	s28 =	simm.s32 @!p0 $0xC8;
	s31 =	sshll.u32 s3, $0x7;
	s29 =	simm.s32 @!p0 $0x14500;
	vm3 =	vgt.f32 v11, $0.0e+00;
	v13 =	vadd.f32 v55, v56;
	v9 =	vadd.f32 v9, v5  }
0x2fd: {  	[tilespmem:s29], [sflag:$0x4] =	stream.indirect.gather @!p0 [hbm4b:s1+s28], $0x80, s26, s28, $0xb8;
	vm10 =	vmor vm3, vm2;
	v15 =	vadd.f32 v59, v57;
	v10 =	vadd.f32 v10, v6;
	[tilespmem:$0x1BA00] =	vst v63  }
0x2fe: {  	s26 =	sand.u32 $0x3FFFFF80, s31;
	vm0 =	vmor vm0, vm10;
	vm6 =	vlt.f32 v9, $0.0e+00;
	vm7 =	vgt.f32 v9, $0.0e+00  }
0x2ff: {  	[tilespmem:s26+$0x1A910] =	vst v11;
	v11 =	vadd.f32 v13, v7;
	vm0 =	vmor vm0, vm13;
	vm1 =	vmor vm7, vm6  }
0x300: {  	[tilespmem:s26+$0x1A900] =	vst v58;
	vm8 =	vlt.f32 v10, $0.0e+00;
	vm9 =	vgt.f32 v10, $0.0e+00;
	v62 =	vadd.f32 v15, v8  }
0x301: {  	s25 =	sadd.s32 $0x1, s25;
	[tilespmem:s26+$0x1A920] =	vst v60;
	vm0 =	vmor vm0, vm5;
	vm11 =	vlt.f32 v11, $0.0e+00;
	vm12 =	vgt.f32 v11, $0.0e+00  }
0x302: {  	p0 =	sne.s32 s25, $0x8;
	[tilespmem:s26+$0x1A930] =	vst v61;
	vm10 =	vmor vm9, vm8;
	vm0 =	vmor vm0, vm1;
	vm1 =	vmor vm12, vm11  }
.Ltmp4:
0x303: {  	[tilespmem:s26+$0x1A940] =	vst v9;
	vm13 =	vlt.f32 v62, $0.0e+00;
	vm14 =	vgt.f32 v62, $0.0e+00;
	vm0 =	vmor vm0, vm10;
	(pc) =	sbr.rel @p0 .LBB2_2-.Ltmp4, $4  }
0x304: {  	[tilespmem:s26+$0x1A950] =	vst v10;
	vm15 =	vmor vm14, vm13;
	vm0 =	vmor vm0, vm1  }
0x305: {  	[tilespmem:s26+$0x1A960] =	vst v11;
	vm0 =	vmor vm0, vm15  }
0x306: {  	[tilespmem:s26+$0x1A970] =	vst v62;
	v9 =	vsel vm0, $0x1, v0  }
0x307: {  	[tilespmem:v63+s19+$0x0] =	vst.idx.add.s32.msk $0xffff, v9  }
0x308: {  	[hbm4b:s6+s4] =	stream.linear.scatter [tilespmem:s23], [sflag:$0x5], $0x1000, $0x38;
	[tilespmem:$0x1BA00] =	vst v63  }
0x309: {  	s24 =	sadd.s32 $0x1, s24;
	_ =	swait.ge [sflag:s9], $0x1000  }
0x30a: {  	p0 =	sne.s32 s24, s8;
	[sflag:s9] =	ssyncset.done $0x0  }
.Ltmp5:
0x30b: {  	[sflag:s9] =	ssyncadd.s32 $0xFFFFF000;
	(pc) =	sbr.rel @p0 .LBB2_1-.Ltmp5, $4  }
0x30c: {  	[hbm4b:s7+s4] =	stream.linear.scatter [tilespmem:s19], [sflag:$0x5], $0x20, $0x38;
	[tilespmem:$0x1BA00] =	vst v63  }
0x30d: {  	_ =	swait.ge [sflag:s9], $0x20  }
0x30e: {  	[sflag:s9] =	ssyncset.done $0x0  }
0x30f: {  	[sflag:s9] =	ssyncadd.s32 $0xFFFFFFE0  }
0x310: {  	_ =	sfence.sel $0x180000  }
0x311: {  	[bflag:$0x0] =	sbarrier.arrive $0xFFFF  }
0x312: {  	_ =	strace $0x90000047  }
0x313: {  	[bflag:$0x2] =	sbarrier.arrive $0xFFFF  }
0x314: {  	p0 =	sne.s32 s0, $0x0;
	s0 =	rddreg [dreg:$0x5]  }
0x315: {  	s0 =	sadd.s32 @!p0 $0x100000, s0  }
0x316: {  	[sflag:s0] =	ssyncadd.tile.s32 @!p0 $0x1;
	_ =	shalt  }
.Lfunc_end2:
_tile_overlayer_lowered:
.L_overlay_start_2:
0x317: {  	(tag) =	ssettag $0x2  }
0x318: {  	s0 =	rddreg [dreg:$0x0];
	s2 =	stileid.u32  }
0x319: {  	s1 =	rddreg [dreg:$0x1];
	p0 =	sne.s32 s2, $0x0  }
0x31a: {  	s3 =	rddreg [dreg:$0x2];
	[bflag:$0x3] =	sbarrier.arrive $0xFFFF;
	s2 =	simm.s32 @!p0 $0x1C05  }
0x31b: {  	[timem:s3], [sflag:s2] =	dma.local @!p0 [hbm:s0], s1  }
0x31c: {  	s0 =	simm.s32 @!p0 $0x5  }
0x31d: {  	_ =	swait.ge @!p0 [sflag:s0], s1  }
0x31e: {  	s1 =	ssub.s32 @!p0 $0x0, s1;
	[sflag:s0] =	ssyncset.done @!p0 $0x0  }
0x31f: {  	[sflag:s0] =	ssyncadd.s32 @!p0 s1  }
0x320: {  	[bflag:$0x3] =	sbarrier.arrive $0xFFFF  }
0x321: {  	_ =	shalt  }

</sc_bundles>
